<compile_context>
chip_gen: v7x
topology: tpu7x:2x2x1
jax: 0.10.2.dev20260603
libtpu: 0.0.44.dev20260713+nightly
codegen_flags: <defaults>
</compile_context>

<pallas_src>
import functools

import jax
import jax.numpy as jnp
from jax import lax
from jax.experimental import pallas as pl
from jax.experimental.pallas import tpu as pltpu
from jax.experimental.pallas import tpu_sc as plsc

_N = 50000
_E = 800000
_NP = 51200
_RPT = _NP // 16
_NSS = 98
_EPT = _NSS * 512
_EP = 16 * _EPT
_BR = 2000
_NBLK = _N // _BR
_EPS = 1e-5

_mesh = plsc.VectorSubcoreMesh(core_axis_name="c", subcore_axis_name="s")
_sc_params = pltpu.CompilerParams(use_tc_tiling_on_sc=False)


def _make_agg(dc):
    out_t = [jax.ShapeDtypeStruct((_NP, dc), jnp.float32)] * 2
    scratch = [
        pltpu.VMEM((4, 256), jnp.int32),
        pltpu.VMEM((256, dc), jnp.float32),
        pltpu.VMEM((256, dc), jnp.float32),
        pltpu.VMEM_SHARED((_NP, dc), jnp.float32),
        pltpu.SemaphoreType.DMA,
        pltpu.SemaphoreType.DMA,
        pltpu.SemaphoreType.DMA,
        pltpu.SemaphoreType.DMA,
    ]

    @functools.partial(pl.kernel, out_type=out_t, mesh=_mesh,
                       scratch_types=scratch, compiler_params=_sc_params)
    def agg(u0, u1, ed3, zer, out0, out1, sdbuf, rowsA, rowsB, acc,
            isem, gsemA, gsemB, ssem):
        cid = lax.axis_index("c")
        tid = lax.axis_index("s")
        pltpu.sync_copy(zer, acc.at[pl.ds(tid * _RPT, _RPT), :])
        plsc.subcore_barrier()
        for c, (u, out) in enumerate(((u0, out0), (u1, out1))):
            @pl.when(cid == c)
            def _():
                def body(j, carry):
                    r = tid * _NSS + j
                    pltpu.async_copy(ed3.at[r], sdbuf, isem).wait()
                    gA = pltpu.async_copy(u.at[sdbuf.at[0]], rowsA, gsemA)
                    gB = pltpu.async_copy(u.at[sdbuf.at[1]], rowsB, gsemB)
                    gA.wait()
                    sA = pltpu.async_copy(rowsA, acc.at[sdbuf.at[2]], ssem,
                                          add=True)
                    gB.wait()
                    sB = pltpu.async_copy(rowsB, acc.at[sdbuf.at[3]], ssem,
                                          add=True)
                    sA.wait()
                    sB.wait()
                    return carry
                lax.fori_loop(0, _NSS, body, 0)
                plsc.subcore_barrier()
                pltpu.sync_copy(acc.at[pl.ds(tid * _RPT, _RPT), :],
                                out.at[pl.ds(tid * _RPT, _RPT), :])
        return None
    return agg


@functools.partial(
    pl.kernel,
    out_type=jax.ShapeDtypeStruct((_NP,), jnp.float32),
    mesh=_mesh,
    scratch_types=[
        pltpu.VMEM((4, 256), jnp.int32),
        pltpu.VMEM((256,), jnp.float32),
        pltpu.VMEM_SHARED((_NP,), jnp.float32),
        pltpu.SemaphoreType.DMA,
        pltpu.SemaphoreType.DMA,
    ],
    compiler_params=_sc_params)
def _deg_kernel(ed3, zer1, ones_h, dego, sdbuf, onesv, acc, isem, ssem):
    cid = lax.axis_index("c")
    tid = lax.axis_index("s")

    @pl.when(cid == 0)
    def _():
        pltpu.sync_copy(ones_h, onesv)
        pltpu.sync_copy(zer1, acc.at[pl.ds(tid * _RPT, _RPT)])
        plsc.subcore_barrier()

        def body(j, carry):
            r = tid * _NSS + j
            pltpu.async_copy(ed3.at[r], sdbuf, isem).wait()
            sA = pltpu.async_copy(onesv, acc.at[sdbuf.at[2]], ssem, add=True)
            sB = pltpu.async_copy(onesv, acc.at[sdbuf.at[3]], ssem, add=True)
            sA.wait()
            sB.wait()
            return carry
        lax.fori_loop(0, _NSS, body, 0)
        plsc.subcore_barrier()
        pltpu.sync_copy(acc.at[pl.ds(tid * _RPT, _RPT)],
                        dego.at[pl.ds(tid * _RPT, _RPT)])


_agg32 = _make_agg(32)
_agg16 = _make_agg(16)


def _row_spec(w):
    return pl.BlockSpec((_BR, w), lambda i: (i, 0))


def _const_spec(shape):
    return pl.BlockSpec(shape, lambda i: (0, 0))


def _tc_prep(deg2, x64, W1p):
    def body(deg_r, x_r, w_r, dv_r, ul_r, uh_r):
        dv = lax.rsqrt(deg_r[...] + 1.0)
        t = lax.dot_general(x_r[...], w_r[...], (((1,), (0,)), ((), ())),
                            preferred_element_type=jnp.float32)
        u = t * dv
        dv_r[...] = dv
        ul_r[...] = u[:, :32]
        uh_r[...] = u[:, 32:]
    return pl.pallas_call(
        body, grid=(_NBLK,),
        in_specs=[_row_spec(1), _row_spec(64), _const_spec(W1p.shape)],
        out_specs=[_row_spec(1), _row_spec(32), _row_spec(32)],
        out_shape=[jax.ShapeDtypeStruct((_N, 1), jnp.float32),
                   jax.ShapeDtypeStruct((_N, 32), jnp.float32),
                   jax.ShapeDtypeStruct((_N, 32), jnp.float32)],
    )(deg2, x64, W1p)


def _tc_layer(S0, S1, u0, u1, dinv, W, b1r):
    dh = S0.shape[1]
    dout = W.shape[1] if W is not None else 2 * dh

    def body(s0, s1, u0r, u1r, dv, *rest):
        if W is not None:
            w, bb, a_r, sm_r, sq_r = rest
        else:
            bb, a_r, sm_r, sq_r = rest
        i = pl.program_id(0)
        y = jnp.concatenate([s0[...] + u0r[...], s1[...] + u1r[...]],
                            axis=1) * dv[...]
        if W is not None:
            z = lax.dot_general(y, w[...], (((1,), (0,)), ((), ())),
                                preferred_element_type=jnp.float32,
                                precision=lax.Precision.HIGHEST)
        else:
            z = y
        a = jnp.maximum(z + bb[...], 0.0)
        a_r[...] = a

        @pl.when(i == 0)
        def _():
            sm_r[...] = jnp.zeros_like(sm_r)
            sq_r[...] = jnp.zeros_like(sq_r)
        sm_r[...] += jnp.sum(a, axis=0, keepdims=True)
        sq_r[...] += jnp.sum(a * a, axis=0, keepdims=True)

    in_specs = [_row_spec(dh), _row_spec(dh), _row_spec(dh), _row_spec(dh),
                _row_spec(1)]
    args = [S0, S1, u0, u1, dinv]
    if W is not None:
        in_specs.append(_const_spec(W.shape))
        args.append(W)
    in_specs.append(_const_spec((1, dout)))
    args.append(b1r)
    return pl.pallas_call(
        body, grid=(_NBLK,),
        in_specs=in_specs,
        out_specs=[_row_spec(dout), _const_spec((1, dout)),
                   _const_spec((1, dout))],
        out_shape=[jax.ShapeDtypeStruct((_N, dout), jnp.float32),
                   jax.ShapeDtypeStruct((1, dout), jnp.float32),
                   jax.ShapeDtypeStruct((1, dout), jnp.float32)],
    )(*args)


def _tc_bn_next(a, sm, sq, g1r, be1r, dinv, W):
    d = a.shape[1]
    dn = W.shape[1] if W is not None else d
    half = dn // 2

    def body(a_r, sm_r, sq_r, g_r, be_r, dv, *rest):
        if W is not None:
            w, ul_r, uh_r = rest
        else:
            ul_r, uh_r = rest
        mu = sm_r[...] / _N
        var = sq_r[...] / _N - mu * mu
        sc = g_r[...] * lax.rsqrt(var + _EPS)
        h = (a_r[...] - mu) * sc + be_r[...]
        if W is not None:
            t = lax.dot_general(h, w[...], (((1,), (0,)), ((), ())),
                                preferred_element_type=jnp.float32)
        else:
            t = h
        u = t * dv[...]
        ul_r[...] = u[:, :half]
        uh_r[...] = u[:, half:]

    in_specs = [_row_spec(d), _const_spec((1, d)), _const_spec((1, d)),
                _const_spec((1, d)), _const_spec((1, d)), _row_spec(1)]
    args = [a, sm, sq, g1r, be1r, dinv]
    if W is not None:
        in_specs.append(_const_spec(W.shape))
        args.append(W)
    return pl.pallas_call(
        body, grid=(_NBLK,),
        in_specs=in_specs,
        out_specs=[_row_spec(half), _row_spec(half)],
        out_shape=[jax.ShapeDtypeStruct((_N, half), jnp.float32),
                   jax.ShapeDtypeStruct((_N, half), jnp.float32)],
    )(*args)


def _tc_final(a, sm, sq, g1r, be1r, Wc, bc1r):
    d = a.shape[1]
    nc = Wc.shape[1]

    def body(a_r, sm_r, sq_r, g_r, be_r, w, bb, out_r, h_r):
        mu = sm_r[...] / _N
        var = sq_r[...] / _N - mu * mu
        sc = g_r[...] * lax.rsqrt(var + _EPS)
        h = (a_r[...] - mu) * sc + be_r[...]
        h_r[...] = h
        out_r[...] = lax.dot_general(h, w[...], (((1,), (0,)), ((), ())),
                                     preferred_element_type=jnp.float32) + bb[...]

    return pl.pallas_call(
        body, grid=(_NBLK,),
        in_specs=[_row_spec(d), _const_spec((1, d)), _const_spec((1, d)),
                  _const_spec((1, d)), _const_spec((1, d)),
                  _const_spec(Wc.shape), _const_spec((1, nc))],
        out_specs=[_row_spec(nc), _row_spec(d)],
        out_shape=[jax.ShapeDtypeStruct((_N, nc), jnp.float32),
                   jax.ShapeDtypeStruct((_N, d), jnp.float32)],
    )(a, sm, sq, g1r, be1r, Wc, bc1r)


def kernel(x, edge_index, W1, b1, W2, b2, W3, b3, W4, b4,
           g1, be1, g2, be2, g3, be3, g4, be4, Wc, bc):
    f32 = jnp.float32
    src = edge_index[0]
    dst = edge_index[1]
    pad = _EP - _E
    src_p = jnp.concatenate([src, jnp.zeros((pad,), src.dtype)]).reshape(-1, 2, 256)
    dst_p = jnp.concatenate([dst, jnp.full((pad,), _N, dst.dtype)]).reshape(-1, 2, 256)
    ed3 = jnp.concatenate([src_p, dst_p], axis=1)
    zer32 = jnp.zeros((_RPT, 32), f32)
    zer16 = jnp.zeros((_RPT, 16), f32)
    zer1 = jnp.zeros((_RPT,), f32)
    ones_h = jnp.ones((256,), f32)

    deg = _deg_kernel(ed3, zer1, ones_h)
    deg2 = deg[:_N].reshape(_N, 1)
    x64 = jnp.pad(x, ((0, 0), (0, 64 - x.shape[1])))
    W1p = jnp.pad(W1, ((0, 64 - W1.shape[0]), (0, 0)))
    dinv, u0, u1 = _tc_prep(deg2, x64, W1p)

    S0, S1 = _agg32(u0, u1, ed3, zer32)
    a1, sm1, sq1 = _tc_layer(S0, S1, u0, u1, dinv, None, b1.reshape(1, -1))
    u0, u1 = _tc_bn_next(a1, sm1, sq1, g1.reshape(1, -1), be1.reshape(1, -1),
                         dinv, None)
    S0, S1 = _agg32(u0, u1, ed3, zer32)
    a2, sm2, sq2 = _tc_layer(S0, S1, u0, u1, dinv, W2, b2.reshape(1, -1))
    u0, u1 = _tc_bn_next(a2, sm2, sq2, g2.reshape(1, -1), be2.reshape(1, -1),
                         dinv, W3)
    S0, S1 = _agg32(u0, u1, ed3, zer32)
    a3, sm3, sq3 = _tc_layer(S0, S1, u0, u1, dinv, None, b3.reshape(1, -1))
    u0, u1 = _tc_bn_next(a3, sm3, sq3, g3.reshape(1, -1), be3.reshape(1, -1),
                         dinv, W4)
    S0, S1 = _agg16(u0, u1, ed3, zer16)
    a4, sm4, sq4 = _tc_layer(S0, S1, u0, u1, dinv, None, b4.reshape(1, -1))
    out, h4 = _tc_final(a4, sm4, sq4, g4.reshape(1, -1), be4.reshape(1, -1),
                        Wc, bc.reshape(1, -1))
    return (out, h4)

# --- scband reference (transcript-rebuilt; emitter-appended) ---
"""Pipeline reference for scband-gcn-38766374814041 (READ-ONLY COPY).

The authoritative reference and input builder live on the scoring server;
editing this copy changes nothing except your own understanding.
"""

import jax, jax.numpy as jnp
import numpy as np

N = 50000
E = 800000
GENE_DIM = 39
NUM_CLASSES = 5


def _p(key, shape, scale):
    return jax.random.normal(key, shape, dtype=jnp.float32) * scale


def setup_inputs(seed: int = 0) -> dict:
    key = jax.random.key(seed)
    ks = jax.random.split(key, 16)
    x = jax.random.normal(ks[0], (N, GENE_DIM), dtype=jnp.float32)
    edge_index = jax.random.randint(ks[1], (2, E), 0, N, dtype=jnp.int32)
    inp = {"x": x, "edge_index": edge_index}
    # GCNConv weights (glorot-ish scaling) and biases
    inp["W1"] = _p(ks[2], (GENE_DIM, 64), 1.0 / np.sqrt(GENE_DIM))
    inp["b1"] = jnp.zeros((64,), jnp.float32)
    inp["W2"] = _p(ks[3], (64, 128), 1.0 / np.sqrt(64))
    inp["b2"] = jnp.zeros((128,), jnp.float32)
    inp["W3"] = _p(ks[4], (128, 64), 1.0 / np.sqrt(128))
    inp["b3"] = jnp.zeros((64,), jnp.float32)
    inp["W4"] = _p(ks[5], (64, 32), 1.0 / np.sqrt(64))
    inp["b4"] = jnp.zeros((32,), jnp.float32)
    # BatchNorm affine params (gamma=1, beta=0 at init)
    inp["g1"] = jnp.ones((64,), jnp.float32)
    inp["be1"] = jnp.zeros((64,), jnp.float32)
    inp["g2"] = jnp.ones((128,), jnp.float32)
    inp["be2"] = jnp.zeros((128,), jnp.float32)
    inp["g3"] = jnp.ones((64,), jnp.float32)
    inp["be3"] = jnp.zeros((64,), jnp.float32)
    inp["g4"] = jnp.ones((32,), jnp.float32)
    inp["be4"] = jnp.zeros((32,), jnp.float32)
    # classifier Linear(32, 5)
    inp["Wc"] = _p(ks[6], (32, NUM_CLASSES), 1.0 / np.sqrt(32))
    inp["bc"] = jnp.zeros((NUM_CLASSES,), jnp.float32)
    return inp


def gcn_conv(x, src, dst, W, b):
    # PyG GCNConv: add self-loops, symmetric normalization D^-1/2 (A+I) D^-1/2 X W + b
    num_nodes = x.shape[0]
    loop = jnp.arange(num_nodes, dtype=src.dtype)
    s = jnp.concatenate([src, loop])
    d = jnp.concatenate([dst, loop])
    deg = jnp.zeros((num_nodes,), x.dtype).at[d].add(1.0)
    dinv = jnp.where(deg > 0, 1.0 / jnp.sqrt(deg), 0.0)
    norm = dinv[s] * dinv[d]
    h = x @ W
    out = jnp.zeros((num_nodes, W.shape[1]), x.dtype).at[d].add(h[s] * norm[:, None])
    return out + b


def batch_norm(x, gamma, beta, eps=1e-5):
    # BatchNorm1d in training mode: batch statistics, biased variance
    mu = jnp.mean(x, axis=0)
    var = jnp.var(x, axis=0)
    return (x - mu) * jax.lax.rsqrt(var + eps) * gamma + beta


def reference(x, edge_index, W1, b1, W2, b2, W3, b3, W4, b4, g1, be1, g2, be2, g3, be3, g4, be4, Wc, bc):
    src, dst = edge_index[0], edge_index[1]
    h = batch_norm(jax.nn.relu(gcn_conv(x, src, dst, W1, b1)), g1, be1)
    h = batch_norm(jax.nn.relu(gcn_conv(h, src, dst, W2, b2)), g2, be2)
    h = batch_norm(jax.nn.relu(gcn_conv(h, src, dst, W3, b3)), g3, be3)
    h = batch_norm(jax.nn.relu(gcn_conv(h, src, dst, W4, b4)), g4, be4)
    out = h @ Wc + bc
    return (out, h)

if __name__ == "__main__":
    import jax
    _d = setup_inputs()
    print(jax.jit(kernel)(*tuple(_d.values())))

</pallas_src>

<mosaic_0001>
#map = affine_map<(d0, d1) -> (0, 0, 0)>
#map1 = affine_map<(d0, d1) -> (0)>
module attributes {stable_mosaic.version = 14 : i64} {
  func.func @_deg_kernel(%arg0: i32, %arg1: i32, %arg2: memref<1568x4x256xi32, #tpu.memory_space<hbm>>, %arg3: memref<3200xf32, #tpu.memory_space<hbm>>, %arg4: memref<256xf32, #tpu.memory_space<hbm>>, %arg5: memref<51200xf32, #tpu.memory_space<hbm>>, %arg6: memref<4x256xi32, #tpu.memory_space<vmem>>, %arg7: memref<256xf32, #tpu.memory_space<vmem>>, %arg8: memref<51200xf32, #tpu.memory_space<vmem_shared>>, %arg9: memref<!tpu.dma_semaphore, #tpu.memory_space<semaphore_mem>>, %arg10: memref<!tpu.dma_semaphore, #tpu.memory_space<semaphore_mem>>) attributes {dimension_semantics = [#tpu.dimension_semantics<core_parallel>, #tpu.dimension_semantics<subcore_parallel>], iteration_bounds = array<i64: 2, 16>, scalar_prefetch = 0 : i64, scratch_operands = 5 : i64, tpu.core_type = #tpu.core_type<sc_vector_subcore>, window_params = [{transform_indices = #map}, {transform_indices = #map1}, {transform_indices = #map1}, {transform_indices = #map1}]} {
    %eq3A = arith.constant 0 : i32
    %eq3A_0 = arith.cmpi eq, %arg0, %eq3A : i32
    %convert_element_type3A = arith.extui %eq3A_0 : i1 to i32
    %cond3A = arith.constant 0 : i32
    %cond3A_1 = arith.cmpi ne, %convert_element_type3A, %cond3A : i32
    scf.if %cond3A_1 {
      "tpu.region"() ({
        %run_scoped3A = tpu.sem_alloc : memref<!tpu.dma_semaphore, #tpu.memory_space<semaphore_mem>>
        tpu.enqueue_dma source(%arg4 : memref<256xf32, #tpu.memory_space<hbm>>) target(%arg7 : memref<256xf32, #tpu.memory_space<vmem>>) target_semaphore(%run_scoped3A : memref<!tpu.dma_semaphore, #tpu.memory_space<semaphore_mem>>)
        tpu.wait_dma2 semaphore(%run_scoped3A : memref<!tpu.dma_semaphore, #tpu.memory_space<semaphore_mem>>) src(%arg4 : memref<256xf32, #tpu.memory_space<hbm>>) dst(%arg7 : memref<256xf32, #tpu.memory_space<vmem>>)
        tpu.yield
      }) : () -> ()
      %mul3A = arith.constant 3200 : i32
      %mul3A_2 = arith.muli %arg1, %mul3A : i32
      "tpu.region"() ({
        %run_scoped3A = tpu.sem_alloc : memref<!tpu.dma_semaphore, #tpu.memory_space<semaphore_mem>>
        %dma_start3A = tpu.memref_slice %arg8[%mul3A_2] : memref<51200xf32, #tpu.memory_space<vmem_shared>> -> memref<3200xf32, #tpu.memory_space<vmem_shared>>
        tpu.enqueue_dma source(%arg3 : memref<3200xf32, #tpu.memory_space<hbm>>) target(%dma_start3A : memref<3200xf32, #tpu.memory_space<vmem_shared>>) target_semaphore(%run_scoped3A : memref<!tpu.dma_semaphore, #tpu.memory_space<semaphore_mem>>)
        %dma_wait3A = tpu.memref_slice %arg8[%mul3A_2] : memref<51200xf32, #tpu.memory_space<vmem_shared>> -> memref<3200xf32, #tpu.memory_space<vmem_shared>>
        tpu.wait_dma2 semaphore(%run_scoped3A : memref<!tpu.dma_semaphore, #tpu.memory_space<semaphore_mem>>) src(%arg3 : memref<3200xf32, #tpu.memory_space<hbm>>) dst(%dma_wait3A : memref<3200xf32, #tpu.memory_space<vmem_shared>>)
        tpu.yield
      }) : () -> ()
      %barrier3A = arith.constant 0 : index
      tpu.barrier barrier_id(%barrier3A)
      %scan3A = arith.constant 0 : i32
      %scan3A_3 = arith.constant 0 : i32
      %scan3A_4 = arith.constant 98 : i32
      %scan3A_5 = arith.addi %scan3A_3, %scan3A_4 : i32
      %scan3A_6 = arith.constant 1 : i32
      scf.for %scan3A_13 = %scan3A_3 to %scan3A_5 step %scan3A_6  : i32 {
        %mul3A_14 = arith.constant 98 : i32
        %mul3A_15 = arith.muli %arg1, %mul3A_14 : i32
        %add3A = arith.addi %mul3A_15, %scan3A_13 : i32
        %dma_start3A = arith.constant 0 : i32
        %dma_start3A_16 = arith.constant 0 : i32
        %dma_start3A_17 = tpu.memref_slice %arg2[%add3A, %dma_start3A, %dma_start3A_16] : memref<1568x4x256xi32, #tpu.memory_space<hbm>> -> memref<1x4x256xi32, #tpu.memory_space<hbm>>
        %dma_start3A_18 = tpu.memref_squeeze %dma_start3A_17 : memref<1x4x256xi32, #tpu.memory_space<hbm>> -> memref<4x256xi32, #tpu.memory_space<hbm>>
        %dma_start3A_19 = arith.constant 0 : i32
        %dma_start3A_20 = arith.constant 0 : i32
        %dma_start3A_21 = tpu.memref_slice %arg2[%add3A, %dma_start3A_19, %dma_start3A_20] : memref<1568x4x256xi32, #tpu.memory_space<hbm>> -> memref<1x4x256xi32, #tpu.memory_space<hbm>>
        %dma_start3A_22 = tpu.memref_squeeze %dma_start3A_21 : memref<1x4x256xi32, #tpu.memory_space<hbm>> -> memref<4x256xi32, #tpu.memory_space<hbm>>
        tpu.enqueue_dma source(%dma_start3A_22 : memref<4x256xi32, #tpu.memory_space<hbm>>) target(%arg6 : memref<4x256xi32, #tpu.memory_space<vmem>>) target_semaphore(%arg9 : memref<!tpu.dma_semaphore, #tpu.memory_space<semaphore_mem>>)
        %dma_wait3A = arith.constant 0 : i32
        %dma_wait3A_23 = arith.constant 0 : i32
        %dma_wait3A_24 = tpu.memref_slice %arg2[%add3A, %dma_wait3A, %dma_wait3A_23] : memref<1568x4x256xi32, #tpu.memory_space<hbm>> -> memref<1x4x256xi32, #tpu.memory_space<hbm>>
        %dma_wait3A_25 = tpu.memref_squeeze %dma_wait3A_24 : memref<1x4x256xi32, #tpu.memory_space<hbm>> -> memref<4x256xi32, #tpu.memory_space<hbm>>
        %dma_wait3A_26 = arith.constant 0 : i32
        %dma_wait3A_27 = arith.constant 0 : i32
        %dma_wait3A_28 = tpu.memref_slice %arg2[%add3A, %dma_wait3A_26, %dma_wait3A_27] : memref<1568x4x256xi32, #tpu.memory_space<hbm>> -> memref<1x4x256xi32, #tpu.memory_space<hbm>>
        %dma_wait3A_29 = tpu.memref_squeeze %dma_wait3A_28 : memref<1x4x256xi32, #tpu.memory_space<hbm>> -> memref<4x256xi32, #tpu.memory_space<hbm>>
        tpu.wait_dma2 semaphore(%arg9 : memref<!tpu.dma_semaphore, #tpu.memory_space<semaphore_mem>>) src(%dma_wait3A_29 : memref<4x256xi32, #tpu.memory_space<hbm>>) dst(%arg6 : memref<4x256xi32, #tpu.memory_space<vmem>>)
        %dma_start3A_30 = arith.constant 2 : i32
        %dma_start3A_31 = arith.constant 0 : i32
        %dma_start3A_32 = tpu.memref_slice %arg6[%dma_start3A_30, %dma_start3A_31] : memref<4x256xi32, #tpu.memory_space<vmem>> -> memref<1x256xi32, #tpu.memory_space<vmem>>
        %dma_start3A_33 = tpu.memref_squeeze %dma_start3A_32 : memref<1x256xi32, #tpu.memory_space<vmem>> -> memref<256xi32, #tpu.memory_space<vmem>>
        %dma_start3A_34 = arith.constant 0 : i32
        %dma_start3A_35 = tpu.memref_slice %arg8[%dma_start3A_34] : memref<51200xf32, #tpu.memory_space<vmem_shared>> -> memref<51200xf32, #tpu.memory_space<vmem_shared>>
        tpu.enqueue_indirect_dma source(%arg7 : memref<256xf32, #tpu.memory_space<vmem>>) target(%dma_start3A_35 : memref<51200xf32, #tpu.memory_space<vmem_shared>>) offsets(%dma_start3A_33 : memref<256xi32, #tpu.memory_space<vmem>>) semaphore(%arg10 : memref<!tpu.dma_semaphore, #tpu.memory_space<semaphore_mem>>) {add = true}
        %dma_start3A_36 = arith.constant 3 : i32
        %dma_start3A_37 = arith.constant 0 : i32
        %dma_start3A_38 = tpu.memref_slice %arg6[%dma_start3A_36, %dma_start3A_37] : memref<4x256xi32, #tpu.memory_space<vmem>> -> memref<1x256xi32, #tpu.memory_space<vmem>>
        %dma_start3A_39 = tpu.memref_squeeze %dma_start3A_38 : memref<1x256xi32, #tpu.memory_space<vmem>> -> memref<256xi32, #tpu.memory_space<vmem>>
        %dma_start3A_40 = arith.constant 0 : i32
        %dma_start3A_41 = tpu.memref_slice %arg8[%dma_start3A_40] : memref<51200xf32, #tpu.memory_space<vmem_shared>> -> memref<51200xf32, #tpu.memory_space<vmem_shared>>
        tpu.enqueue_indirect_dma source(%arg7 : memref<256xf32, #tpu.memory_space<vmem>>) target(%dma_start3A_41 : memref<51200xf32, #tpu.memory_space<vmem_shared>>) offsets(%dma_start3A_39 : memref<256xi32, #tpu.memory_space<vmem>>) semaphore(%arg10 : memref<!tpu.dma_semaphore, #tpu.memory_space<semaphore_mem>>) {add = true}
        %dma_wait3A_42 = arith.constant 2 : i32
        %dma_wait3A_43 = arith.constant 0 : i32
        %dma_wait3A_44 = tpu.memref_slice %arg6[%dma_wait3A_42, %dma_wait3A_43] : memref<4x256xi32, #tpu.memory_space<vmem>> -> memref<1x256xi32, #tpu.memory_space<vmem>>
        %dma_wait3A_45 = tpu.memref_squeeze %dma_wait3A_44 : memref<1x256xi32, #tpu.memory_space<vmem>> -> memref<256xi32, #tpu.memory_space<vmem>>
        %dma_wait3A_46 = arith.constant 0 : i32
        %dma_wait3A_47 = tpu.memref_slice %arg8[%dma_wait3A_46] : memref<51200xf32, #tpu.memory_space<vmem_shared>> -> memref<51200xf32, #tpu.memory_space<vmem_shared>>
        tpu.wait_indirect_dma semaphore(%arg10 : memref<!tpu.dma_semaphore, #tpu.memory_space<semaphore_mem>>) src(%arg7 : memref<256xf32, #tpu.memory_space<vmem>>) dst(%dma_wait3A_47 : memref<51200xf32, #tpu.memory_space<vmem_shared>>)
        %dma_wait3A_48 = arith.constant 3 : i32
        %dma_wait3A_49 = arith.constant 0 : i32
        %dma_wait3A_50 = tpu.memref_slice %arg6[%dma_wait3A_48, %dma_wait3A_49] : memref<4x256xi32, #tpu.memory_space<vmem>> -> memref<1x256xi32, #tpu.memory_space<vmem>>
        %dma_wait3A_51 = tpu.memref_squeeze %dma_wait3A_50 : memref<1x256xi32, #tpu.memory_space<vmem>> -> memref<256xi32, #tpu.memory_space<vmem>>
        %dma_wait3A_52 = arith.constant 0 : i32
        %dma_wait3A_53 = tpu.memref_slice %arg8[%dma_wait3A_52] : memref<51200xf32, #tpu.memory_space<vmem_shared>> -> memref<51200xf32, #tpu.memory_space<vmem_shared>>
        tpu.wait_indirect_dma semaphore(%arg10 : memref<!tpu.dma_semaphore, #tpu.memory_space<semaphore_mem>>) src(%arg7 : memref<256xf32, #tpu.memory_space<vmem>>) dst(%dma_wait3A_53 : memref<51200xf32, #tpu.memory_space<vmem_shared>>)
      }
      %scan3A_7 = arith.constant 98 : i32
      %barrier3A_8 = arith.constant 0 : index
      tpu.barrier barrier_id(%barrier3A_8)
      %mul3A_9 = arith.constant 3200 : i32
      %mul3A_10 = arith.muli %arg1, %mul3A_9 : i32
      %mul3A_11 = arith.constant 3200 : i32
      %mul3A_12 = arith.muli %arg1, %mul3A_11 : i32
      "tpu.region"() ({
        %run_scoped3A = tpu.sem_alloc : memref<!tpu.dma_semaphore, #tpu.memory_space<semaphore_mem>>
        %dma_start3A = tpu.memref_slice %arg5[%mul3A_12] : memref<51200xf32, #tpu.memory_space<hbm>> -> memref<3200xf32, #tpu.memory_space<hbm>>
        %dma_start3A_13 = tpu.memref_slice %arg8[%mul3A_10] : memref<51200xf32, #tpu.memory_space<vmem_shared>> -> memref<3200xf32, #tpu.memory_space<vmem_shared>>
        tpu.enqueue_dma source(%dma_start3A_13 : memref<3200xf32, #tpu.memory_space<vmem_shared>>) target(%dma_start3A : memref<3200xf32, #tpu.memory_space<hbm>>) target_semaphore(%run_scoped3A : memref<!tpu.dma_semaphore, #tpu.memory_space<semaphore_mem>>)
        %dma_wait3A = tpu.memref_slice %arg5[%mul3A_12] : memref<51200xf32, #tpu.memory_space<hbm>> -> memref<3200xf32, #tpu.memory_space<hbm>>
        %dma_wait3A_14 = tpu.memref_slice %arg8[%mul3A_10] : memref<51200xf32, #tpu.memory_space<vmem_shared>> -> memref<3200xf32, #tpu.memory_space<vmem_shared>>
        tpu.wait_dma2 semaphore(%run_scoped3A : memref<!tpu.dma_semaphore, #tpu.memory_space<semaphore_mem>>) src(%dma_wait3A_14 : memref<3200xf32, #tpu.memory_space<vmem_shared>>) dst(%dma_wait3A : memref<3200xf32, #tpu.memory_space<hbm>>)
        tpu.yield
      }) : () -> ()
    } else {
    }
    return
  }
}

#map = affine_map<(d0, d1) -> (0, 0)>
#map1 = affine_map<(d0, d1) -> (0, 0, 0)>
module attributes {stable_mosaic.version = 14 : i64} {
  func.func @agg(%arg0: i32, %arg1: i32, %arg2: memref<50000x32xf32, #tpu.memory_space<hbm>>, %arg3: memref<50000x32xf32, #tpu.memory_space<hbm>>, %arg4: memref<1568x4x256xi32, #tpu.memory_space<hbm>>, %arg5: memref<3200x32xf32, #tpu.memory_space<hbm>>, %arg6: memref<51200x32xf32, #tpu.memory_space<hbm>>, %arg7: memref<51200x32xf32, #tpu.memory_space<hbm>>, %arg8: memref<4x256xi32, #tpu.memory_space<vmem>>, %arg9: memref<256x32xf32, #tpu.memory_space<vmem>>, %arg10: memref<256x32xf32, #tpu.memory_space<vmem>>, %arg11: memref<51200x32xf32, #tpu.memory_space<vmem_shared>>, %arg12: memref<!tpu.dma_semaphore, #tpu.memory_space<semaphore_mem>>, %arg13: memref<!tpu.dma_semaphore, #tpu.memory_space<semaphore_mem>>, %arg14: memref<!tpu.dma_semaphore, #tpu.memory_space<semaphore_mem>>, %arg15: memref<!tpu.dma_semaphore, #tpu.memory_space<semaphore_mem>>) attributes {dimension_semantics = [#tpu.dimension_semantics<core_parallel>, #tpu.dimension_semantics<subcore_parallel>], iteration_bounds = array<i64: 2, 16>, scalar_prefetch = 0 : i64, scratch_operands = 8 : i64, tpu.core_type = #tpu.core_type<sc_vector_subcore>, window_params = [{transform_indices = #map}, {transform_indices = #map}, {transform_indices = #map1}, {transform_indices = #map}, {transform_indices = #map}, {transform_indices = #map}]} {
    %mul3A = arith.constant 3200 : i32
    %mul3A_0 = arith.muli %arg1, %mul3A : i32
    "tpu.region"() ({
      %run_scoped3A = tpu.sem_alloc : memref<!tpu.dma_semaphore, #tpu.memory_space<semaphore_mem>>
      %dma_start3A = arith.constant 0 : i32
      %dma_start3A_8 = tpu.memref_slice %arg11[%mul3A_0, %dma_start3A] : memref<51200x32xf32, #tpu.memory_space<vmem_shared>> -> memref<3200x32xf32, #tpu.memory_space<vmem_shared>>
      tpu.enqueue_dma source(%arg5 : memref<3200x32xf32, #tpu.memory_space<hbm>>) target(%dma_start3A_8 : memref<3200x32xf32, #tpu.memory_space<vmem_shared>>) target_semaphore(%run_scoped3A : memref<!tpu.dma_semaphore, #tpu.memory_space<semaphore_mem>>)
      %dma_wait3A = arith.constant 0 : i32
      %dma_wait3A_9 = tpu.memref_slice %arg11[%mul3A_0, %dma_wait3A] : memref<51200x32xf32, #tpu.memory_space<vmem_shared>> -> memref<3200x32xf32, #tpu.memory_space<vmem_shared>>
      tpu.wait_dma2 semaphore(%run_scoped3A : memref<!tpu.dma_semaphore, #tpu.memory_space<semaphore_mem>>) src(%arg5 : memref<3200x32xf32, #tpu.memory_space<hbm>>) dst(%dma_wait3A_9 : memref<3200x32xf32, #tpu.memory_space<vmem_shared>>)
      tpu.yield
    }) : () -> ()
    %barrier3A = arith.constant 0 : index
    tpu.barrier barrier_id(%barrier3A)
    %eq3A = arith.constant 0 : i32
    %eq3A_1 = arith.cmpi eq, %arg0, %eq3A : i32
    %convert_element_type3A = arith.extui %eq3A_1 : i1 to i32
    %cond3A = arith.constant 0 : i32
    %cond3A_2 = arith.cmpi ne, %convert_element_type3A, %cond3A : i32
    scf.if %cond3A_2 {
      %scan3A = arith.constant 0 : i32
      %scan3A_8 = arith.constant 0 : i32
      %scan3A_9 = arith.constant 98 : i32
      %scan3A_10 = arith.addi %scan3A_8, %scan3A_9 : i32
      %scan3A_11 = arith.constant 1 : i32
      scf.for %scan3A_18 = %scan3A_8 to %scan3A_10 step %scan3A_11  : i32 {
        %mul3A_19 = arith.constant 98 : i32
        %mul3A_20 = arith.muli %arg1, %mul3A_19 : i32
        %add3A = arith.addi %mul3A_20, %scan3A_18 : i32
        %dma_start3A = arith.constant 0 : i32
        %dma_start3A_21 = arith.constant 0 : i32
        %dma_start3A_22 = tpu.memref_slice %arg4[%add3A, %dma_start3A, %dma_start3A_21] : memref<1568x4x256xi32, #tpu.memory_space<hbm>> -> memref<1x4x256xi32, #tpu.memory_space<hbm>>
        %dma_start3A_23 = tpu.memref_squeeze %dma_start3A_22 : memref<1x4x256xi32, #tpu.memory_space<hbm>> -> memref<4x256xi32, #tpu.memory_space<hbm>>
        %dma_start3A_24 = arith.constant 0 : i32
        %dma_start3A_25 = arith.constant 0 : i32
        %dma_start3A_26 = tpu.memref_slice %arg4[%add3A, %dma_start3A_24, %dma_start3A_25] : memref<1568x4x256xi32, #tpu.memory_space<hbm>> -> memref<1x4x256xi32, #tpu.memory_space<hbm>>
        %dma_start3A_27 = tpu.memref_squeeze %dma_start3A_26 : memref<1x4x256xi32, #tpu.memory_space<hbm>> -> memref<4x256xi32, #tpu.memory_space<hbm>>
        tpu.enqueue_dma source(%dma_start3A_27 : memref<4x256xi32, #tpu.memory_space<hbm>>) target(%arg8 : memref<4x256xi32, #tpu.memory_space<vmem>>) target_semaphore(%arg12 : memref<!tpu.dma_semaphore, #tpu.memory_space<semaphore_mem>>)
        %dma_wait3A = arith.constant 0 : i32
        %dma_wait3A_28 = arith.constant 0 : i32
        %dma_wait3A_29 = tpu.memref_slice %arg4[%add3A, %dma_wait3A, %dma_wait3A_28] : memref<1568x4x256xi32, #tpu.memory_space<hbm>> -> memref<1x4x256xi32, #tpu.memory_space<hbm>>
        %dma_wait3A_30 = tpu.memref_squeeze %dma_wait3A_29 : memref<1x4x256xi32, #tpu.memory_space<hbm>> -> memref<4x256xi32, #tpu.memory_space<hbm>>
        %dma_wait3A_31 = arith.constant 0 : i32
        %dma_wait3A_32 = arith.constant 0 : i32
        %dma_wait3A_33 = tpu.memref_slice %arg4[%add3A, %dma_wait3A_31, %dma_wait3A_32] : memref<1568x4x256xi32, #tpu.memory_space<hbm>> -> memref<1x4x256xi32, #tpu.memory_space<hbm>>
        %dma_wait3A_34 = tpu.memref_squeeze %dma_wait3A_33 : memref<1x4x256xi32, #tpu.memory_space<hbm>> -> memref<4x256xi32, #tpu.memory_space<hbm>>
        tpu.wait_dma2 semaphore(%arg12 : memref<!tpu.dma_semaphore, #tpu.memory_space<semaphore_mem>>) src(%dma_wait3A_34 : memref<4x256xi32, #tpu.memory_space<hbm>>) dst(%arg8 : memref<4x256xi32, #tpu.memory_space<vmem>>)
        %dma_start3A_35 = arith.constant 0 : i32
        %dma_start3A_36 = arith.constant 0 : i32
        %dma_start3A_37 = tpu.memref_slice %arg8[%dma_start3A_35, %dma_start3A_36] : memref<4x256xi32, #tpu.memory_space<vmem>> -> memref<1x256xi32, #tpu.memory_space<vmem>>
        %dma_start3A_38 = tpu.memref_squeeze %dma_start3A_37 : memref<1x256xi32, #tpu.memory_space<vmem>> -> memref<256xi32, #tpu.memory_space<vmem>>
        %dma_start3A_39 = arith.constant 0 : i32
        %dma_start3A_40 = arith.constant 0 : i32
        %dma_start3A_41 = tpu.memref_slice %arg2[%dma_start3A_39, %dma_start3A_40] : memref<50000x32xf32, #tpu.memory_space<hbm>> -> memref<50000x32xf32, #tpu.memory_space<hbm>>
        tpu.enqueue_indirect_dma source(%dma_start3A_41 : memref<50000x32xf32, #tpu.memory_space<hbm>>) target(%arg9 : memref<256x32xf32, #tpu.memory_space<vmem>>) offsets(%dma_start3A_38 : memref<256xi32, #tpu.memory_space<vmem>>) semaphore(%arg13 : memref<!tpu.dma_semaphore, #tpu.memory_space<semaphore_mem>>)
        %dma_start3A_42 = arith.constant 1 : i32
        %dma_start3A_43 = arith.constant 0 : i32
        %dma_start3A_44 = tpu.memref_slice %arg8[%dma_start3A_42, %dma_start3A_43] : memref<4x256xi32, #tpu.memory_space<vmem>> -> memref<1x256xi32, #tpu.memory_space<vmem>>
        %dma_start3A_45 = tpu.memref_squeeze %dma_start3A_44 : memref<1x256xi32, #tpu.memory_space<vmem>> -> memref<256xi32, #tpu.memory_space<vmem>>
        %dma_start3A_46 = arith.constant 0 : i32
        %dma_start3A_47 = arith.constant 0 : i32
        %dma_start3A_48 = tpu.memref_slice %arg2[%dma_start3A_46, %dma_start3A_47] : memref<50000x32xf32, #tpu.memory_space<hbm>> -> memref<50000x32xf32, #tpu.memory_space<hbm>>
        tpu.enqueue_indirect_dma source(%dma_start3A_48 : memref<50000x32xf32, #tpu.memory_space<hbm>>) target(%arg10 : memref<256x32xf32, #tpu.memory_space<vmem>>) offsets(%dma_start3A_45 : memref<256xi32, #tpu.memory_space<vmem>>) semaphore(%arg14 : memref<!tpu.dma_semaphore, #tpu.memory_space<semaphore_mem>>)
        %dma_wait3A_49 = arith.constant 0 : i32
        %dma_wait3A_50 = arith.constant 0 : i32
        %dma_wait3A_51 = tpu.memref_slice %arg8[%dma_wait3A_49, %dma_wait3A_50] : memref<4x256xi32, #tpu.memory_space<vmem>> -> memref<1x256xi32, #tpu.memory_space<vmem>>
        %dma_wait3A_52 = tpu.memref_squeeze %dma_wait3A_51 : memref<1x256xi32, #tpu.memory_space<vmem>> -> memref<256xi32, #tpu.memory_space<vmem>>
        %dma_wait3A_53 = arith.constant 0 : i32
        %dma_wait3A_54 = arith.constant 0 : i32
        %dma_wait3A_55 = tpu.memref_slice %arg2[%dma_wait3A_53, %dma_wait3A_54] : memref<50000x32xf32, #tpu.memory_space<hbm>> -> memref<50000x32xf32, #tpu.memory_space<hbm>>
        tpu.wait_indirect_dma semaphore(%arg13 : memref<!tpu.dma_semaphore, #tpu.memory_space<semaphore_mem>>) src(%dma_wait3A_55 : memref<50000x32xf32, #tpu.memory_space<hbm>>) dst(%arg9 : memref<256x32xf32, #tpu.memory_space<vmem>>)
        %dma_start3A_56 = arith.constant 2 : i32
        %dma_start3A_57 = arith.constant 0 : i32
        %dma_start3A_58 = tpu.memref_slice %arg8[%dma_start3A_56, %dma_start3A_57] : memref<4x256xi32, #tpu.memory_space<vmem>> -> memref<1x256xi32, #tpu.memory_space<vmem>>
        %dma_start3A_59 = tpu.memref_squeeze %dma_start3A_58 : memref<1x256xi32, #tpu.memory_space<vmem>> -> memref<256xi32, #tpu.memory_space<vmem>>
        %dma_start3A_60 = arith.constant 0 : i32
        %dma_start3A_61 = arith.constant 0 : i32
        %dma_start3A_62 = tpu.memref_slice %arg11[%dma_start3A_60, %dma_start3A_61] : memref<51200x32xf32, #tpu.memory_space<vmem_shared>> -> memref<51200x32xf32, #tpu.memory_space<vmem_shared>>
        tpu.enqueue_indirect_dma source(%arg9 : memref<256x32xf32, #tpu.memory_space<vmem>>) target(%dma_start3A_62 : memref<51200x32xf32, #tpu.memory_space<vmem_shared>>) offsets(%dma_start3A_59 : memref<256xi32, #tpu.memory_space<vmem>>) semaphore(%arg15 : memref<!tpu.dma_semaphore, #tpu.memory_space<semaphore_mem>>) {add = true}
        %dma_wait3A_63 = arith.constant 1 : i32
        %dma_wait3A_64 = arith.constant 0 : i32
        %dma_wait3A_65 = tpu.memref_slice %arg8[%dma_wait3A_63, %dma_wait3A_64] : memref<4x256xi32, #tpu.memory_space<vmem>> -> memref<1x256xi32, #tpu.memory_space<vmem>>
        %dma_wait3A_66 = tpu.memref_squeeze %dma_wait3A_65 : memref<1x256xi32, #tpu.memory_space<vmem>> -> memref<256xi32, #tpu.memory_space<vmem>>
        %dma_wait3A_67 = arith.constant 0 : i32
        %dma_wait3A_68 = arith.constant 0 : i32
        %dma_wait3A_69 = tpu.memref_slice %arg2[%dma_wait3A_67, %dma_wait3A_68] : memref<50000x32xf32, #tpu.memory_space<hbm>> -> memref<50000x32xf32, #tpu.memory_space<hbm>>
        tpu.wait_indirect_dma semaphore(%arg14 : memref<!tpu.dma_semaphore, #tpu.memory_space<semaphore_mem>>) src(%dma_wait3A_69 : memref<50000x32xf32, #tpu.memory_space<hbm>>) dst(%arg10 : memref<256x32xf32, #tpu.memory_space<vmem>>)
        %dma_start3A_70 = arith.constant 3 : i32
        %dma_start3A_71 = arith.constant 0 : i32
        %dma_start3A_72 = tpu.memref_slice %arg8[%dma_start3A_70, %dma_start3A_71] : memref<4x256xi32, #tpu.memory_space<vmem>> -> memref<1x256xi32, #tpu.memory_space<vmem>>
        %dma_start3A_73 = tpu.memref_squeeze %dma_start3A_72 : memref<1x256xi32, #tpu.memory_space<vmem>> -> memref<256xi32, #tpu.memory_space<vmem>>
        %dma_start3A_74 = arith.constant 0 : i32
        %dma_start3A_75 = arith.constant 0 : i32
        %dma_start3A_76 = tpu.memref_slice %arg11[%dma_start3A_74, %dma_start3A_75] : memref<51200x32xf32, #tpu.memory_space<vmem_shared>> -> memref<51200x32xf32, #tpu.memory_space<vmem_shared>>
        tpu.enqueue_indirect_dma source(%arg10 : memref<256x32xf32, #tpu.memory_space<vmem>>) target(%dma_start3A_76 : memref<51200x32xf32, #tpu.memory_space<vmem_shared>>) offsets(%dma_start3A_73 : memref<256xi32, #tpu.memory_space<vmem>>) semaphore(%arg15 : memref<!tpu.dma_semaphore, #tpu.memory_space<semaphore_mem>>) {add = true}
        %dma_wait3A_77 = arith.constant 2 : i32
        %dma_wait3A_78 = arith.constant 0 : i32
        %dma_wait3A_79 = tpu.memref_slice %arg8[%dma_wait3A_77, %dma_wait3A_78] : memref<4x256xi32, #tpu.memory_space<vmem>> -> memref<1x256xi32, #tpu.memory_space<vmem>>
        %dma_wait3A_80 = tpu.memref_squeeze %dma_wait3A_79 : memref<1x256xi32, #tpu.memory_space<vmem>> -> memref<256xi32, #tpu.memory_space<vmem>>
        %dma_wait3A_81 = arith.constant 0 : i32
        %dma_wait3A_82 = arith.constant 0 : i32
        %dma_wait3A_83 = tpu.memref_slice %arg11[%dma_wait3A_81, %dma_wait3A_82] : memref<51200x32xf32, #tpu.memory_space<vmem_shared>> -> memref<51200x32xf32, #tpu.memory_space<vmem_shared>>
        tpu.wait_indirect_dma semaphore(%arg15 : memref<!tpu.dma_semaphore, #tpu.memory_space<semaphore_mem>>) src(%arg9 : memref<256x32xf32, #tpu.memory_space<vmem>>) dst(%dma_wait3A_83 : memref<51200x32xf32, #tpu.memory_space<vmem_shared>>)
        %dma_wait3A_84 = arith.constant 3 : i32
        %dma_wait3A_85 = arith.constant 0 : i32
        %dma_wait3A_86 = tpu.memref_slice %arg8[%dma_wait3A_84, %dma_wait3A_85] : memref<4x256xi32, #tpu.memory_space<vmem>> -> memref<1x256xi32, #tpu.memory_space<vmem>>
        %dma_wait3A_87 = tpu.memref_squeeze %dma_wait3A_86 : memref<1x256xi32, #tpu.memory_space<vmem>> -> memref<256xi32, #tpu.memory_space<vmem>>
        %dma_wait3A_88 = arith.constant 0 : i32
        %dma_wait3A_89 = arith.constant 0 : i32
        %dma_wait3A_90 = tpu.memref_slice %arg11[%dma_wait3A_88, %dma_wait3A_89] : memref<51200x32xf32, #tpu.memory_space<vmem_shared>> -> memref<51200x32xf32, #tpu.memory_space<vmem_shared>>
        tpu.wait_indirect_dma semaphore(%arg15 : memref<!tpu.dma_semaphore, #tpu.memory_space<semaphore_mem>>) src(%arg10 : memref<256x32xf32, #tpu.memory_space<vmem>>) dst(%dma_wait3A_90 : memref<51200x32xf32, #tpu.memory_space<vmem_shared>>)
      }
      %scan3A_12 = arith.constant 98 : i32
      %barrier3A_13 = arith.constant 0 : index
      tpu.barrier barrier_id(%barrier3A_13)
      %mul3A_14 = arith.constant 3200 : i32
      %mul3A_15 = arith.muli %arg1, %mul3A_14 : i32
      %mul3A_16 = arith.constant 3200 : i32
      %mul3A_17 = arith.muli %arg1, %mul3A_16 : i32
      "tpu.region"() ({
        %run_scoped3A = tpu.sem_alloc : memref<!tpu.dma_semaphore, #tpu.memory_space<semaphore_mem>>
        %dma_start3A = arith.constant 0 : i32
        %dma_start3A_18 = tpu.memref_slice %arg6[%mul3A_17, %dma_start3A] : memref<51200x32xf32, #tpu.memory_space<hbm>> -> memref<3200x32xf32, #tpu.memory_space<hbm>>
        %dma_start3A_19 = arith.constant 0 : i32
        %dma_start3A_20 = tpu.memref_slice %arg11[%mul3A_15, %dma_start3A_19] : memref<51200x32xf32, #tpu.memory_space<vmem_shared>> -> memref<3200x32xf32, #tpu.memory_space<vmem_shared>>
        tpu.enqueue_dma source(%dma_start3A_20 : memref<3200x32xf32, #tpu.memory_space<vmem_shared>>) target(%dma_start3A_18 : memref<3200x32xf32, #tpu.memory_space<hbm>>) target_semaphore(%run_scoped3A : memref<!tpu.dma_semaphore, #tpu.memory_space<semaphore_mem>>)
        %dma_wait3A = arith.constant 0 : i32
        %dma_wait3A_21 = tpu.memref_slice %arg6[%mul3A_17, %dma_wait3A] : memref<51200x32xf32, #tpu.memory_space<hbm>> -> memref<3200x32xf32, #tpu.memory_space<hbm>>
        %dma_wait3A_22 = arith.constant 0 : i32
        %dma_wait3A_23 = tpu.memref_slice %arg11[%mul3A_15, %dma_wait3A_22] : memref<51200x32xf32, #tpu.memory_space<vmem_shared>> -> memref<3200x32xf32, #tpu.memory_space<vmem_shared>>
        tpu.wait_dma2 semaphore(%run_scoped3A : memref<!tpu.dma_semaphore, #tpu.memory_space<semaphore_mem>>) src(%dma_wait3A_23 : memref<3200x32xf32, #tpu.memory_space<vmem_shared>>) dst(%dma_wait3A_21 : memref<3200x32xf32, #tpu.memory_space<hbm>>)
        tpu.yield
      }) : () -> ()
    } else {
    }
    %eq3A_3 = arith.constant 1 : i32
    %eq3A_4 = arith.cmpi eq, %arg0, %eq3A_3 : i32
    %convert_element_type3A_5 = arith.extui %eq3A_4 : i1 to i32
    %cond3A_6 = arith.constant 0 : i32
    %cond3A_7 = arith.cmpi ne, %convert_element_type3A_5, %cond3A_6 : i32
    scf.if %cond3A_7 {
      %scan3A = arith.constant 0 : i32
      %scan3A_8 = arith.constant 0 : i32
      %scan3A_9 = arith.constant 98 : i32
      %scan3A_10 = arith.addi %scan3A_8, %scan3A_9 : i32
      %scan3A_11 = arith.constant 1 : i32
      scf.for %scan3A_18 = %scan3A_8 to %scan3A_10 step %scan3A_11  : i32 {
        %mul3A_19 = arith.constant 98 : i32
        %mul3A_20 = arith.muli %arg1, %mul3A_19 : i32
        %add3A = arith.addi %mul3A_20, %scan3A_18 : i32
        %dma_start3A = arith.constant 0 : i32
        %dma_start3A_21 = arith.constant 0 : i32
        %dma_start3A_22 = tpu.memref_slice %arg4[%add3A, %dma_start3A, %dma_start3A_21] : memref<1568x4x256xi32, #tpu.memory_space<hbm>> -> memref<1x4x256xi32, #tpu.memory_space<hbm>>
        %dma_start3A_23 = tpu.memref_squeeze %dma_start3A_22 : memref<1x4x256xi32, #tpu.memory_space<hbm>> -> memref<4x256xi32, #tpu.memory_space<hbm>>
        %dma_start3A_24 = arith.constant 0 : i32
        %dma_start3A_25 = arith.constant 0 : i32
        %dma_start3A_26 = tpu.memref_slice %arg4[%add3A, %dma_start3A_24, %dma_start3A_25] : memref<1568x4x256xi32, #tpu.memory_space<hbm>> -> memref<1x4x256xi32, #tpu.memory_space<hbm>>
        %dma_start3A_27 = tpu.memref_squeeze %dma_start3A_26 : memref<1x4x256xi32, #tpu.memory_space<hbm>> -> memref<4x256xi32, #tpu.memory_space<hbm>>
        tpu.enqueue_dma source(%dma_start3A_27 : memref<4x256xi32, #tpu.memory_space<hbm>>) target(%arg8 : memref<4x256xi32, #tpu.memory_space<vmem>>) target_semaphore(%arg12 : memref<!tpu.dma_semaphore, #tpu.memory_space<semaphore_mem>>)
        %dma_wait3A = arith.constant 0 : i32
        %dma_wait3A_28 = arith.constant 0 : i32
        %dma_wait3A_29 = tpu.memref_slice %arg4[%add3A, %dma_wait3A, %dma_wait3A_28] : memref<1568x4x256xi32, #tpu.memory_space<hbm>> -> memref<1x4x256xi32, #tpu.memory_space<hbm>>
        %dma_wait3A_30 = tpu.memref_squeeze %dma_wait3A_29 : memref<1x4x256xi32, #tpu.memory_space<hbm>> -> memref<4x256xi32, #tpu.memory_space<hbm>>
        %dma_wait3A_31 = arith.constant 0 : i32
        %dma_wait3A_32 = arith.constant 0 : i32
        %dma_wait3A_33 = tpu.memref_slice %arg4[%add3A, %dma_wait3A_31, %dma_wait3A_32] : memref<1568x4x256xi32, #tpu.memory_space<hbm>> -> memref<1x4x256xi32, #tpu.memory_space<hbm>>
        %dma_wait3A_34 = tpu.memref_squeeze %dma_wait3A_33 : memref<1x4x256xi32, #tpu.memory_space<hbm>> -> memref<4x256xi32, #tpu.memory_space<hbm>>
        tpu.wait_dma2 semaphore(%arg12 : memref<!tpu.dma_semaphore, #tpu.memory_space<semaphore_mem>>) src(%dma_wait3A_34 : memref<4x256xi32, #tpu.memory_space<hbm>>) dst(%arg8 : memref<4x256xi32, #tpu.memory_space<vmem>>)
        %dma_start3A_35 = arith.constant 0 : i32
        %dma_start3A_36 = arith.constant 0 : i32
        %dma_start3A_37 = tpu.memref_slice %arg8[%dma_start3A_35, %dma_start3A_36] : memref<4x256xi32, #tpu.memory_space<vmem>> -> memref<1x256xi32, #tpu.memory_space<vmem>>
        %dma_start3A_38 = tpu.memref_squeeze %dma_start3A_37 : memref<1x256xi32, #tpu.memory_space<vmem>> -> memref<256xi32, #tpu.memory_space<vmem>>
        %dma_start3A_39 = arith.constant 0 : i32
        %dma_start3A_40 = arith.constant 0 : i32
        %dma_start3A_41 = tpu.memref_slice %arg3[%dma_start3A_39, %dma_start3A_40] : memref<50000x32xf32, #tpu.memory_space<hbm>> -> memref<50000x32xf32, #tpu.memory_space<hbm>>
        tpu.enqueue_indirect_dma source(%dma_start3A_41 : memref<50000x32xf32, #tpu.memory_space<hbm>>) target(%arg9 : memref<256x32xf32, #tpu.memory_space<vmem>>) offsets(%dma_start3A_38 : memref<256xi32, #tpu.memory_space<vmem>>) semaphore(%arg13 : memref<!tpu.dma_semaphore, #tpu.memory_space<semaphore_mem>>)
        %dma_start3A_42 = arith.constant 1 : i32
        %dma_start3A_43 = arith.constant 0 : i32
        %dma_start3A_44 = tpu.memref_slice %arg8[%dma_start3A_42, %dma_start3A_43] : memref<4x256xi32, #tpu.memory_space<vmem>> -> memref<1x256xi32, #tpu.memory_space<vmem>>
        %dma_start3A_45 = tpu.memref_squeeze %dma_start3A_44 : memref<1x256xi32, #tpu.memory_space<vmem>> -> memref<256xi32, #tpu.memory_space<vmem>>
        %dma_start3A_46 = arith.constant 0 : i32
        %dma_start3A_47 = arith.constant 0 : i32
        %dma_start3A_48 = tpu.memref_slice %arg3[%dma_start3A_46, %dma_start3A_47] : memref<50000x32xf32, #tpu.memory_space<hbm>> -> memref<50000x32xf32, #tpu.memory_space<hbm>>
        tpu.enqueue_indirect_dma source(%dma_start3A_48 : memref<50000x32xf32, #tpu.memory_space<hbm>>) target(%arg10 : memref<256x32xf32, #tpu.memory_space<vmem>>) offsets(%dma_start3A_45 : memref<256xi32, #tpu.memory_space<vmem>>) semaphore(%arg14 : memref<!tpu.dma_semaphore, #tpu.memory_space<semaphore_mem>>)
        %dma_wait3A_49 = arith.constant 0 : i32
        %dma_wait3A_50 = arith.constant 0 : i32
        %dma_wait3A_51 = tpu.memref_slice %arg8[%dma_wait3A_49, %dma_wait3A_50] : memref<4x256xi32, #tpu.memory_space<vmem>> -> memref<1x256xi32, #tpu.memory_space<vmem>>
        %dma_wait3A_52 = tpu.memref_squeeze %dma_wait3A_51 : memref<1x256xi32, #tpu.memory_space<vmem>> -> memref<256xi32, #tpu.memory_space<vmem>>
        %dma_wait3A_53 = arith.constant 0 : i32
        %dma_wait3A_54 = arith.constant 0 : i32
        %dma_wait3A_55 = tpu.memref_slice %arg3[%dma_wait3A_53, %dma_wait3A_54] : memref<50000x32xf32, #tpu.memory_space<hbm>> -> memref<50000x32xf32, #tpu.memory_space<hbm>>
        tpu.wait_indirect_dma semaphore(%arg13 : memref<!tpu.dma_semaphore, #tpu.memory_space<semaphore_mem>>) src(%dma_wait3A_55 : memref<50000x32xf32, #tpu.memory_space<hbm>>) dst(%arg9 : memref<256x32xf32, #tpu.memory_space<vmem>>)
        %dma_start3A_56 = arith.constant 2 : i32
        %dma_start3A_57 = arith.constant 0 : i32
        %dma_start3A_58 = tpu.memref_slice %arg8[%dma_start3A_56, %dma_start3A_57] : memref<4x256xi32, #tpu.memory_space<vmem>> -> memref<1x256xi32, #tpu.memory_space<vmem>>
        %dma_start3A_59 = tpu.memref_squeeze %dma_start3A_58 : memref<1x256xi32, #tpu.memory_space<vmem>> -> memref<256xi32, #tpu.memory_space<vmem>>
        %dma_start3A_60 = arith.constant 0 : i32
        %dma_start3A_61 = arith.constant 0 : i32
        %dma_start3A_62 = tpu.memref_slice %arg11[%dma_start3A_60, %dma_start3A_61] : memref<51200x32xf32, #tpu.memory_space<vmem_shared>> -> memref<51200x32xf32, #tpu.memory_space<vmem_shared>>
        tpu.enqueue_indirect_dma source(%arg9 : memref<256x32xf32, #tpu.memory_space<vmem>>) target(%dma_start3A_62 : memref<51200x32xf32, #tpu.memory_space<vmem_shared>>) offsets(%dma_start3A_59 : memref<256xi32, #tpu.memory_space<vmem>>) semaphore(%arg15 : memref<!tpu.dma_semaphore, #tpu.memory_space<semaphore_mem>>) {add = true}
        %dma_wait3A_63 = arith.constant 1 : i32
        %dma_wait3A_64 = arith.constant 0 : i32
        %dma_wait3A_65 = tpu.memref_slice %arg8[%dma_wait3A_63, %dma_wait3A_64] : memref<4x256xi32, #tpu.memory_space<vmem>> -> memref<1x256xi32, #tpu.memory_space<vmem>>
        %dma_wait3A_66 = tpu.memref_squeeze %dma_wait3A_65 : memref<1x256xi32, #tpu.memory_space<vmem>> -> memref<256xi32, #tpu.memory_space<vmem>>
        %dma_wait3A_67 = arith.constant 0 : i32
        %dma_wait3A_68 = arith.constant 0 : i32
        %dma_wait3A_69 = tpu.memref_slice %arg3[%dma_wait3A_67, %dma_wait3A_68] : memref<50000x32xf32, #tpu.memory_space<hbm>> -> memref<50000x32xf32, #tpu.memory_space<hbm>>
        tpu.wait_indirect_dma semaphore(%arg14 : memref<!tpu.dma_semaphore, #tpu.memory_space<semaphore_mem>>) src(%dma_wait3A_69 : memref<50000x32xf32, #tpu.memory_space<hbm>>) dst(%arg10 : memref<256x32xf32, #tpu.memory_space<vmem>>)
        %dma_start3A_70 = arith.constant 3 : i32
        %dma_start3A_71 = arith.constant 0 : i32
        %dma_start3A_72 = tpu.memref_slice %arg8[%dma_start3A_70, %dma_start3A_71] : memref<4x256xi32, #tpu.memory_space<vmem>> -> memref<1x256xi32, #tpu.memory_space<vmem>>
        %dma_start3A_73 = tpu.memref_squeeze %dma_start3A_72 : memref<1x256xi32, #tpu.memory_space<vmem>> -> memref<256xi32, #tpu.memory_space<vmem>>
        %dma_start3A_74 = arith.constant 0 : i32
        %dma_start3A_75 = arith.constant 0 : i32
        %dma_start3A_76 = tpu.memref_slice %arg11[%dma_start3A_74, %dma_start3A_75] : memref<51200x32xf32, #tpu.memory_space<vmem_shared>> -> memref<51200x32xf32, #tpu.memory_space<vmem_shared>>
        tpu.enqueue_indirect_dma source(%arg10 : memref<256x32xf32, #tpu.memory_space<vmem>>) target(%dma_start3A_76 : memref<51200x32xf32, #tpu.memory_space<vmem_shared>>) offsets(%dma_start3A_73 : memref<256xi32, #tpu.memory_space<vmem>>) semaphore(%arg15 : memref<!tpu.dma_semaphore, #tpu.memory_space<semaphore_mem>>) {add = true}
        %dma_wait3A_77 = arith.constant 2 : i32
        %dma_wait3A_78 = arith.constant 0 : i32
        %dma_wait3A_79 = tpu.memref_slice %arg8[%dma_wait3A_77, %dma_wait3A_78] : memref<4x256xi32, #tpu.memory_space<vmem>> -> memref<1x256xi32, #tpu.memory_space<vmem>>
        %dma_wait3A_80 = tpu.memref_squeeze %dma_wait3A_79 : memref<1x256xi32, #tpu.memory_space<vmem>> -> memref<256xi32, #tpu.memory_space<vmem>>
        %dma_wait3A_81 = arith.constant 0 : i32
        %dma_wait3A_82 = arith.constant 0 : i32
        %dma_wait3A_83 = tpu.memref_slice %arg11[%dma_wait3A_81, %dma_wait3A_82] : memref<51200x32xf32, #tpu.memory_space<vmem_shared>> -> memref<51200x32xf32, #tpu.memory_space<vmem_shared>>
        tpu.wait_indirect_dma semaphore(%arg15 : memref<!tpu.dma_semaphore, #tpu.memory_space<semaphore_mem>>) src(%arg9 : memref<256x32xf32, #tpu.memory_space<vmem>>) dst(%dma_wait3A_83 : memref<51200x32xf32, #tpu.memory_space<vmem_shared>>)
        %dma_wait3A_84 = arith.constant 3 : i32
        %dma_wait3A_85 = arith.constant 0 : i32
        %dma_wait3A_86 = tpu.memref_slice %arg8[%dma_wait3A_84, %dma_wait3A_85] : memref<4x256xi32, #tpu.memory_space<vmem>> -> memref<1x256xi32, #tpu.memory_space<vmem>>
        %dma_wait3A_87 = tpu.memref_squeeze %dma_wait3A_86 : memref<1x256xi32, #tpu.memory_space<vmem>> -> memref<256xi32, #tpu.memory_space<vmem>>
        %dma_wait3A_88 = arith.constant 0 : i32
        %dma_wait3A_89 = arith.constant 0 : i32
        %dma_wait3A_90 = tpu.memref_slice %arg11[%dma_wait3A_88, %dma_wait3A_89] : memref<51200x32xf32, #tpu.memory_space<vmem_shared>> -> memref<51200x32xf32, #tpu.memory_space<vmem_shared>>
        tpu.wait_indirect_dma semaphore(%arg15 : memref<!tpu.dma_semaphore, #tpu.memory_space<semaphore_mem>>) src(%arg10 : memref<256x32xf32, #tpu.memory_space<vmem>>) dst(%dma_wait3A_90 : memref<51200x32xf32, #tpu.memory_space<vmem_shared>>)
      }
      %scan3A_12 = arith.constant 98 : i32
      %barrier3A_13 = arith.constant 0 : index
      tpu.barrier barrier_id(%barrier3A_13)
      %mul3A_14 = arith.constant 3200 : i32
      %mul3A_15 = arith.muli %arg1, %mul3A_14 : i32
      %mul3A_16 = arith.constant 3200 : i32
      %mul3A_17 = arith.muli %arg1, %mul3A_16 : i32
      "tpu.region"() ({
        %run_scoped3A = tpu.sem_alloc : memref<!tpu.dma_semaphore, #tpu.memory_space<semaphore_mem>>
        %dma_start3A = arith.constant 0 : i32
        %dma_start3A_18 = tpu.memref_slice %arg7[%mul3A_17, %dma_start3A] : memref<51200x32xf32, #tpu.memory_space<hbm>> -> memref<3200x32xf32, #tpu.memory_space<hbm>>
        %dma_start3A_19 = arith.constant 0 : i32
        %dma_start3A_20 = tpu.memref_slice %arg11[%mul3A_15, %dma_start3A_19] : memref<51200x32xf32, #tpu.memory_space<vmem_shared>> -> memref<3200x32xf32, #tpu.memory_space<vmem_shared>>
        tpu.enqueue_dma source(%dma_start3A_20 : memref<3200x32xf32, #tpu.memory_space<vmem_shared>>) target(%dma_start3A_18 : memref<3200x32xf32, #tpu.memory_space<hbm>>) target_semaphore(%run_scoped3A : memref<!tpu.dma_semaphore, #tpu.memory_space<semaphore_mem>>)
        %dma_wait3A = arith.constant 0 : i32
        %dma_wait3A_21 = tpu.memref_slice %arg7[%mul3A_17, %dma_wait3A] : memref<51200x32xf32, #tpu.memory_space<hbm>> -> memref<3200x32xf32, #tpu.memory_space<hbm>>
        %dma_wait3A_22 = arith.constant 0 : i32
        %dma_wait3A_23 = tpu.memref_slice %arg11[%mul3A_15, %dma_wait3A_22] : memref<51200x32xf32, #tpu.memory_space<vmem_shared>> -> memref<3200x32xf32, #tpu.memory_space<vmem_shared>>
        tpu.wait_dma2 semaphore(%run_scoped3A : memref<!tpu.dma_semaphore, #tpu.memory_space<semaphore_mem>>) src(%dma_wait3A_23 : memref<3200x32xf32, #tpu.memory_space<vmem_shared>>) dst(%dma_wait3A_21 : memref<3200x32xf32, #tpu.memory_space<hbm>>)
        tpu.yield
      }) : () -> ()
    } else {
    }
    return
  }
}

#map = affine_map<(d0, d1) -> (0, 0)>
#map1 = affine_map<(d0, d1) -> (0, 0, 0)>
module attributes {stable_mosaic.version = 14 : i64} {
  func.func @agg(%arg0: i32, %arg1: i32, %arg2: memref<50000x32xf32, #tpu.memory_space<hbm>>, %arg3: memref<50000x32xf32, #tpu.memory_space<hbm>>, %arg4: memref<1568x4x256xi32, #tpu.memory_space<hbm>>, %arg5: memref<3200x32xf32, #tpu.memory_space<hbm>>, %arg6: memref<51200x32xf32, #tpu.memory_space<hbm>>, %arg7: memref<51200x32xf32, #tpu.memory_space<hbm>>, %arg8: memref<4x256xi32, #tpu.memory_space<vmem>>, %arg9: memref<256x32xf32, #tpu.memory_space<vmem>>, %arg10: memref<256x32xf32, #tpu.memory_space<vmem>>, %arg11: memref<51200x32xf32, #tpu.memory_space<vmem_shared>>, %arg12: memref<!tpu.dma_semaphore, #tpu.memory_space<semaphore_mem>>, %arg13: memref<!tpu.dma_semaphore, #tpu.memory_space<semaphore_mem>>, %arg14: memref<!tpu.dma_semaphore, #tpu.memory_space<semaphore_mem>>, %arg15: memref<!tpu.dma_semaphore, #tpu.memory_space<semaphore_mem>>) attributes {dimension_semantics = [#tpu.dimension_semantics<core_parallel>, #tpu.dimension_semantics<subcore_parallel>], iteration_bounds = array<i64: 2, 16>, scalar_prefetch = 0 : i64, scratch_operands = 8 : i64, tpu.core_type = #tpu.core_type<sc_vector_subcore>, window_params = [{transform_indices = #map}, {transform_indices = #map}, {transform_indices = #map1}, {transform_indices = #map}, {transform_indices = #map}, {transform_indices = #map}]} {
    %mul3A = arith.constant 3200 : i32
    %mul3A_0 = arith.muli %arg1, %mul3A : i32
    "tpu.region"() ({
      %run_scoped3A = tpu.sem_alloc : memref<!tpu.dma_semaphore, #tpu.memory_space<semaphore_mem>>
      %dma_start3A = arith.constant 0 : i32
      %dma_start3A_8 = tpu.memref_slice %arg11[%mul3A_0, %dma_start3A] : memref<51200x32xf32, #tpu.memory_space<vmem_shared>> -> memref<3200x32xf32, #tpu.memory_space<vmem_shared>>
      tpu.enqueue_dma source(%arg5 : memref<3200x32xf32, #tpu.memory_space<hbm>>) target(%dma_start3A_8 : memref<3200x32xf32, #tpu.memory_space<vmem_shared>>) target_semaphore(%run_scoped3A : memref<!tpu.dma_semaphore, #tpu.memory_space<semaphore_mem>>)
      %dma_wait3A = arith.constant 0 : i32
      %dma_wait3A_9 = tpu.memref_slice %arg11[%mul3A_0, %dma_wait3A] : memref<51200x32xf32, #tpu.memory_space<vmem_shared>> -> memref<3200x32xf32, #tpu.memory_space<vmem_shared>>
      tpu.wait_dma2 semaphore(%run_scoped3A : memref<!tpu.dma_semaphore, #tpu.memory_space<semaphore_mem>>) src(%arg5 : memref<3200x32xf32, #tpu.memory_space<hbm>>) dst(%dma_wait3A_9 : memref<3200x32xf32, #tpu.memory_space<vmem_shared>>)
      tpu.yield
    }) : () -> ()
    %barrier3A = arith.constant 0 : index
    tpu.barrier barrier_id(%barrier3A)
    %eq3A = arith.constant 0 : i32
    %eq3A_1 = arith.cmpi eq, %arg0, %eq3A : i32
    %convert_element_type3A = arith.extui %eq3A_1 : i1 to i32
    %cond3A = arith.constant 0 : i32
    %cond3A_2 = arith.cmpi ne, %convert_element_type3A, %cond3A : i32
    scf.if %cond3A_2 {
      %scan3A = arith.constant 0 : i32
      %scan3A_8 = arith.constant 0 : i32
      %scan3A_9 = arith.constant 98 : i32
      %scan3A_10 = arith.addi %scan3A_8, %scan3A_9 : i32
      %scan3A_11 = arith.constant 1 : i32
      scf.for %scan3A_18 = %scan3A_8 to %scan3A_10 step %scan3A_11  : i32 {
        %mul3A_19 = arith.constant 98 : i32
        %mul3A_20 = arith.muli %arg1, %mul3A_19 : i32
        %add3A = arith.addi %mul3A_20, %scan3A_18 : i32
        %dma_start3A = arith.constant 0 : i32
        %dma_start3A_21 = arith.constant 0 : i32
        %dma_start3A_22 = tpu.memref_slice %arg4[%add3A, %dma_start3A, %dma_start3A_21] : memref<1568x4x256xi32, #tpu.memory_space<hbm>> -> memref<1x4x256xi32, #tpu.memory_space<hbm>>
        %dma_start3A_23 = tpu.memref_squeeze %dma_start3A_22 : memref<1x4x256xi32, #tpu.memory_space<hbm>> -> memref<4x256xi32, #tpu.memory_space<hbm>>
        %dma_start3A_24 = arith.constant 0 : i32
        %dma_start3A_25 = arith.constant 0 : i32
        %dma_start3A_26 = tpu.memref_slice %arg4[%add3A, %dma_start3A_24, %dma_start3A_25] : memref<1568x4x256xi32, #tpu.memory_space<hbm>> -> memref<1x4x256xi32, #tpu.memory_space<hbm>>
        %dma_start3A_27 = tpu.memref_squeeze %dma_start3A_26 : memref<1x4x256xi32, #tpu.memory_space<hbm>> -> memref<4x256xi32, #tpu.memory_space<hbm>>
        tpu.enqueue_dma source(%dma_start3A_27 : memref<4x256xi32, #tpu.memory_space<hbm>>) target(%arg8 : memref<4x256xi32, #tpu.memory_space<vmem>>) target_semaphore(%arg12 : memref<!tpu.dma_semaphore, #tpu.memory_space<semaphore_mem>>)
        %dma_wait3A = arith.constant 0 : i32
        %dma_wait3A_28 = arith.constant 0 : i32
        %dma_wait3A_29 = tpu.memref_slice %arg4[%add3A, %dma_wait3A, %dma_wait3A_28] : memref<1568x4x256xi32, #tpu.memory_space<hbm>> -> memref<1x4x256xi32, #tpu.memory_space<hbm>>
        %dma_wait3A_30 = tpu.memref_squeeze %dma_wait3A_29 : memref<1x4x256xi32, #tpu.memory_space<hbm>> -> memref<4x256xi32, #tpu.memory_space<hbm>>
        %dma_wait3A_31 = arith.constant 0 : i32
        %dma_wait3A_32 = arith.constant 0 : i32
        %dma_wait3A_33 = tpu.memref_slice %arg4[%add3A, %dma_wait3A_31, %dma_wait3A_32] : memref<1568x4x256xi32, #tpu.memory_space<hbm>> -> memref<1x4x256xi32, #tpu.memory_space<hbm>>
        %dma_wait3A_34 = tpu.memref_squeeze %dma_wait3A_33 : memref<1x4x256xi32, #tpu.memory_space<hbm>> -> memref<4x256xi32, #tpu.memory_space<hbm>>
        tpu.wait_dma2 semaphore(%arg12 : memref<!tpu.dma_semaphore, #tpu.memory_space<semaphore_mem>>) src(%dma_wait3A_34 : memref<4x256xi32, #tpu.memory_space<hbm>>) dst(%arg8 : memref<4x256xi32, #tpu.memory_space<vmem>>)
        %dma_start3A_35 = arith.constant 0 : i32
        %dma_start3A_36 = arith.constant 0 : i32
        %dma_start3A_37 = tpu.memref_slice %arg8[%dma_start3A_35, %dma_start3A_36] : memref<4x256xi32, #tpu.memory_space<vmem>> -> memref<1x256xi32, #tpu.memory_space<vmem>>
        %dma_start3A_38 = tpu.memref_squeeze %dma_start3A_37 : memref<1x256xi32, #tpu.memory_space<vmem>> -> memref<256xi32, #tpu.memory_space<vmem>>
        %dma_start3A_39 = arith.constant 0 : i32
        %dma_start3A_40 = arith.constant 0 : i32
        %dma_start3A_41 = tpu.memref_slice %arg2[%dma_start3A_39, %dma_start3A_40] : memref<50000x32xf32, #tpu.memory_space<hbm>> -> memref<50000x32xf32, #tpu.memory_space<hbm>>
        tpu.enqueue_indirect_dma source(%dma_start3A_41 : memref<50000x32xf32, #tpu.memory_space<hbm>>) target(%arg9 : memref<256x32xf32, #tpu.memory_space<vmem>>) offsets(%dma_start3A_38 : memref<256xi32, #tpu.memory_space<vmem>>) semaphore(%arg13 : memref<!tpu.dma_semaphore, #tpu.memory_space<semaphore_mem>>)
        %dma_start3A_42 = arith.constant 1 : i32
        %dma_start3A_43 = arith.constant 0 : i32
        %dma_start3A_44 = tpu.memref_slice %arg8[%dma_start3A_42, %dma_start3A_43] : memref<4x256xi32, #tpu.memory_space<vmem>> -> memref<1x256xi32, #tpu.memory_space<vmem>>
        %dma_start3A_45 = tpu.memref_squeeze %dma_start3A_44 : memref<1x256xi32, #tpu.memory_space<vmem>> -> memref<256xi32, #tpu.memory_space<vmem>>
        %dma_start3A_46 = arith.constant 0 : i32
        %dma_start3A_47 = arith.constant 0 : i32
        %dma_start3A_48 = tpu.memref_slice %arg2[%dma_start3A_46, %dma_start3A_47] : memref<50000x32xf32, #tpu.memory_space<hbm>> -> memref<50000x32xf32, #tpu.memory_space<hbm>>
        tpu.enqueue_indirect_dma source(%dma_start3A_48 : memref<50000x32xf32, #tpu.memory_space<hbm>>) target(%arg10 : memref<256x32xf32, #tpu.memory_space<vmem>>) offsets(%dma_start3A_45 : memref<256xi32, #tpu.memory_space<vmem>>) semaphore(%arg14 : memref<!tpu.dma_semaphore, #tpu.memory_space<semaphore_mem>>)
        %dma_wait3A_49 = arith.constant 0 : i32
        %dma_wait3A_50 = arith.constant 0 : i32
        %dma_wait3A_51 = tpu.memref_slice %arg8[%dma_wait3A_49, %dma_wait3A_50] : memref<4x256xi32, #tpu.memory_space<vmem>> -> memref<1x256xi32, #tpu.memory_space<vmem>>
        %dma_wait3A_52 = tpu.memref_squeeze %dma_wait3A_51 : memref<1x256xi32, #tpu.memory_space<vmem>> -> memref<256xi32, #tpu.memory_space<vmem>>
        %dma_wait3A_53 = arith.constant 0 : i32
        %dma_wait3A_54 = arith.constant 0 : i32
        %dma_wait3A_55 = tpu.memref_slice %arg2[%dma_wait3A_53, %dma_wait3A_54] : memref<50000x32xf32, #tpu.memory_space<hbm>> -> memref<50000x32xf32, #tpu.memory_space<hbm>>
        tpu.wait_indirect_dma semaphore(%arg13 : memref<!tpu.dma_semaphore, #tpu.memory_space<semaphore_mem>>) src(%dma_wait3A_55 : memref<50000x32xf32, #tpu.memory_space<hbm>>) dst(%arg9 : memref<256x32xf32, #tpu.memory_space<vmem>>)
        %dma_start3A_56 = arith.constant 2 : i32
        %dma_start3A_57 = arith.constant 0 : i32
        %dma_start3A_58 = tpu.memref_slice %arg8[%dma_start3A_56, %dma_start3A_57] : memref<4x256xi32, #tpu.memory_space<vmem>> -> memref<1x256xi32, #tpu.memory_space<vmem>>
        %dma_start3A_59 = tpu.memref_squeeze %dma_start3A_58 : memref<1x256xi32, #tpu.memory_space<vmem>> -> memref<256xi32, #tpu.memory_space<vmem>>
        %dma_start3A_60 = arith.constant 0 : i32
        %dma_start3A_61 = arith.constant 0 : i32
        %dma_start3A_62 = tpu.memref_slice %arg11[%dma_start3A_60, %dma_start3A_61] : memref<51200x32xf32, #tpu.memory_space<vmem_shared>> -> memref<51200x32xf32, #tpu.memory_space<vmem_shared>>
        tpu.enqueue_indirect_dma source(%arg9 : memref<256x32xf32, #tpu.memory_space<vmem>>) target(%dma_start3A_62 : memref<51200x32xf32, #tpu.memory_space<vmem_shared>>) offsets(%dma_start3A_59 : memref<256xi32, #tpu.memory_space<vmem>>) semaphore(%arg15 : memref<!tpu.dma_semaphore, #tpu.memory_space<semaphore_mem>>) {add = true}
        %dma_wait3A_63 = arith.constant 1 : i32
        %dma_wait3A_64 = arith.constant 0 : i32
        %dma_wait3A_65 = tpu.memref_slice %arg8[%dma_wait3A_63, %dma_wait3A_64] : memref<4x256xi32, #tpu.memory_space<vmem>> -> memref<1x256xi32, #tpu.memory_space<vmem>>
        %dma_wait3A_66 = tpu.memref_squeeze %dma_wait3A_65 : memref<1x256xi32, #tpu.memory_space<vmem>> -> memref<256xi32, #tpu.memory_space<vmem>>
        %dma_wait3A_67 = arith.constant 0 : i32
        %dma_wait3A_68 = arith.constant 0 : i32
        %dma_wait3A_69 = tpu.memref_slice %arg2[%dma_wait3A_67, %dma_wait3A_68] : memref<50000x32xf32, #tpu.memory_space<hbm>> -> memref<50000x32xf32, #tpu.memory_space<hbm>>
        tpu.wait_indirect_dma semaphore(%arg14 : memref<!tpu.dma_semaphore, #tpu.memory_space<semaphore_mem>>) src(%dma_wait3A_69 : memref<50000x32xf32, #tpu.memory_space<hbm>>) dst(%arg10 : memref<256x32xf32, #tpu.memory_space<vmem>>)
        %dma_start3A_70 = arith.constant 3 : i32
        %dma_start3A_71 = arith.constant 0 : i32
        %dma_start3A_72 = tpu.memref_slice %arg8[%dma_start3A_70, %dma_start3A_71] : memref<4x256xi32, #tpu.memory_space<vmem>> -> memref<1x256xi32, #tpu.memory_space<vmem>>
        %dma_start3A_73 = tpu.memref_squeeze %dma_start3A_72 : memref<1x256xi32, #tpu.memory_space<vmem>> -> memref<256xi32, #tpu.memory_space<vmem>>
        %dma_start3A_74 = arith.constant 0 : i32
        %dma_start3A_75 = arith.constant 0 : i32
        %dma_start3A_76 = tpu.memref_slice %arg11[%dma_start3A_74, %dma_start3A_75] : memref<51200x32xf32, #tpu.memory_space<vmem_shared>> -> memref<51200x32xf32, #tpu.memory_space<vmem_shared>>
        tpu.enqueue_indirect_dma source(%arg10 : memref<256x32xf32, #tpu.memory_space<vmem>>) target(%dma_start3A_76 : memref<51200x32xf32, #tpu.memory_space<vmem_shared>>) offsets(%dma_start3A_73 : memref<256xi32, #tpu.memory_space<vmem>>) semaphore(%arg15 : memref<!tpu.dma_semaphore, #tpu.memory_space<semaphore_mem>>) {add = true}
        %dma_wait3A_77 = arith.constant 2 : i32
        %dma_wait3A_78 = arith.constant 0 : i32
        %dma_wait3A_79 = tpu.memref_slice %arg8[%dma_wait3A_77, %dma_wait3A_78] : memref<4x256xi32, #tpu.memory_space<vmem>> -> memref<1x256xi32, #tpu.memory_space<vmem>>
        %dma_wait3A_80 = tpu.memref_squeeze %dma_wait3A_79 : memref<1x256xi32, #tpu.memory_space<vmem>> -> memref<256xi32, #tpu.memory_space<vmem>>
        %dma_wait3A_81 = arith.constant 0 : i32
        %dma_wait3A_82 = arith.constant 0 : i32
        %dma_wait3A_83 = tpu.memref_slice %arg11[%dma_wait3A_81, %dma_wait3A_82] : memref<51200x32xf32, #tpu.memory_space<vmem_shared>> -> memref<51200x32xf32, #tpu.memory_space<vmem_shared>>
        tpu.wait_indirect_dma semaphore(%arg15 : memref<!tpu.dma_semaphore, #tpu.memory_space<semaphore_mem>>) src(%arg9 : memref<256x32xf32, #tpu.memory_space<vmem>>) dst(%dma_wait3A_83 : memref<51200x32xf32, #tpu.memory_space<vmem_shared>>)
        %dma_wait3A_84 = arith.constant 3 : i32
        %dma_wait3A_85 = arith.constant 0 : i32
        %dma_wait3A_86 = tpu.memref_slice %arg8[%dma_wait3A_84, %dma_wait3A_85] : memref<4x256xi32, #tpu.memory_space<vmem>> -> memref<1x256xi32, #tpu.memory_space<vmem>>
        %dma_wait3A_87 = tpu.memref_squeeze %dma_wait3A_86 : memref<1x256xi32, #tpu.memory_space<vmem>> -> memref<256xi32, #tpu.memory_space<vmem>>
        %dma_wait3A_88 = arith.constant 0 : i32
        %dma_wait3A_89 = arith.constant 0 : i32
        %dma_wait3A_90 = tpu.memref_slice %arg11[%dma_wait3A_88, %dma_wait3A_89] : memref<51200x32xf32, #tpu.memory_space<vmem_shared>> -> memref<51200x32xf32, #tpu.memory_space<vmem_shared>>
        tpu.wait_indirect_dma semaphore(%arg15 : memref<!tpu.dma_semaphore, #tpu.memory_space<semaphore_mem>>) src(%arg10 : memref<256x32xf32, #tpu.memory_space<vmem>>) dst(%dma_wait3A_90 : memref<51200x32xf32, #tpu.memory_space<vmem_shared>>)
      }
      %scan3A_12 = arith.constant 98 : i32
      %barrier3A_13 = arith.constant 0 : index
      tpu.barrier barrier_id(%barrier3A_13)
      %mul3A_14 = arith.constant 3200 : i32
      %mul3A_15 = arith.muli %arg1, %mul3A_14 : i32
      %mul3A_16 = arith.constant 3200 : i32
      %mul3A_17 = arith.muli %arg1, %mul3A_16 : i32
      "tpu.region"() ({
        %run_scoped3A = tpu.sem_alloc : memref<!tpu.dma_semaphore, #tpu.memory_space<semaphore_mem>>
        %dma_start3A = arith.constant 0 : i32
        %dma_start3A_18 = tpu.memref_slice %arg6[%mul3A_17, %dma_start3A] : memref<51200x32xf32, #tpu.memory_space<hbm>> -> memref<3200x32xf32, #tpu.memory_space<hbm>>
        %dma_start3A_19 = arith.constant 0 : i32
        %dma_start3A_20 = tpu.memref_slice %arg11[%mul3A_15, %dma_start3A_19] : memref<51200x32xf32, #tpu.memory_space<vmem_shared>> -> memref<3200x32xf32, #tpu.memory_space<vmem_shared>>
        tpu.enqueue_dma source(%dma_start3A_20 : memref<3200x32xf32, #tpu.memory_space<vmem_shared>>) target(%dma_start3A_18 : memref<3200x32xf32, #tpu.memory_space<hbm>>) target_semaphore(%run_scoped3A : memref<!tpu.dma_semaphore, #tpu.memory_space<semaphore_mem>>)
        %dma_wait3A = arith.constant 0 : i32
        %dma_wait3A_21 = tpu.memref_slice %arg6[%mul3A_17, %dma_wait3A] : memref<51200x32xf32, #tpu.memory_space<hbm>> -> memref<3200x32xf32, #tpu.memory_space<hbm>>
        %dma_wait3A_22 = arith.constant 0 : i32
        %dma_wait3A_23 = tpu.memref_slice %arg11[%mul3A_15, %dma_wait3A_22] : memref<51200x32xf32, #tpu.memory_space<vmem_shared>> -> memref<3200x32xf32, #tpu.memory_space<vmem_shared>>
        tpu.wait_dma2 semaphore(%run_scoped3A : memref<!tpu.dma_semaphore, #tpu.memory_space<semaphore_mem>>) src(%dma_wait3A_23 : memref<3200x32xf32, #tpu.memory_space<vmem_shared>>) dst(%dma_wait3A_21 : memref<3200x32xf32, #tpu.memory_space<hbm>>)
        tpu.yield
      }) : () -> ()
    } else {
    }
    %eq3A_3 = arith.constant 1 : i32
    %eq3A_4 = arith.cmpi eq, %arg0, %eq3A_3 : i32
    %convert_element_type3A_5 = arith.extui %eq3A_4 : i1 to i32
    %cond3A_6 = arith.constant 0 : i32
    %cond3A_7 = arith.cmpi ne, %convert_element_type3A_5, %cond3A_6 : i32
    scf.if %cond3A_7 {
      %scan3A = arith.constant 0 : i32
      %scan3A_8 = arith.constant 0 : i32
      %scan3A_9 = arith.constant 98 : i32
      %scan3A_10 = arith.addi %scan3A_8, %scan3A_9 : i32
      %scan3A_11 = arith.constant 1 : i32
      scf.for %scan3A_18 = %scan3A_8 to %scan3A_10 step %scan3A_11  : i32 {
        %mul3A_19 = arith.constant 98 : i32
        %mul3A_20 = arith.muli %arg1, %mul3A_19 : i32
        %add3A = arith.addi %mul3A_20, %scan3A_18 : i32
        %dma_start3A = arith.constant 0 : i32
        %dma_start3A_21 = arith.constant 0 : i32
        %dma_start3A_22 = tpu.memref_slice %arg4[%add3A, %dma_start3A, %dma_start3A_21] : memref<1568x4x256xi32, #tpu.memory_space<hbm>> -> memref<1x4x256xi32, #tpu.memory_space<hbm>>
        %dma_start3A_23 = tpu.memref_squeeze %dma_start3A_22 : memref<1x4x256xi32, #tpu.memory_space<hbm>> -> memref<4x256xi32, #tpu.memory_space<hbm>>
        %dma_start3A_24 = arith.constant 0 : i32
        %dma_start3A_25 = arith.constant 0 : i32
        %dma_start3A_26 = tpu.memref_slice %arg4[%add3A, %dma_start3A_24, %dma_start3A_25] : memref<1568x4x256xi32, #tpu.memory_space<hbm>> -> memref<1x4x256xi32, #tpu.memory_space<hbm>>
        %dma_start3A_27 = tpu.memref_squeeze %dma_start3A_26 : memref<1x4x256xi32, #tpu.memory_space<hbm>> -> memref<4x256xi32, #tpu.memory_space<hbm>>
        tpu.enqueue_dma source(%dma_start3A_27 : memref<4x256xi32, #tpu.memory_space<hbm>>) target(%arg8 : memref<4x256xi32, #tpu.memory_space<vmem>>) target_semaphore(%arg12 : memref<!tpu.dma_semaphore, #tpu.memory_space<semaphore_mem>>)
        %dma_wait3A = arith.constant 0 : i32
        %dma_wait3A_28 = arith.constant 0 : i32
        %dma_wait3A_29 = tpu.memref_slice %arg4[%add3A, %dma_wait3A, %dma_wait3A_28] : memref<1568x4x256xi32, #tpu.memory_space<hbm>> -> memref<1x4x256xi32, #tpu.memory_space<hbm>>
        %dma_wait3A_30 = tpu.memref_squeeze %dma_wait3A_29 : memref<1x4x256xi32, #tpu.memory_space<hbm>> -> memref<4x256xi32, #tpu.memory_space<hbm>>
        %dma_wait3A_31 = arith.constant 0 : i32
        %dma_wait3A_32 = arith.constant 0 : i32
        %dma_wait3A_33 = tpu.memref_slice %arg4[%add3A, %dma_wait3A_31, %dma_wait3A_32] : memref<1568x4x256xi32, #tpu.memory_space<hbm>> -> memref<1x4x256xi32, #tpu.memory_space<hbm>>
        %dma_wait3A_34 = tpu.memref_squeeze %dma_wait3A_33 : memref<1x4x256xi32, #tpu.memory_space<hbm>> -> memref<4x256xi32, #tpu.memory_space<hbm>>
        tpu.wait_dma2 semaphore(%arg12 : memref<!tpu.dma_semaphore, #tpu.memory_space<semaphore_mem>>) src(%dma_wait3A_34 : memref<4x256xi32, #tpu.memory_space<hbm>>) dst(%arg8 : memref<4x256xi32, #tpu.memory_space<vmem>>)
        %dma_start3A_35 = arith.constant 0 : i32
        %dma_start3A_36 = arith.constant 0 : i32
        %dma_start3A_37 = tpu.memref_slice %arg8[%dma_start3A_35, %dma_start3A_36] : memref<4x256xi32, #tpu.memory_space<vmem>> -> memref<1x256xi32, #tpu.memory_space<vmem>>
        %dma_start3A_38 = tpu.memref_squeeze %dma_start3A_37 : memref<1x256xi32, #tpu.memory_space<vmem>> -> memref<256xi32, #tpu.memory_space<vmem>>
        %dma_start3A_39 = arith.constant 0 : i32
        %dma_start3A_40 = arith.constant 0 : i32
        %dma_start3A_41 = tpu.memref_slice %arg3[%dma_start3A_39, %dma_start3A_40] : memref<50000x32xf32, #tpu.memory_space<hbm>> -> memref<50000x32xf32, #tpu.memory_space<hbm>>
        tpu.enqueue_indirect_dma source(%dma_start3A_41 : memref<50000x32xf32, #tpu.memory_space<hbm>>) target(%arg9 : memref<256x32xf32, #tpu.memory_space<vmem>>) offsets(%dma_start3A_38 : memref<256xi32, #tpu.memory_space<vmem>>) semaphore(%arg13 : memref<!tpu.dma_semaphore, #tpu.memory_space<semaphore_mem>>)
        %dma_start3A_42 = arith.constant 1 : i32
        %dma_start3A_43 = arith.constant 0 : i32
        %dma_start3A_44 = tpu.memref_slice %arg8[%dma_start3A_42, %dma_start3A_43] : memref<4x256xi32, #tpu.memory_space<vmem>> -> memref<1x256xi32, #tpu.memory_space<vmem>>
        %dma_start3A_45 = tpu.memref_squeeze %dma_start3A_44 : memref<1x256xi32, #tpu.memory_space<vmem>> -> memref<256xi32, #tpu.memory_space<vmem>>
        %dma_start3A_46 = arith.constant 0 : i32
        %dma_start3A_47 = arith.constant 0 : i32
        %dma_start3A_48 = tpu.memref_slice %arg3[%dma_start3A_46, %dma_start3A_47] : memref<50000x32xf32, #tpu.memory_space<hbm>> -> memref<50000x32xf32, #tpu.memory_space<hbm>>
        tpu.enqueue_indirect_dma source(%dma_start3A_48 : memref<50000x32xf32, #tpu.memory_space<hbm>>) target(%arg10 : memref<256x32xf32, #tpu.memory_space<vmem>>) offsets(%dma_start3A_45 : memref<256xi32, #tpu.memory_space<vmem>>) semaphore(%arg14 : memref<!tpu.dma_semaphore, #tpu.memory_space<semaphore_mem>>)
        %dma_wait3A_49 = arith.constant 0 : i32
        %dma_wait3A_50 = arith.constant 0 : i32
        %dma_wait3A_51 = tpu.memref_slice %arg8[%dma_wait3A_49, %dma_wait3A_50] : memref<4x256xi32, #tpu.memory_space<vmem>> -> memref<1x256xi32, #tpu.memory_space<vmem>>
        %dma_wait3A_52 = tpu.memref_squeeze %dma_wait3A_51 : memref<1x256xi32, #tpu.memory_space<vmem>> -> memref<256xi32, #tpu.memory_space<vmem>>
        %dma_wait3A_53 = arith.constant 0 : i32
        %dma_wait3A_54 = arith.constant 0 : i32
        %dma_wait3A_55 = tpu.memref_slice %arg3[%dma_wait3A_53, %dma_wait3A_54] : memref<50000x32xf32, #tpu.memory_space<hbm>> -> memref<50000x32xf32, #tpu.memory_space<hbm>>
        tpu.wait_indirect_dma semaphore(%arg13 : memref<!tpu.dma_semaphore, #tpu.memory_space<semaphore_mem>>) src(%dma_wait3A_55 : memref<50000x32xf32, #tpu.memory_space<hbm>>) dst(%arg9 : memref<256x32xf32, #tpu.memory_space<vmem>>)
        %dma_start3A_56 = arith.constant 2 : i32
        %dma_start3A_57 = arith.constant 0 : i32
        %dma_start3A_58 = tpu.memref_slice %arg8[%dma_start3A_56, %dma_start3A_57] : memref<4x256xi32, #tpu.memory_space<vmem>> -> memref<1x256xi32, #tpu.memory_space<vmem>>
        %dma_start3A_59 = tpu.memref_squeeze %dma_start3A_58 : memref<1x256xi32, #tpu.memory_space<vmem>> -> memref<256xi32, #tpu.memory_space<vmem>>
        %dma_start3A_60 = arith.constant 0 : i32
        %dma_start3A_61 = arith.constant 0 : i32
        %dma_start3A_62 = tpu.memref_slice %arg11[%dma_start3A_60, %dma_start3A_61] : memref<51200x32xf32, #tpu.memory_space<vmem_shared>> -> memref<51200x32xf32, #tpu.memory_space<vmem_shared>>
        tpu.enqueue_indirect_dma source(%arg9 : memref<256x32xf32, #tpu.memory_space<vmem>>) target(%dma_start3A_62 : memref<51200x32xf32, #tpu.memory_space<vmem_shared>>) offsets(%dma_start3A_59 : memref<256xi32, #tpu.memory_space<vmem>>) semaphore(%arg15 : memref<!tpu.dma_semaphore, #tpu.memory_space<semaphore_mem>>) {add = true}
        %dma_wait3A_63 = arith.constant 1 : i32
        %dma_wait3A_64 = arith.constant 0 : i32
        %dma_wait3A_65 = tpu.memref_slice %arg8[%dma_wait3A_63, %dma_wait3A_64] : memref<4x256xi32, #tpu.memory_space<vmem>> -> memref<1x256xi32, #tpu.memory_space<vmem>>
        %dma_wait3A_66 = tpu.memref_squeeze %dma_wait3A_65 : memref<1x256xi32, #tpu.memory_space<vmem>> -> memref<256xi32, #tpu.memory_space<vmem>>
        %dma_wait3A_67 = arith.constant 0 : i32
        %dma_wait3A_68 = arith.constant 0 : i32
        %dma_wait3A_69 = tpu.memref_slice %arg3[%dma_wait3A_67, %dma_wait3A_68] : memref<50000x32xf32, #tpu.memory_space<hbm>> -> memref<50000x32xf32, #tpu.memory_space<hbm>>
        tpu.wait_indirect_dma semaphore(%arg14 : memref<!tpu.dma_semaphore, #tpu.memory_space<semaphore_mem>>) src(%dma_wait3A_69 : memref<50000x32xf32, #tpu.memory_space<hbm>>) dst(%arg10 : memref<256x32xf32, #tpu.memory_space<vmem>>)
        %dma_start3A_70 = arith.constant 3 : i32
        %dma_start3A_71 = arith.constant 0 : i32
        %dma_start3A_72 = tpu.memref_slice %arg8[%dma_start3A_70, %dma_start3A_71] : memref<4x256xi32, #tpu.memory_space<vmem>> -> memref<1x256xi32, #tpu.memory_space<vmem>>
        %dma_start3A_73 = tpu.memref_squeeze %dma_start3A_72 : memref<1x256xi32, #tpu.memory_space<vmem>> -> memref<256xi32, #tpu.memory_space<vmem>>
        %dma_start3A_74 = arith.constant 0 : i32
        %dma_start3A_75 = arith.constant 0 : i32
        %dma_start3A_76 = tpu.memref_slice %arg11[%dma_start3A_74, %dma_start3A_75] : memref<51200x32xf32, #tpu.memory_space<vmem_shared>> -> memref<51200x32xf32, #tpu.memory_space<vmem_shared>>
        tpu.enqueue_indirect_dma source(%arg10 : memref<256x32xf32, #tpu.memory_space<vmem>>) target(%dma_start3A_76 : memref<51200x32xf32, #tpu.memory_space<vmem_shared>>) offsets(%dma_start3A_73 : memref<256xi32, #tpu.memory_space<vmem>>) semaphore(%arg15 : memref<!tpu.dma_semaphore, #tpu.memory_space<semaphore_mem>>) {add = true}
        %dma_wait3A_77 = arith.constant 2 : i32
        %dma_wait3A_78 = arith.constant 0 : i32
        %dma_wait3A_79 = tpu.memref_slice %arg8[%dma_wait3A_77, %dma_wait3A_78] : memref<4x256xi32, #tpu.memory_space<vmem>> -> memref<1x256xi32, #tpu.memory_space<vmem>>
        %dma_wait3A_80 = tpu.memref_squeeze %dma_wait3A_79 : memref<1x256xi32, #tpu.memory_space<vmem>> -> memref<256xi32, #tpu.memory_space<vmem>>
        %dma_wait3A_81 = arith.constant 0 : i32
        %dma_wait3A_82 = arith.constant 0 : i32
        %dma_wait3A_83 = tpu.memref_slice %arg11[%dma_wait3A_81, %dma_wait3A_82] : memref<51200x32xf32, #tpu.memory_space<vmem_shared>> -> memref<51200x32xf32, #tpu.memory_space<vmem_shared>>
        tpu.wait_indirect_dma semaphore(%arg15 : memref<!tpu.dma_semaphore, #tpu.memory_space<semaphore_mem>>) src(%arg9 : memref<256x32xf32, #tpu.memory_space<vmem>>) dst(%dma_wait3A_83 : memref<51200x32xf32, #tpu.memory_space<vmem_shared>>)
        %dma_wait3A_84 = arith.constant 3 : i32
        %dma_wait3A_85 = arith.constant 0 : i32
        %dma_wait3A_86 = tpu.memref_slice %arg8[%dma_wait3A_84, %dma_wait3A_85] : memref<4x256xi32, #tpu.memory_space<vmem>> -> memref<1x256xi32, #tpu.memory_space<vmem>>
        %dma_wait3A_87 = tpu.memref_squeeze %dma_wait3A_86 : memref<1x256xi32, #tpu.memory_space<vmem>> -> memref<256xi32, #tpu.memory_space<vmem>>
        %dma_wait3A_88 = arith.constant 0 : i32
        %dma_wait3A_89 = arith.constant 0 : i32
        %dma_wait3A_90 = tpu.memref_slice %arg11[%dma_wait3A_88, %dma_wait3A_89] : memref<51200x32xf32, #tpu.memory_space<vmem_shared>> -> memref<51200x32xf32, #tpu.memory_space<vmem_shared>>
        tpu.wait_indirect_dma semaphore(%arg15 : memref<!tpu.dma_semaphore, #tpu.memory_space<semaphore_mem>>) src(%arg10 : memref<256x32xf32, #tpu.memory_space<vmem>>) dst(%dma_wait3A_90 : memref<51200x32xf32, #tpu.memory_space<vmem_shared>>)
      }
      %scan3A_12 = arith.constant 98 : i32
      %barrier3A_13 = arith.constant 0 : index
      tpu.barrier barrier_id(%barrier3A_13)
      %mul3A_14 = arith.constant 3200 : i32
      %mul3A_15 = arith.muli %arg1, %mul3A_14 : i32
      %mul3A_16 = arith.constant 3200 : i32
      %mul3A_17 = arith.muli %arg1, %mul3A_16 : i32
      "tpu.region"() ({
        %run_scoped3A = tpu.sem_alloc : memref<!tpu.dma_semaphore, #tpu.memory_space<semaphore_mem>>
        %dma_start3A = arith.constant 0 : i32
        %dma_start3A_18 = tpu.memref_slice %arg7[%mul3A_17, %dma_start3A] : memref<51200x32xf32, #tpu.memory_space<hbm>> -> memref<3200x32xf32, #tpu.memory_space<hbm>>
        %dma_start3A_19 = arith.constant 0 : i32
        %dma_start3A_20 = tpu.memref_slice %arg11[%mul3A_15, %dma_start3A_19] : memref<51200x32xf32, #tpu.memory_space<vmem_shared>> -> memref<3200x32xf32, #tpu.memory_space<vmem_shared>>
        tpu.enqueue_dma source(%dma_start3A_20 : memref<3200x32xf32, #tpu.memory_space<vmem_shared>>) target(%dma_start3A_18 : memref<3200x32xf32, #tpu.memory_space<hbm>>) target_semaphore(%run_scoped3A : memref<!tpu.dma_semaphore, #tpu.memory_space<semaphore_mem>>)
        %dma_wait3A = arith.constant 0 : i32
        %dma_wait3A_21 = tpu.memref_slice %arg7[%mul3A_17, %dma_wait3A] : memref<51200x32xf32, #tpu.memory_space<hbm>> -> memref<3200x32xf32, #tpu.memory_space<hbm>>
        %dma_wait3A_22 = arith.constant 0 : i32
        %dma_wait3A_23 = tpu.memref_slice %arg11[%mul3A_15, %dma_wait3A_22] : memref<51200x32xf32, #tpu.memory_space<vmem_shared>> -> memref<3200x32xf32, #tpu.memory_space<vmem_shared>>
        tpu.wait_dma2 semaphore(%run_scoped3A : memref<!tpu.dma_semaphore, #tpu.memory_space<semaphore_mem>>) src(%dma_wait3A_23 : memref<3200x32xf32, #tpu.memory_space<vmem_shared>>) dst(%dma_wait3A_21 : memref<3200x32xf32, #tpu.memory_space<hbm>>)
        tpu.yield
      }) : () -> ()
    } else {
    }
    return
  }
}

#map = affine_map<(d0, d1) -> (0, 0)>
#map1 = affine_map<(d0, d1) -> (0, 0, 0)>
module attributes {stable_mosaic.version = 14 : i64} {
  func.func @agg(%arg0: i32, %arg1: i32, %arg2: memref<50000x32xf32, #tpu.memory_space<hbm>>, %arg3: memref<50000x32xf32, #tpu.memory_space<hbm>>, %arg4: memref<1568x4x256xi32, #tpu.memory_space<hbm>>, %arg5: memref<3200x32xf32, #tpu.memory_space<hbm>>, %arg6: memref<51200x32xf32, #tpu.memory_space<hbm>>, %arg7: memref<51200x32xf32, #tpu.memory_space<hbm>>, %arg8: memref<4x256xi32, #tpu.memory_space<vmem>>, %arg9: memref<256x32xf32, #tpu.memory_space<vmem>>, %arg10: memref<256x32xf32, #tpu.memory_space<vmem>>, %arg11: memref<51200x32xf32, #tpu.memory_space<vmem_shared>>, %arg12: memref<!tpu.dma_semaphore, #tpu.memory_space<semaphore_mem>>, %arg13: memref<!tpu.dma_semaphore, #tpu.memory_space<semaphore_mem>>, %arg14: memref<!tpu.dma_semaphore, #tpu.memory_space<semaphore_mem>>, %arg15: memref<!tpu.dma_semaphore, #tpu.memory_space<semaphore_mem>>) attributes {dimension_semantics = [#tpu.dimension_semantics<core_parallel>, #tpu.dimension_semantics<subcore_parallel>], iteration_bounds = array<i64: 2, 16>, scalar_prefetch = 0 : i64, scratch_operands = 8 : i64, tpu.core_type = #tpu.core_type<sc_vector_subcore>, window_params = [{transform_indices = #map}, {transform_indices = #map}, {transform_indices = #map1}, {transform_indices = #map}, {transform_indices = #map}, {transform_indices = #map}]} {
    %mul3A = arith.constant 3200 : i32
    %mul3A_0 = arith.muli %arg1, %mul3A : i32
    "tpu.region"() ({
      %run_scoped3A = tpu.sem_alloc : memref<!tpu.dma_semaphore, #tpu.memory_space<semaphore_mem>>
      %dma_start3A = arith.constant 0 : i32
      %dma_start3A_8 = tpu.memref_slice %arg11[%mul3A_0, %dma_start3A] : memref<51200x32xf32, #tpu.memory_space<vmem_shared>> -> memref<3200x32xf32, #tpu.memory_space<vmem_shared>>
      tpu.enqueue_dma source(%arg5 : memref<3200x32xf32, #tpu.memory_space<hbm>>) target(%dma_start3A_8 : memref<3200x32xf32, #tpu.memory_space<vmem_shared>>) target_semaphore(%run_scoped3A : memref<!tpu.dma_semaphore, #tpu.memory_space<semaphore_mem>>)
      %dma_wait3A = arith.constant 0 : i32
      %dma_wait3A_9 = tpu.memref_slice %arg11[%mul3A_0, %dma_wait3A] : memref<51200x32xf32, #tpu.memory_space<vmem_shared>> -> memref<3200x32xf32, #tpu.memory_space<vmem_shared>>
      tpu.wait_dma2 semaphore(%run_scoped3A : memref<!tpu.dma_semaphore, #tpu.memory_space<semaphore_mem>>) src(%arg5 : memref<3200x32xf32, #tpu.memory_space<hbm>>) dst(%dma_wait3A_9 : memref<3200x32xf32, #tpu.memory_space<vmem_shared>>)
      tpu.yield
    }) : () -> ()
    %barrier3A = arith.constant 0 : index
    tpu.barrier barrier_id(%barrier3A)
    %eq3A = arith.constant 0 : i32
    %eq3A_1 = arith.cmpi eq, %arg0, %eq3A : i32
    %convert_element_type3A = arith.extui %eq3A_1 : i1 to i32
    %cond3A = arith.constant 0 : i32
    %cond3A_2 = arith.cmpi ne, %convert_element_type3A, %cond3A : i32
    scf.if %cond3A_2 {
      %scan3A = arith.constant 0 : i32
      %scan3A_8 = arith.constant 0 : i32
      %scan3A_9 = arith.constant 98 : i32
      %scan3A_10 = arith.addi %scan3A_8, %scan3A_9 : i32
      %scan3A_11 = arith.constant 1 : i32
      scf.for %scan3A_18 = %scan3A_8 to %scan3A_10 step %scan3A_11  : i32 {
        %mul3A_19 = arith.constant 98 : i32
        %mul3A_20 = arith.muli %arg1, %mul3A_19 : i32
        %add3A = arith.addi %mul3A_20, %scan3A_18 : i32
        %dma_start3A = arith.constant 0 : i32
        %dma_start3A_21 = arith.constant 0 : i32
        %dma_start3A_22 = tpu.memref_slice %arg4[%add3A, %dma_start3A, %dma_start3A_21] : memref<1568x4x256xi32, #tpu.memory_space<hbm>> -> memref<1x4x256xi32, #tpu.memory_space<hbm>>
        %dma_start3A_23 = tpu.memref_squeeze %dma_start3A_22 : memref<1x4x256xi32, #tpu.memory_space<hbm>> -> memref<4x256xi32, #tpu.memory_space<hbm>>
        %dma_start3A_24 = arith.constant 0 : i32
        %dma_start3A_25 = arith.constant 0 : i32
        %dma_start3A_26 = tpu.memref_slice %arg4[%add3A, %dma_start3A_24, %dma_start3A_25] : memref<1568x4x256xi32, #tpu.memory_space<hbm>> -> memref<1x4x256xi32, #tpu.memory_space<hbm>>
        %dma_start3A_27 = tpu.memref_squeeze %dma_start3A_26 : memref<1x4x256xi32, #tpu.memory_space<hbm>> -> memref<4x256xi32, #tpu.memory_space<hbm>>
        tpu.enqueue_dma source(%dma_start3A_27 : memref<4x256xi32, #tpu.memory_space<hbm>>) target(%arg8 : memref<4x256xi32, #tpu.memory_space<vmem>>) target_semaphore(%arg12 : memref<!tpu.dma_semaphore, #tpu.memory_space<semaphore_mem>>)
        %dma_wait3A = arith.constant 0 : i32
        %dma_wait3A_28 = arith.constant 0 : i32
        %dma_wait3A_29 = tpu.memref_slice %arg4[%add3A, %dma_wait3A, %dma_wait3A_28] : memref<1568x4x256xi32, #tpu.memory_space<hbm>> -> memref<1x4x256xi32, #tpu.memory_space<hbm>>
        %dma_wait3A_30 = tpu.memref_squeeze %dma_wait3A_29 : memref<1x4x256xi32, #tpu.memory_space<hbm>> -> memref<4x256xi32, #tpu.memory_space<hbm>>
        %dma_wait3A_31 = arith.constant 0 : i32
        %dma_wait3A_32 = arith.constant 0 : i32
        %dma_wait3A_33 = tpu.memref_slice %arg4[%add3A, %dma_wait3A_31, %dma_wait3A_32] : memref<1568x4x256xi32, #tpu.memory_space<hbm>> -> memref<1x4x256xi32, #tpu.memory_space<hbm>>
        %dma_wait3A_34 = tpu.memref_squeeze %dma_wait3A_33 : memref<1x4x256xi32, #tpu.memory_space<hbm>> -> memref<4x256xi32, #tpu.memory_space<hbm>>
        tpu.wait_dma2 semaphore(%arg12 : memref<!tpu.dma_semaphore, #tpu.memory_space<semaphore_mem>>) src(%dma_wait3A_34 : memref<4x256xi32, #tpu.memory_space<hbm>>) dst(%arg8 : memref<4x256xi32, #tpu.memory_space<vmem>>)
        %dma_start3A_35 = arith.constant 0 : i32
        %dma_start3A_36 = arith.constant 0 : i32
        %dma_start3A_37 = tpu.memref_slice %arg8[%dma_start3A_35, %dma_start3A_36] : memref<4x256xi32, #tpu.memory_space<vmem>> -> memref<1x256xi32, #tpu.memory_space<vmem>>
        %dma_start3A_38 = tpu.memref_squeeze %dma_start3A_37 : memref<1x256xi32, #tpu.memory_space<vmem>> -> memref<256xi32, #tpu.memory_space<vmem>>
        %dma_start3A_39 = arith.constant 0 : i32
        %dma_start3A_40 = arith.constant 0 : i32
        %dma_start3A_41 = tpu.memref_slice %arg2[%dma_start3A_39, %dma_start3A_40] : memref<50000x32xf32, #tpu.memory_space<hbm>> -> memref<50000x32xf32, #tpu.memory_space<hbm>>
        tpu.enqueue_indirect_dma source(%dma_start3A_41 : memref<50000x32xf32, #tpu.memory_space<hbm>>) target(%arg9 : memref<256x32xf32, #tpu.memory_space<vmem>>) offsets(%dma_start3A_38 : memref<256xi32, #tpu.memory_space<vmem>>) semaphore(%arg13 : memref<!tpu.dma_semaphore, #tpu.memory_space<semaphore_mem>>)
        %dma_start3A_42 = arith.constant 1 : i32
        %dma_start3A_43 = arith.constant 0 : i32
        %dma_start3A_44 = tpu.memref_slice %arg8[%dma_start3A_42, %dma_start3A_43] : memref<4x256xi32, #tpu.memory_space<vmem>> -> memref<1x256xi32, #tpu.memory_space<vmem>>
        %dma_start3A_45 = tpu.memref_squeeze %dma_start3A_44 : memref<1x256xi32, #tpu.memory_space<vmem>> -> memref<256xi32, #tpu.memory_space<vmem>>
        %dma_start3A_46 = arith.constant 0 : i32
        %dma_start3A_47 = arith.constant 0 : i32
        %dma_start3A_48 = tpu.memref_slice %arg2[%dma_start3A_46, %dma_start3A_47] : memref<50000x32xf32, #tpu.memory_space<hbm>> -> memref<50000x32xf32, #tpu.memory_space<hbm>>
        tpu.enqueue_indirect_dma source(%dma_start3A_48 : memref<50000x32xf32, #tpu.memory_space<hbm>>) target(%arg10 : memref<256x32xf32, #tpu.memory_space<vmem>>) offsets(%dma_start3A_45 : memref<256xi32, #tpu.memory_space<vmem>>) semaphore(%arg14 : memref<!tpu.dma_semaphore, #tpu.memory_space<semaphore_mem>>)
        %dma_wait3A_49 = arith.constant 0 : i32
        %dma_wait3A_50 = arith.constant 0 : i32
        %dma_wait3A_51 = tpu.memref_slice %arg8[%dma_wait3A_49, %dma_wait3A_50] : memref<4x256xi32, #tpu.memory_space<vmem>> -> memref<1x256xi32, #tpu.memory_space<vmem>>
        %dma_wait3A_52 = tpu.memref_squeeze %dma_wait3A_51 : memref<1x256xi32, #tpu.memory_space<vmem>> -> memref<256xi32, #tpu.memory_space<vmem>>
        %dma_wait3A_53 = arith.constant 0 : i32
        %dma_wait3A_54 = arith.constant 0 : i32
        %dma_wait3A_55 = tpu.memref_slice %arg2[%dma_wait3A_53, %dma_wait3A_54] : memref<50000x32xf32, #tpu.memory_space<hbm>> -> memref<50000x32xf32, #tpu.memory_space<hbm>>
        tpu.wait_indirect_dma semaphore(%arg13 : memref<!tpu.dma_semaphore, #tpu.memory_space<semaphore_mem>>) src(%dma_wait3A_55 : memref<50000x32xf32, #tpu.memory_space<hbm>>) dst(%arg9 : memref<256x32xf32, #tpu.memory_space<vmem>>)
        %dma_start3A_56 = arith.constant 2 : i32
        %dma_start3A_57 = arith.constant 0 : i32
        %dma_start3A_58 = tpu.memref_slice %arg8[%dma_start3A_56, %dma_start3A_57] : memref<4x256xi32, #tpu.memory_space<vmem>> -> memref<1x256xi32, #tpu.memory_space<vmem>>
        %dma_start3A_59 = tpu.memref_squeeze %dma_start3A_58 : memref<1x256xi32, #tpu.memory_space<vmem>> -> memref<256xi32, #tpu.memory_space<vmem>>
        %dma_start3A_60 = arith.constant 0 : i32
        %dma_start3A_61 = arith.constant 0 : i32
        %dma_start3A_62 = tpu.memref_slice %arg11[%dma_start3A_60, %dma_start3A_61] : memref<51200x32xf32, #tpu.memory_space<vmem_shared>> -> memref<51200x32xf32, #tpu.memory_space<vmem_shared>>
        tpu.enqueue_indirect_dma source(%arg9 : memref<256x32xf32, #tpu.memory_space<vmem>>) target(%dma_start3A_62 : memref<51200x32xf32, #tpu.memory_space<vmem_shared>>) offsets(%dma_start3A_59 : memref<256xi32, #tpu.memory_space<vmem>>) semaphore(%arg15 : memref<!tpu.dma_semaphore, #tpu.memory_space<semaphore_mem>>) {add = true}
        %dma_wait3A_63 = arith.constant 1 : i32
        %dma_wait3A_64 = arith.constant 0 : i32
        %dma_wait3A_65 = tpu.memref_slice %arg8[%dma_wait3A_63, %dma_wait3A_64] : memref<4x256xi32, #tpu.memory_space<vmem>> -> memref<1x256xi32, #tpu.memory_space<vmem>>
        %dma_wait3A_66 = tpu.memref_squeeze %dma_wait3A_65 : memref<1x256xi32, #tpu.memory_space<vmem>> -> memref<256xi32, #tpu.memory_space<vmem>>
        %dma_wait3A_67 = arith.constant 0 : i32
        %dma_wait3A_68 = arith.constant 0 : i32
        %dma_wait3A_69 = tpu.memref_slice %arg2[%dma_wait3A_67, %dma_wait3A_68] : memref<50000x32xf32, #tpu.memory_space<hbm>> -> memref<50000x32xf32, #tpu.memory_space<hbm>>
        tpu.wait_indirect_dma semaphore(%arg14 : memref<!tpu.dma_semaphore, #tpu.memory_space<semaphore_mem>>) src(%dma_wait3A_69 : memref<50000x32xf32, #tpu.memory_space<hbm>>) dst(%arg10 : memref<256x32xf32, #tpu.memory_space<vmem>>)
        %dma_start3A_70 = arith.constant 3 : i32
        %dma_start3A_71 = arith.constant 0 : i32
        %dma_start3A_72 = tpu.memref_slice %arg8[%dma_start3A_70, %dma_start3A_71] : memref<4x256xi32, #tpu.memory_space<vmem>> -> memref<1x256xi32, #tpu.memory_space<vmem>>
        %dma_start3A_73 = tpu.memref_squeeze %dma_start3A_72 : memref<1x256xi32, #tpu.memory_space<vmem>> -> memref<256xi32, #tpu.memory_space<vmem>>
        %dma_start3A_74 = arith.constant 0 : i32
        %dma_start3A_75 = arith.constant 0 : i32
        %dma_start3A_76 = tpu.memref_slice %arg11[%dma_start3A_74, %dma_start3A_75] : memref<51200x32xf32, #tpu.memory_space<vmem_shared>> -> memref<51200x32xf32, #tpu.memory_space<vmem_shared>>
        tpu.enqueue_indirect_dma source(%arg10 : memref<256x32xf32, #tpu.memory_space<vmem>>) target(%dma_start3A_76 : memref<51200x32xf32, #tpu.memory_space<vmem_shared>>) offsets(%dma_start3A_73 : memref<256xi32, #tpu.memory_space<vmem>>) semaphore(%arg15 : memref<!tpu.dma_semaphore, #tpu.memory_space<semaphore_mem>>) {add = true}
        %dma_wait3A_77 = arith.constant 2 : i32
        %dma_wait3A_78 = arith.constant 0 : i32
        %dma_wait3A_79 = tpu.memref_slice %arg8[%dma_wait3A_77, %dma_wait3A_78] : memref<4x256xi32, #tpu.memory_space<vmem>> -> memref<1x256xi32, #tpu.memory_space<vmem>>
        %dma_wait3A_80 = tpu.memref_squeeze %dma_wait3A_79 : memref<1x256xi32, #tpu.memory_space<vmem>> -> memref<256xi32, #tpu.memory_space<vmem>>
        %dma_wait3A_81 = arith.constant 0 : i32
        %dma_wait3A_82 = arith.constant 0 : i32
        %dma_wait3A_83 = tpu.memref_slice %arg11[%dma_wait3A_81, %dma_wait3A_82] : memref<51200x32xf32, #tpu.memory_space<vmem_shared>> -> memref<51200x32xf32, #tpu.memory_space<vmem_shared>>
        tpu.wait_indirect_dma semaphore(%arg15 : memref<!tpu.dma_semaphore, #tpu.memory_space<semaphore_mem>>) src(%arg9 : memref<256x32xf32, #tpu.memory_space<vmem>>) dst(%dma_wait3A_83 : memref<51200x32xf32, #tpu.memory_space<vmem_shared>>)
        %dma_wait3A_84 = arith.constant 3 : i32
        %dma_wait3A_85 = arith.constant 0 : i32
        %dma_wait3A_86 = tpu.memref_slice %arg8[%dma_wait3A_84, %dma_wait3A_85] : memref<4x256xi32, #tpu.memory_space<vmem>> -> memref<1x256xi32, #tpu.memory_space<vmem>>
        %dma_wait3A_87 = tpu.memref_squeeze %dma_wait3A_86 : memref<1x256xi32, #tpu.memory_space<vmem>> -> memref<256xi32, #tpu.memory_space<vmem>>
        %dma_wait3A_88 = arith.constant 0 : i32
        %dma_wait3A_89 = arith.constant 0 : i32
        %dma_wait3A_90 = tpu.memref_slice %arg11[%dma_wait3A_88, %dma_wait3A_89] : memref<51200x32xf32, #tpu.memory_space<vmem_shared>> -> memref<51200x32xf32, #tpu.memory_space<vmem_shared>>
        tpu.wait_indirect_dma semaphore(%arg15 : memref<!tpu.dma_semaphore, #tpu.memory_space<semaphore_mem>>) src(%arg10 : memref<256x32xf32, #tpu.memory_space<vmem>>) dst(%dma_wait3A_90 : memref<51200x32xf32, #tpu.memory_space<vmem_shared>>)
      }
      %scan3A_12 = arith.constant 98 : i32
      %barrier3A_13 = arith.constant 0 : index
      tpu.barrier barrier_id(%barrier3A_13)
      %mul3A_14 = arith.constant 3200 : i32
      %mul3A_15 = arith.muli %arg1, %mul3A_14 : i32
      %mul3A_16 = arith.constant 3200 : i32
      %mul3A_17 = arith.muli %arg1, %mul3A_16 : i32
      "tpu.region"() ({
        %run_scoped3A = tpu.sem_alloc : memref<!tpu.dma_semaphore, #tpu.memory_space<semaphore_mem>>
        %dma_start3A = arith.constant 0 : i32
        %dma_start3A_18 = tpu.memref_slice %arg6[%mul3A_17, %dma_start3A] : memref<51200x32xf32, #tpu.memory_space<hbm>> -> memref<3200x32xf32, #tpu.memory_space<hbm>>
        %dma_start3A_19 = arith.constant 0 : i32
        %dma_start3A_20 = tpu.memref_slice %arg11[%mul3A_15, %dma_start3A_19] : memref<51200x32xf32, #tpu.memory_space<vmem_shared>> -> memref<3200x32xf32, #tpu.memory_space<vmem_shared>>
        tpu.enqueue_dma source(%dma_start3A_20 : memref<3200x32xf32, #tpu.memory_space<vmem_shared>>) target(%dma_start3A_18 : memref<3200x32xf32, #tpu.memory_space<hbm>>) target_semaphore(%run_scoped3A : memref<!tpu.dma_semaphore, #tpu.memory_space<semaphore_mem>>)
        %dma_wait3A = arith.constant 0 : i32
        %dma_wait3A_21 = tpu.memref_slice %arg6[%mul3A_17, %dma_wait3A] : memref<51200x32xf32, #tpu.memory_space<hbm>> -> memref<3200x32xf32, #tpu.memory_space<hbm>>
        %dma_wait3A_22 = arith.constant 0 : i32
        %dma_wait3A_23 = tpu.memref_slice %arg11[%mul3A_15, %dma_wait3A_22] : memref<51200x32xf32, #tpu.memory_space<vmem_shared>> -> memref<3200x32xf32, #tpu.memory_space<vmem_shared>>
        tpu.wait_dma2 semaphore(%run_scoped3A : memref<!tpu.dma_semaphore, #tpu.memory_space<semaphore_mem>>) src(%dma_wait3A_23 : memref<3200x32xf32, #tpu.memory_space<vmem_shared>>) dst(%dma_wait3A_21 : memref<3200x32xf32, #tpu.memory_space<hbm>>)
        tpu.yield
      }) : () -> ()
    } else {
    }
    %eq3A_3 = arith.constant 1 : i32
    %eq3A_4 = arith.cmpi eq, %arg0, %eq3A_3 : i32
    %convert_element_type3A_5 = arith.extui %eq3A_4 : i1 to i32
    %cond3A_6 = arith.constant 0 : i32
    %cond3A_7 = arith.cmpi ne, %convert_element_type3A_5, %cond3A_6 : i32
    scf.if %cond3A_7 {
      %scan3A = arith.constant 0 : i32
      %scan3A_8 = arith.constant 0 : i32
      %scan3A_9 = arith.constant 98 : i32
      %scan3A_10 = arith.addi %scan3A_8, %scan3A_9 : i32
      %scan3A_11 = arith.constant 1 : i32
      scf.for %scan3A_18 = %scan3A_8 to %scan3A_10 step %scan3A_11  : i32 {
        %mul3A_19 = arith.constant 98 : i32
        %mul3A_20 = arith.muli %arg1, %mul3A_19 : i32
        %add3A = arith.addi %mul3A_20, %scan3A_18 : i32
        %dma_start3A = arith.constant 0 : i32
        %dma_start3A_21 = arith.constant 0 : i32
        %dma_start3A_22 = tpu.memref_slice %arg4[%add3A, %dma_start3A, %dma_start3A_21] : memref<1568x4x256xi32, #tpu.memory_space<hbm>> -> memref<1x4x256xi32, #tpu.memory_space<hbm>>
        %dma_start3A_23 = tpu.memref_squeeze %dma_start3A_22 : memref<1x4x256xi32, #tpu.memory_space<hbm>> -> memref<4x256xi32, #tpu.memory_space<hbm>>
        %dma_start3A_24 = arith.constant 0 : i32
        %dma_start3A_25 = arith.constant 0 : i32
        %dma_start3A_26 = tpu.memref_slice %arg4[%add3A, %dma_start3A_24, %dma_start3A_25] : memref<1568x4x256xi32, #tpu.memory_space<hbm>> -> memref<1x4x256xi32, #tpu.memory_space<hbm>>
        %dma_start3A_27 = tpu.memref_squeeze %dma_start3A_26 : memref<1x4x256xi32, #tpu.memory_space<hbm>> -> memref<4x256xi32, #tpu.memory_space<hbm>>
        tpu.enqueue_dma source(%dma_start3A_27 : memref<4x256xi32, #tpu.memory_space<hbm>>) target(%arg8 : memref<4x256xi32, #tpu.memory_space<vmem>>) target_semaphore(%arg12 : memref<!tpu.dma_semaphore, #tpu.memory_space<semaphore_mem>>)
        %dma_wait3A = arith.constant 0 : i32
        %dma_wait3A_28 = arith.constant 0 : i32
        %dma_wait3A_29 = tpu.memref_slice %arg4[%add3A, %dma_wait3A, %dma_wait3A_28] : memref<1568x4x256xi32, #tpu.memory_space<hbm>> -> memref<1x4x256xi32, #tpu.memory_space<hbm>>
        %dma_wait3A_30 = tpu.memref_squeeze %dma_wait3A_29 : memref<1x4x256xi32, #tpu.memory_space<hbm>> -> memref<4x256xi32, #tpu.memory_space<hbm>>
        %dma_wait3A_31 = arith.constant 0 : i32
        %dma_wait3A_32 = arith.constant 0 : i32
        %dma_wait3A_33 = tpu.memref_slice %arg4[%add3A, %dma_wait3A_31, %dma_wait3A_32] : memref<1568x4x256xi32, #tpu.memory_space<hbm>> -> memref<1x4x256xi32, #tpu.memory_space<hbm>>
        %dma_wait3A_34 = tpu.memref_squeeze %dma_wait3A_33 : memref<1x4x256xi32, #tpu.memory_space<hbm>> -> memref<4x256xi32, #tpu.memory_space<hbm>>
        tpu.wait_dma2 semaphore(%arg12 : memref<!tpu.dma_semaphore, #tpu.memory_space<semaphore_mem>>) src(%dma_wait3A_34 : memref<4x256xi32, #tpu.memory_space<hbm>>) dst(%arg8 : memref<4x256xi32, #tpu.memory_space<vmem>>)
        %dma_start3A_35 = arith.constant 0 : i32
        %dma_start3A_36 = arith.constant 0 : i32
        %dma_start3A_37 = tpu.memref_slice %arg8[%dma_start3A_35, %dma_start3A_36] : memref<4x256xi32, #tpu.memory_space<vmem>> -> memref<1x256xi32, #tpu.memory_space<vmem>>
        %dma_start3A_38 = tpu.memref_squeeze %dma_start3A_37 : memref<1x256xi32, #tpu.memory_space<vmem>> -> memref<256xi32, #tpu.memory_space<vmem>>
        %dma_start3A_39 = arith.constant 0 : i32
        %dma_start3A_40 = arith.constant 0 : i32
        %dma_start3A_41 = tpu.memref_slice %arg3[%dma_start3A_39, %dma_start3A_40] : memref<50000x32xf32, #tpu.memory_space<hbm>> -> memref<50000x32xf32, #tpu.memory_space<hbm>>
        tpu.enqueue_indirect_dma source(%dma_start3A_41 : memref<50000x32xf32, #tpu.memory_space<hbm>>) target(%arg9 : memref<256x32xf32, #tpu.memory_space<vmem>>) offsets(%dma_start3A_38 : memref<256xi32, #tpu.memory_space<vmem>>) semaphore(%arg13 : memref<!tpu.dma_semaphore, #tpu.memory_space<semaphore_mem>>)
        %dma_start3A_42 = arith.constant 1 : i32
        %dma_start3A_43 = arith.constant 0 : i32
        %dma_start3A_44 = tpu.memref_slice %arg8[%dma_start3A_42, %dma_start3A_43] : memref<4x256xi32, #tpu.memory_space<vmem>> -> memref<1x256xi32, #tpu.memory_space<vmem>>
        %dma_start3A_45 = tpu.memref_squeeze %dma_start3A_44 : memref<1x256xi32, #tpu.memory_space<vmem>> -> memref<256xi32, #tpu.memory_space<vmem>>
        %dma_start3A_46 = arith.constant 0 : i32
        %dma_start3A_47 = arith.constant 0 : i32
        %dma_start3A_48 = tpu.memref_slice %arg3[%dma_start3A_46, %dma_start3A_47] : memref<50000x32xf32, #tpu.memory_space<hbm>> -> memref<50000x32xf32, #tpu.memory_space<hbm>>
        tpu.enqueue_indirect_dma source(%dma_start3A_48 : memref<50000x32xf32, #tpu.memory_space<hbm>>) target(%arg10 : memref<256x32xf32, #tpu.memory_space<vmem>>) offsets(%dma_start3A_45 : memref<256xi32, #tpu.memory_space<vmem>>) semaphore(%arg14 : memref<!tpu.dma_semaphore, #tpu.memory_space<semaphore_mem>>)
        %dma_wait3A_49 = arith.constant 0 : i32
        %dma_wait3A_50 = arith.constant 0 : i32
        %dma_wait3A_51 = tpu.memref_slice %arg8[%dma_wait3A_49, %dma_wait3A_50] : memref<4x256xi32, #tpu.memory_space<vmem>> -> memref<1x256xi32, #tpu.memory_space<vmem>>
        %dma_wait3A_52 = tpu.memref_squeeze %dma_wait3A_51 : memref<1x256xi32, #tpu.memory_space<vmem>> -> memref<256xi32, #tpu.memory_space<vmem>>
        %dma_wait3A_53 = arith.constant 0 : i32
        %dma_wait3A_54 = arith.constant 0 : i32
        %dma_wait3A_55 = tpu.memref_slice %arg3[%dma_wait3A_53, %dma_wait3A_54] : memref<50000x32xf32, #tpu.memory_space<hbm>> -> memref<50000x32xf32, #tpu.memory_space<hbm>>
        tpu.wait_indirect_dma semaphore(%arg13 : memref<!tpu.dma_semaphore, #tpu.memory_space<semaphore_mem>>) src(%dma_wait3A_55 : memref<50000x32xf32, #tpu.memory_space<hbm>>) dst(%arg9 : memref<256x32xf32, #tpu.memory_space<vmem>>)
        %dma_start3A_56 = arith.constant 2 : i32
        %dma_start3A_57 = arith.constant 0 : i32
        %dma_start3A_58 = tpu.memref_slice %arg8[%dma_start3A_56, %dma_start3A_57] : memref<4x256xi32, #tpu.memory_space<vmem>> -> memref<1x256xi32, #tpu.memory_space<vmem>>
        %dma_start3A_59 = tpu.memref_squeeze %dma_start3A_58 : memref<1x256xi32, #tpu.memory_space<vmem>> -> memref<256xi32, #tpu.memory_space<vmem>>
        %dma_start3A_60 = arith.constant 0 : i32
        %dma_start3A_61 = arith.constant 0 : i32
        %dma_start3A_62 = tpu.memref_slice %arg11[%dma_start3A_60, %dma_start3A_61] : memref<51200x32xf32, #tpu.memory_space<vmem_shared>> -> memref<51200x32xf32, #tpu.memory_space<vmem_shared>>
        tpu.enqueue_indirect_dma source(%arg9 : memref<256x32xf32, #tpu.memory_space<vmem>>) target(%dma_start3A_62 : memref<51200x32xf32, #tpu.memory_space<vmem_shared>>) offsets(%dma_start3A_59 : memref<256xi32, #tpu.memory_space<vmem>>) semaphore(%arg15 : memref<!tpu.dma_semaphore, #tpu.memory_space<semaphore_mem>>) {add = true}
        %dma_wait3A_63 = arith.constant 1 : i32
        %dma_wait3A_64 = arith.constant 0 : i32
        %dma_wait3A_65 = tpu.memref_slice %arg8[%dma_wait3A_63, %dma_wait3A_64] : memref<4x256xi32, #tpu.memory_space<vmem>> -> memref<1x256xi32, #tpu.memory_space<vmem>>
        %dma_wait3A_66 = tpu.memref_squeeze %dma_wait3A_65 : memref<1x256xi32, #tpu.memory_space<vmem>> -> memref<256xi32, #tpu.memory_space<vmem>>
        %dma_wait3A_67 = arith.constant 0 : i32
        %dma_wait3A_68 = arith.constant 0 : i32
        %dma_wait3A_69 = tpu.memref_slice %arg3[%dma_wait3A_67, %dma_wait3A_68] : memref<50000x32xf32, #tpu.memory_space<hbm>> -> memref<50000x32xf32, #tpu.memory_space<hbm>>
        tpu.wait_indirect_dma semaphore(%arg14 : memref<!tpu.dma_semaphore, #tpu.memory_space<semaphore_mem>>) src(%dma_wait3A_69 : memref<50000x32xf32, #tpu.memory_space<hbm>>) dst(%arg10 : memref<256x32xf32, #tpu.memory_space<vmem>>)
        %dma_start3A_70 = arith.constant 3 : i32
        %dma_start3A_71 = arith.constant 0 : i32
        %dma_start3A_72 = tpu.memref_slice %arg8[%dma_start3A_70, %dma_start3A_71] : memref<4x256xi32, #tpu.memory_space<vmem>> -> memref<1x256xi32, #tpu.memory_space<vmem>>
        %dma_start3A_73 = tpu.memref_squeeze %dma_start3A_72 : memref<1x256xi32, #tpu.memory_space<vmem>> -> memref<256xi32, #tpu.memory_space<vmem>>
        %dma_start3A_74 = arith.constant 0 : i32
        %dma_start3A_75 = arith.constant 0 : i32
        %dma_start3A_76 = tpu.memref_slice %arg11[%dma_start3A_74, %dma_start3A_75] : memref<51200x32xf32, #tpu.memory_space<vmem_shared>> -> memref<51200x32xf32, #tpu.memory_space<vmem_shared>>
        tpu.enqueue_indirect_dma source(%arg10 : memref<256x32xf32, #tpu.memory_space<vmem>>) target(%dma_start3A_76 : memref<51200x32xf32, #tpu.memory_space<vmem_shared>>) offsets(%dma_start3A_73 : memref<256xi32, #tpu.memory_space<vmem>>) semaphore(%arg15 : memref<!tpu.dma_semaphore, #tpu.memory_space<semaphore_mem>>) {add = true}
        %dma_wait3A_77 = arith.constant 2 : i32
        %dma_wait3A_78 = arith.constant 0 : i32
        %dma_wait3A_79 = tpu.memref_slice %arg8[%dma_wait3A_77, %dma_wait3A_78] : memref<4x256xi32, #tpu.memory_space<vmem>> -> memref<1x256xi32, #tpu.memory_space<vmem>>
        %dma_wait3A_80 = tpu.memref_squeeze %dma_wait3A_79 : memref<1x256xi32, #tpu.memory_space<vmem>> -> memref<256xi32, #tpu.memory_space<vmem>>
        %dma_wait3A_81 = arith.constant 0 : i32
        %dma_wait3A_82 = arith.constant 0 : i32
        %dma_wait3A_83 = tpu.memref_slice %arg11[%dma_wait3A_81, %dma_wait3A_82] : memref<51200x32xf32, #tpu.memory_space<vmem_shared>> -> memref<51200x32xf32, #tpu.memory_space<vmem_shared>>
        tpu.wait_indirect_dma semaphore(%arg15 : memref<!tpu.dma_semaphore, #tpu.memory_space<semaphore_mem>>) src(%arg9 : memref<256x32xf32, #tpu.memory_space<vmem>>) dst(%dma_wait3A_83 : memref<51200x32xf32, #tpu.memory_space<vmem_shared>>)
        %dma_wait3A_84 = arith.constant 3 : i32
        %dma_wait3A_85 = arith.constant 0 : i32
        %dma_wait3A_86 = tpu.memref_slice %arg8[%dma_wait3A_84, %dma_wait3A_85] : memref<4x256xi32, #tpu.memory_space<vmem>> -> memref<1x256xi32, #tpu.memory_space<vmem>>
        %dma_wait3A_87 = tpu.memref_squeeze %dma_wait3A_86 : memref<1x256xi32, #tpu.memory_space<vmem>> -> memref<256xi32, #tpu.memory_space<vmem>>
        %dma_wait3A_88 = arith.constant 0 : i32
        %dma_wait3A_89 = arith.constant 0 : i32
        %dma_wait3A_90 = tpu.memref_slice %arg11[%dma_wait3A_88, %dma_wait3A_89] : memref<51200x32xf32, #tpu.memory_space<vmem_shared>> -> memref<51200x32xf32, #tpu.memory_space<vmem_shared>>
        tpu.wait_indirect_dma semaphore(%arg15 : memref<!tpu.dma_semaphore, #tpu.memory_space<semaphore_mem>>) src(%arg10 : memref<256x32xf32, #tpu.memory_space<vmem>>) dst(%dma_wait3A_90 : memref<51200x32xf32, #tpu.memory_space<vmem_shared>>)
      }
      %scan3A_12 = arith.constant 98 : i32
      %barrier3A_13 = arith.constant 0 : index
      tpu.barrier barrier_id(%barrier3A_13)
      %mul3A_14 = arith.constant 3200 : i32
      %mul3A_15 = arith.muli %arg1, %mul3A_14 : i32
      %mul3A_16 = arith.constant 3200 : i32
      %mul3A_17 = arith.muli %arg1, %mul3A_16 : i32
      "tpu.region"() ({
        %run_scoped3A = tpu.sem_alloc : memref<!tpu.dma_semaphore, #tpu.memory_space<semaphore_mem>>
        %dma_start3A = arith.constant 0 : i32
        %dma_start3A_18 = tpu.memref_slice %arg7[%mul3A_17, %dma_start3A] : memref<51200x32xf32, #tpu.memory_space<hbm>> -> memref<3200x32xf32, #tpu.memory_space<hbm>>
        %dma_start3A_19 = arith.constant 0 : i32
        %dma_start3A_20 = tpu.memref_slice %arg11[%mul3A_15, %dma_start3A_19] : memref<51200x32xf32, #tpu.memory_space<vmem_shared>> -> memref<3200x32xf32, #tpu.memory_space<vmem_shared>>
        tpu.enqueue_dma source(%dma_start3A_20 : memref<3200x32xf32, #tpu.memory_space<vmem_shared>>) target(%dma_start3A_18 : memref<3200x32xf32, #tpu.memory_space<hbm>>) target_semaphore(%run_scoped3A : memref<!tpu.dma_semaphore, #tpu.memory_space<semaphore_mem>>)
        %dma_wait3A = arith.constant 0 : i32
        %dma_wait3A_21 = tpu.memref_slice %arg7[%mul3A_17, %dma_wait3A] : memref<51200x32xf32, #tpu.memory_space<hbm>> -> memref<3200x32xf32, #tpu.memory_space<hbm>>
        %dma_wait3A_22 = arith.constant 0 : i32
        %dma_wait3A_23 = tpu.memref_slice %arg11[%mul3A_15, %dma_wait3A_22] : memref<51200x32xf32, #tpu.memory_space<vmem_shared>> -> memref<3200x32xf32, #tpu.memory_space<vmem_shared>>
        tpu.wait_dma2 semaphore(%run_scoped3A : memref<!tpu.dma_semaphore, #tpu.memory_space<semaphore_mem>>) src(%dma_wait3A_23 : memref<3200x32xf32, #tpu.memory_space<vmem_shared>>) dst(%dma_wait3A_21 : memref<3200x32xf32, #tpu.memory_space<hbm>>)
        tpu.yield
      }) : () -> ()
    } else {
    }
    return
  }
}

#map = affine_map<(d0, d1) -> (0, 0)>
#map1 = affine_map<(d0, d1) -> (0, 0, 0)>
module attributes {stable_mosaic.version = 14 : i64} {
  func.func @agg(%arg0: i32, %arg1: i32, %arg2: memref<50000x16xf32, #tpu.memory_space<hbm>>, %arg3: memref<50000x16xf32, #tpu.memory_space<hbm>>, %arg4: memref<1568x4x256xi32, #tpu.memory_space<hbm>>, %arg5: memref<3200x16xf32, #tpu.memory_space<hbm>>, %arg6: memref<51200x16xf32, #tpu.memory_space<hbm>>, %arg7: memref<51200x16xf32, #tpu.memory_space<hbm>>, %arg8: memref<4x256xi32, #tpu.memory_space<vmem>>, %arg9: memref<256x16xf32, #tpu.memory_space<vmem>>, %arg10: memref<256x16xf32, #tpu.memory_space<vmem>>, %arg11: memref<51200x16xf32, #tpu.memory_space<vmem_shared>>, %arg12: memref<!tpu.dma_semaphore, #tpu.memory_space<semaphore_mem>>, %arg13: memref<!tpu.dma_semaphore, #tpu.memory_space<semaphore_mem>>, %arg14: memref<!tpu.dma_semaphore, #tpu.memory_space<semaphore_mem>>, %arg15: memref<!tpu.dma_semaphore, #tpu.memory_space<semaphore_mem>>) attributes {dimension_semantics = [#tpu.dimension_semantics<core_parallel>, #tpu.dimension_semantics<subcore_parallel>], iteration_bounds = array<i64: 2, 16>, scalar_prefetch = 0 : i64, scratch_operands = 8 : i64, tpu.core_type = #tpu.core_type<sc_vector_subcore>, window_params = [{transform_indices = #map}, {transform_indices = #map}, {transform_indices = #map1}, {transform_indices = #map}, {transform_indices = #map}, {transform_indices = #map}]} {
    %mul3A = arith.constant 3200 : i32
    %mul3A_0 = arith.muli %arg1, %mul3A : i32
    "tpu.region"() ({
      %run_scoped3A = tpu.sem_alloc : memref<!tpu.dma_semaphore, #tpu.memory_space<semaphore_mem>>
      %dma_start3A = arith.constant 0 : i32
      %dma_start3A_8 = tpu.memref_slice %arg11[%mul3A_0, %dma_start3A] : memref<51200x16xf32, #tpu.memory_space<vmem_shared>> -> memref<3200x16xf32, #tpu.memory_space<vmem_shared>>
      tpu.enqueue_dma source(%arg5 : memref<3200x16xf32, #tpu.memory_space<hbm>>) target(%dma_start3A_8 : memref<3200x16xf32, #tpu.memory_space<vmem_shared>>) target_semaphore(%run_scoped3A : memref<!tpu.dma_semaphore, #tpu.memory_space<semaphore_mem>>)
      %dma_wait3A = arith.constant 0 : i32
      %dma_wait3A_9 = tpu.memref_slice %arg11[%mul3A_0, %dma_wait3A] : memref<51200x16xf32, #tpu.memory_space<vmem_shared>> -> memref<3200x16xf32, #tpu.memory_space<vmem_shared>>
      tpu.wait_dma2 semaphore(%run_scoped3A : memref<!tpu.dma_semaphore, #tpu.memory_space<semaphore_mem>>) src(%arg5 : memref<3200x16xf32, #tpu.memory_space<hbm>>) dst(%dma_wait3A_9 : memref<3200x16xf32, #tpu.memory_space<vmem_shared>>)
      tpu.yield
    }) : () -> ()
    %barrier3A = arith.constant 0 : index
    tpu.barrier barrier_id(%barrier3A)
    %eq3A = arith.constant 0 : i32
    %eq3A_1 = arith.cmpi eq, %arg0, %eq3A : i32
    %convert_element_type3A = arith.extui %eq3A_1 : i1 to i32
    %cond3A = arith.constant 0 : i32
    %cond3A_2 = arith.cmpi ne, %convert_element_type3A, %cond3A : i32
    scf.if %cond3A_2 {
      %scan3A = arith.constant 0 : i32
      %scan3A_8 = arith.constant 0 : i32
      %scan3A_9 = arith.constant 98 : i32
      %scan3A_10 = arith.addi %scan3A_8, %scan3A_9 : i32
      %scan3A_11 = arith.constant 1 : i32
      scf.for %scan3A_18 = %scan3A_8 to %scan3A_10 step %scan3A_11  : i32 {
        %mul3A_19 = arith.constant 98 : i32
        %mul3A_20 = arith.muli %arg1, %mul3A_19 : i32
        %add3A = arith.addi %mul3A_20, %scan3A_18 : i32
        %dma_start3A = arith.constant 0 : i32
        %dma_start3A_21 = arith.constant 0 : i32
        %dma_start3A_22 = tpu.memref_slice %arg4[%add3A, %dma_start3A, %dma_start3A_21] : memref<1568x4x256xi32, #tpu.memory_space<hbm>> -> memref<1x4x256xi32, #tpu.memory_space<hbm>>
        %dma_start3A_23 = tpu.memref_squeeze %dma_start3A_22 : memref<1x4x256xi32, #tpu.memory_space<hbm>> -> memref<4x256xi32, #tpu.memory_space<hbm>>
        %dma_start3A_24 = arith.constant 0 : i32
        %dma_start3A_25 = arith.constant 0 : i32
        %dma_start3A_26 = tpu.memref_slice %arg4[%add3A, %dma_start3A_24, %dma_start3A_25] : memref<1568x4x256xi32, #tpu.memory_space<hbm>> -> memref<1x4x256xi32, #tpu.memory_space<hbm>>
        %dma_start3A_27 = tpu.memref_squeeze %dma_start3A_26 : memref<1x4x256xi32, #tpu.memory_space<hbm>> -> memref<4x256xi32, #tpu.memory_space<hbm>>
        tpu.enqueue_dma source(%dma_start3A_27 : memref<4x256xi32, #tpu.memory_space<hbm>>) target(%arg8 : memref<4x256xi32, #tpu.memory_space<vmem>>) target_semaphore(%arg12 : memref<!tpu.dma_semaphore, #tpu.memory_space<semaphore_mem>>)
        %dma_wait3A = arith.constant 0 : i32
        %dma_wait3A_28 = arith.constant 0 : i32
        %dma_wait3A_29 = tpu.memref_slice %arg4[%add3A, %dma_wait3A, %dma_wait3A_28] : memref<1568x4x256xi32, #tpu.memory_space<hbm>> -> memref<1x4x256xi32, #tpu.memory_space<hbm>>
        %dma_wait3A_30 = tpu.memref_squeeze %dma_wait3A_29 : memref<1x4x256xi32, #tpu.memory_space<hbm>> -> memref<4x256xi32, #tpu.memory_space<hbm>>
        %dma_wait3A_31 = arith.constant 0 : i32
        %dma_wait3A_32 = arith.constant 0 : i32
        %dma_wait3A_33 = tpu.memref_slice %arg4[%add3A, %dma_wait3A_31, %dma_wait3A_32] : memref<1568x4x256xi32, #tpu.memory_space<hbm>> -> memref<1x4x256xi32, #tpu.memory_space<hbm>>
        %dma_wait3A_34 = tpu.memref_squeeze %dma_wait3A_33 : memref<1x4x256xi32, #tpu.memory_space<hbm>> -> memref<4x256xi32, #tpu.memory_space<hbm>>
        tpu.wait_dma2 semaphore(%arg12 : memref<!tpu.dma_semaphore, #tpu.memory_space<semaphore_mem>>) src(%dma_wait3A_34 : memref<4x256xi32, #tpu.memory_space<hbm>>) dst(%arg8 : memref<4x256xi32, #tpu.memory_space<vmem>>)
        %dma_start3A_35 = arith.constant 0 : i32
        %dma_start3A_36 = arith.constant 0 : i32
        %dma_start3A_37 = tpu.memref_slice %arg8[%dma_start3A_35, %dma_start3A_36] : memref<4x256xi32, #tpu.memory_space<vmem>> -> memref<1x256xi32, #tpu.memory_space<vmem>>
        %dma_start3A_38 = tpu.memref_squeeze %dma_start3A_37 : memref<1x256xi32, #tpu.memory_space<vmem>> -> memref<256xi32, #tpu.memory_space<vmem>>
        %dma_start3A_39 = arith.constant 0 : i32
        %dma_start3A_40 = arith.constant 0 : i32
        %dma_start3A_41 = tpu.memref_slice %arg2[%dma_start3A_39, %dma_start3A_40] : memref<50000x16xf32, #tpu.memory_space<hbm>> -> memref<50000x16xf32, #tpu.memory_space<hbm>>
        tpu.enqueue_indirect_dma source(%dma_start3A_41 : memref<50000x16xf32, #tpu.memory_space<hbm>>) target(%arg9 : memref<256x16xf32, #tpu.memory_space<vmem>>) offsets(%dma_start3A_38 : memref<256xi32, #tpu.memory_space<vmem>>) semaphore(%arg13 : memref<!tpu.dma_semaphore, #tpu.memory_space<semaphore_mem>>)
        %dma_start3A_42 = arith.constant 1 : i32
        %dma_start3A_43 = arith.constant 0 : i32
        %dma_start3A_44 = tpu.memref_slice %arg8[%dma_start3A_42, %dma_start3A_43] : memref<4x256xi32, #tpu.memory_space<vmem>> -> memref<1x256xi32, #tpu.memory_space<vmem>>
        %dma_start3A_45 = tpu.memref_squeeze %dma_start3A_44 : memref<1x256xi32, #tpu.memory_space<vmem>> -> memref<256xi32, #tpu.memory_space<vmem>>
        %dma_start3A_46 = arith.constant 0 : i32
        %dma_start3A_47 = arith.constant 0 : i32
        %dma_start3A_48 = tpu.memref_slice %arg2[%dma_start3A_46, %dma_start3A_47] : memref<50000x16xf32, #tpu.memory_space<hbm>> -> memref<50000x16xf32, #tpu.memory_space<hbm>>
        tpu.enqueue_indirect_dma source(%dma_start3A_48 : memref<50000x16xf32, #tpu.memory_space<hbm>>) target(%arg10 : memref<256x16xf32, #tpu.memory_space<vmem>>) offsets(%dma_start3A_45 : memref<256xi32, #tpu.memory_space<vmem>>) semaphore(%arg14 : memref<!tpu.dma_semaphore, #tpu.memory_space<semaphore_mem>>)
        %dma_wait3A_49 = arith.constant 0 : i32
        %dma_wait3A_50 = arith.constant 0 : i32
        %dma_wait3A_51 = tpu.memref_slice %arg8[%dma_wait3A_49, %dma_wait3A_50] : memref<4x256xi32, #tpu.memory_space<vmem>> -> memref<1x256xi32, #tpu.memory_space<vmem>>
        %dma_wait3A_52 = tpu.memref_squeeze %dma_wait3A_51 : memref<1x256xi32, #tpu.memory_space<vmem>> -> memref<256xi32, #tpu.memory_space<vmem>>
        %dma_wait3A_53 = arith.constant 0 : i32
        %dma_wait3A_54 = arith.constant 0 : i32
        %dma_wait3A_55 = tpu.memref_slice %arg2[%dma_wait3A_53, %dma_wait3A_54] : memref<50000x16xf32, #tpu.memory_space<hbm>> -> memref<50000x16xf32, #tpu.memory_space<hbm>>
        tpu.wait_indirect_dma semaphore(%arg13 : memref<!tpu.dma_semaphore, #tpu.memory_space<semaphore_mem>>) src(%dma_wait3A_55 : memref<50000x16xf32, #tpu.memory_space<hbm>>) dst(%arg9 : memref<256x16xf32, #tpu.memory_space<vmem>>)
        %dma_start3A_56 = arith.constant 2 : i32
        %dma_start3A_57 = arith.constant 0 : i32
        %dma_start3A_58 = tpu.memref_slice %arg8[%dma_start3A_56, %dma_start3A_57] : memref<4x256xi32, #tpu.memory_space<vmem>> -> memref<1x256xi32, #tpu.memory_space<vmem>>
        %dma_start3A_59 = tpu.memref_squeeze %dma_start3A_58 : memref<1x256xi32, #tpu.memory_space<vmem>> -> memref<256xi32, #tpu.memory_space<vmem>>
        %dma_start3A_60 = arith.constant 0 : i32
        %dma_start3A_61 = arith.constant 0 : i32
        %dma_start3A_62 = tpu.memref_slice %arg11[%dma_start3A_60, %dma_start3A_61] : memref<51200x16xf32, #tpu.memory_space<vmem_shared>> -> memref<51200x16xf32, #tpu.memory_space<vmem_shared>>
        tpu.enqueue_indirect_dma source(%arg9 : memref<256x16xf32, #tpu.memory_space<vmem>>) target(%dma_start3A_62 : memref<51200x16xf32, #tpu.memory_space<vmem_shared>>) offsets(%dma_start3A_59 : memref<256xi32, #tpu.memory_space<vmem>>) semaphore(%arg15 : memref<!tpu.dma_semaphore, #tpu.memory_space<semaphore_mem>>) {add = true}
        %dma_wait3A_63 = arith.constant 1 : i32
        %dma_wait3A_64 = arith.constant 0 : i32
        %dma_wait3A_65 = tpu.memref_slice %arg8[%dma_wait3A_63, %dma_wait3A_64] : memref<4x256xi32, #tpu.memory_space<vmem>> -> memref<1x256xi32, #tpu.memory_space<vmem>>
        %dma_wait3A_66 = tpu.memref_squeeze %dma_wait3A_65 : memref<1x256xi32, #tpu.memory_space<vmem>> -> memref<256xi32, #tpu.memory_space<vmem>>
        %dma_wait3A_67 = arith.constant 0 : i32
        %dma_wait3A_68 = arith.constant 0 : i32
        %dma_wait3A_69 = tpu.memref_slice %arg2[%dma_wait3A_67, %dma_wait3A_68] : memref<50000x16xf32, #tpu.memory_space<hbm>> -> memref<50000x16xf32, #tpu.memory_space<hbm>>
        tpu.wait_indirect_dma semaphore(%arg14 : memref<!tpu.dma_semaphore, #tpu.memory_space<semaphore_mem>>) src(%dma_wait3A_69 : memref<50000x16xf32, #tpu.memory_space<hbm>>) dst(%arg10 : memref<256x16xf32, #tpu.memory_space<vmem>>)
        %dma_start3A_70 = arith.constant 3 : i32
        %dma_start3A_71 = arith.constant 0 : i32
        %dma_start3A_72 = tpu.memref_slice %arg8[%dma_start3A_70, %dma_start3A_71] : memref<4x256xi32, #tpu.memory_space<vmem>> -> memref<1x256xi32, #tpu.memory_space<vmem>>
        %dma_start3A_73 = tpu.memref_squeeze %dma_start3A_72 : memref<1x256xi32, #tpu.memory_space<vmem>> -> memref<256xi32, #tpu.memory_space<vmem>>
        %dma_start3A_74 = arith.constant 0 : i32
        %dma_start3A_75 = arith.constant 0 : i32
        %dma_start3A_76 = tpu.memref_slice %arg11[%dma_start3A_74, %dma_start3A_75] : memref<51200x16xf32, #tpu.memory_space<vmem_shared>> -> memref<51200x16xf32, #tpu.memory_space<vmem_shared>>
        tpu.enqueue_indirect_dma source(%arg10 : memref<256x16xf32, #tpu.memory_space<vmem>>) target(%dma_start3A_76 : memref<51200x16xf32, #tpu.memory_space<vmem_shared>>) offsets(%dma_start3A_73 : memref<256xi32, #tpu.memory_space<vmem>>) semaphore(%arg15 : memref<!tpu.dma_semaphore, #tpu.memory_space<semaphore_mem>>) {add = true}
        %dma_wait3A_77 = arith.constant 2 : i32
        %dma_wait3A_78 = arith.constant 0 : i32
        %dma_wait3A_79 = tpu.memref_slice %arg8[%dma_wait3A_77, %dma_wait3A_78] : memref<4x256xi32, #tpu.memory_space<vmem>> -> memref<1x256xi32, #tpu.memory_space<vmem>>
        %dma_wait3A_80 = tpu.memref_squeeze %dma_wait3A_79 : memref<1x256xi32, #tpu.memory_space<vmem>> -> memref<256xi32, #tpu.memory_space<vmem>>
        %dma_wait3A_81 = arith.constant 0 : i32
        %dma_wait3A_82 = arith.constant 0 : i32
        %dma_wait3A_83 = tpu.memref_slice %arg11[%dma_wait3A_81, %dma_wait3A_82] : memref<51200x16xf32, #tpu.memory_space<vmem_shared>> -> memref<51200x16xf32, #tpu.memory_space<vmem_shared>>
        tpu.wait_indirect_dma semaphore(%arg15 : memref<!tpu.dma_semaphore, #tpu.memory_space<semaphore_mem>>) src(%arg9 : memref<256x16xf32, #tpu.memory_space<vmem>>) dst(%dma_wait3A_83 : memref<51200x16xf32, #tpu.memory_space<vmem_shared>>)
        %dma_wait3A_84 = arith.constant 3 : i32
        %dma_wait3A_85 = arith.constant 0 : i32
        %dma_wait3A_86 = tpu.memref_slice %arg8[%dma_wait3A_84, %dma_wait3A_85] : memref<4x256xi32, #tpu.memory_space<vmem>> -> memref<1x256xi32, #tpu.memory_space<vmem>>
        %dma_wait3A_87 = tpu.memref_squeeze %dma_wait3A_86 : memref<1x256xi32, #tpu.memory_space<vmem>> -> memref<256xi32, #tpu.memory_space<vmem>>
        %dma_wait3A_88 = arith.constant 0 : i32
        %dma_wait3A_89 = arith.constant 0 : i32
        %dma_wait3A_90 = tpu.memref_slice %arg11[%dma_wait3A_88, %dma_wait3A_89] : memref<51200x16xf32, #tpu.memory_space<vmem_shared>> -> memref<51200x16xf32, #tpu.memory_space<vmem_shared>>
        tpu.wait_indirect_dma semaphore(%arg15 : memref<!tpu.dma_semaphore, #tpu.memory_space<semaphore_mem>>) src(%arg10 : memref<256x16xf32, #tpu.memory_space<vmem>>) dst(%dma_wait3A_90 : memref<51200x16xf32, #tpu.memory_space<vmem_shared>>)
      }
      %scan3A_12 = arith.constant 98 : i32
      %barrier3A_13 = arith.constant 0 : index
      tpu.barrier barrier_id(%barrier3A_13)
      %mul3A_14 = arith.constant 3200 : i32
      %mul3A_15 = arith.muli %arg1, %mul3A_14 : i32
      %mul3A_16 = arith.constant 3200 : i32
      %mul3A_17 = arith.muli %arg1, %mul3A_16 : i32
      "tpu.region"() ({
        %run_scoped3A = tpu.sem_alloc : memref<!tpu.dma_semaphore, #tpu.memory_space<semaphore_mem>>
        %dma_start3A = arith.constant 0 : i32
        %dma_start3A_18 = tpu.memref_slice %arg6[%mul3A_17, %dma_start3A] : memref<51200x16xf32, #tpu.memory_space<hbm>> -> memref<3200x16xf32, #tpu.memory_space<hbm>>
        %dma_start3A_19 = arith.constant 0 : i32
        %dma_start3A_20 = tpu.memref_slice %arg11[%mul3A_15, %dma_start3A_19] : memref<51200x16xf32, #tpu.memory_space<vmem_shared>> -> memref<3200x16xf32, #tpu.memory_space<vmem_shared>>
        tpu.enqueue_dma source(%dma_start3A_20 : memref<3200x16xf32, #tpu.memory_space<vmem_shared>>) target(%dma_start3A_18 : memref<3200x16xf32, #tpu.memory_space<hbm>>) target_semaphore(%run_scoped3A : memref<!tpu.dma_semaphore, #tpu.memory_space<semaphore_mem>>)
        %dma_wait3A = arith.constant 0 : i32
        %dma_wait3A_21 = tpu.memref_slice %arg6[%mul3A_17, %dma_wait3A] : memref<51200x16xf32, #tpu.memory_space<hbm>> -> memref<3200x16xf32, #tpu.memory_space<hbm>>
        %dma_wait3A_22 = arith.constant 0 : i32
        %dma_wait3A_23 = tpu.memref_slice %arg11[%mul3A_15, %dma_wait3A_22] : memref<51200x16xf32, #tpu.memory_space<vmem_shared>> -> memref<3200x16xf32, #tpu.memory_space<vmem_shared>>
        tpu.wait_dma2 semaphore(%run_scoped3A : memref<!tpu.dma_semaphore, #tpu.memory_space<semaphore_mem>>) src(%dma_wait3A_23 : memref<3200x16xf32, #tpu.memory_space<vmem_shared>>) dst(%dma_wait3A_21 : memref<3200x16xf32, #tpu.memory_space<hbm>>)
        tpu.yield
      }) : () -> ()
    } else {
    }
    %eq3A_3 = arith.constant 1 : i32
    %eq3A_4 = arith.cmpi eq, %arg0, %eq3A_3 : i32
    %convert_element_type3A_5 = arith.extui %eq3A_4 : i1 to i32
    %cond3A_6 = arith.constant 0 : i32
    %cond3A_7 = arith.cmpi ne, %convert_element_type3A_5, %cond3A_6 : i32
    scf.if %cond3A_7 {
      %scan3A = arith.constant 0 : i32
      %scan3A_8 = arith.constant 0 : i32
      %scan3A_9 = arith.constant 98 : i32
      %scan3A_10 = arith.addi %scan3A_8, %scan3A_9 : i32
      %scan3A_11 = arith.constant 1 : i32
      scf.for %scan3A_18 = %scan3A_8 to %scan3A_10 step %scan3A_11  : i32 {
        %mul3A_19 = arith.constant 98 : i32
        %mul3A_20 = arith.muli %arg1, %mul3A_19 : i32
        %add3A = arith.addi %mul3A_20, %scan3A_18 : i32
        %dma_start3A = arith.constant 0 : i32
        %dma_start3A_21 = arith.constant 0 : i32
        %dma_start3A_22 = tpu.memref_slice %arg4[%add3A, %dma_start3A, %dma_start3A_21] : memref<1568x4x256xi32, #tpu.memory_space<hbm>> -> memref<1x4x256xi32, #tpu.memory_space<hbm>>
        %dma_start3A_23 = tpu.memref_squeeze %dma_start3A_22 : memref<1x4x256xi32, #tpu.memory_space<hbm>> -> memref<4x256xi32, #tpu.memory_space<hbm>>
        %dma_start3A_24 = arith.constant 0 : i32
        %dma_start3A_25 = arith.constant 0 : i32
        %dma_start3A_26 = tpu.memref_slice %arg4[%add3A, %dma_start3A_24, %dma_start3A_25] : memref<1568x4x256xi32, #tpu.memory_space<hbm>> -> memref<1x4x256xi32, #tpu.memory_space<hbm>>
        %dma_start3A_27 = tpu.memref_squeeze %dma_start3A_26 : memref<1x4x256xi32, #tpu.memory_space<hbm>> -> memref<4x256xi32, #tpu.memory_space<hbm>>
        tpu.enqueue_dma source(%dma_start3A_27 : memref<4x256xi32, #tpu.memory_space<hbm>>) target(%arg8 : memref<4x256xi32, #tpu.memory_space<vmem>>) target_semaphore(%arg12 : memref<!tpu.dma_semaphore, #tpu.memory_space<semaphore_mem>>)
        %dma_wait3A = arith.constant 0 : i32
        %dma_wait3A_28 = arith.constant 0 : i32
        %dma_wait3A_29 = tpu.memref_slice %arg4[%add3A, %dma_wait3A, %dma_wait3A_28] : memref<1568x4x256xi32, #tpu.memory_space<hbm>> -> memref<1x4x256xi32, #tpu.memory_space<hbm>>
        %dma_wait3A_30 = tpu.memref_squeeze %dma_wait3A_29 : memref<1x4x256xi32, #tpu.memory_space<hbm>> -> memref<4x256xi32, #tpu.memory_space<hbm>>
        %dma_wait3A_31 = arith.constant 0 : i32
        %dma_wait3A_32 = arith.constant 0 : i32
        %dma_wait3A_33 = tpu.memref_slice %arg4[%add3A, %dma_wait3A_31, %dma_wait3A_32] : memref<1568x4x256xi32, #tpu.memory_space<hbm>> -> memref<1x4x256xi32, #tpu.memory_space<hbm>>
        %dma_wait3A_34 = tpu.memref_squeeze %dma_wait3A_33 : memref<1x4x256xi32, #tpu.memory_space<hbm>> -> memref<4x256xi32, #tpu.memory_space<hbm>>
        tpu.wait_dma2 semaphore(%arg12 : memref<!tpu.dma_semaphore, #tpu.memory_space<semaphore_mem>>) src(%dma_wait3A_34 : memref<4x256xi32, #tpu.memory_space<hbm>>) dst(%arg8 : memref<4x256xi32, #tpu.memory_space<vmem>>)
        %dma_start3A_35 = arith.constant 0 : i32
        %dma_start3A_36 = arith.constant 0 : i32
        %dma_start3A_37 = tpu.memref_slice %arg8[%dma_start3A_35, %dma_start3A_36] : memref<4x256xi32, #tpu.memory_space<vmem>> -> memref<1x256xi32, #tpu.memory_space<vmem>>
        %dma_start3A_38 = tpu.memref_squeeze %dma_start3A_37 : memref<1x256xi32, #tpu.memory_space<vmem>> -> memref<256xi32, #tpu.memory_space<vmem>>
        %dma_start3A_39 = arith.constant 0 : i32
        %dma_start3A_40 = arith.constant 0 : i32
        %dma_start3A_41 = tpu.memref_slice %arg3[%dma_start3A_39, %dma_start3A_40] : memref<50000x16xf32, #tpu.memory_space<hbm>> -> memref<50000x16xf32, #tpu.memory_space<hbm>>
        tpu.enqueue_indirect_dma source(%dma_start3A_41 : memref<50000x16xf32, #tpu.memory_space<hbm>>) target(%arg9 : memref<256x16xf32, #tpu.memory_space<vmem>>) offsets(%dma_start3A_38 : memref<256xi32, #tpu.memory_space<vmem>>) semaphore(%arg13 : memref<!tpu.dma_semaphore, #tpu.memory_space<semaphore_mem>>)
        %dma_start3A_42 = arith.constant 1 : i32
        %dma_start3A_43 = arith.constant 0 : i32
        %dma_start3A_44 = tpu.memref_slice %arg8[%dma_start3A_42, %dma_start3A_43] : memref<4x256xi32, #tpu.memory_space<vmem>> -> memref<1x256xi32, #tpu.memory_space<vmem>>
        %dma_start3A_45 = tpu.memref_squeeze %dma_start3A_44 : memref<1x256xi32, #tpu.memory_space<vmem>> -> memref<256xi32, #tpu.memory_space<vmem>>
        %dma_start3A_46 = arith.constant 0 : i32
        %dma_start3A_47 = arith.constant 0 : i32
        %dma_start3A_48 = tpu.memref_slice %arg3[%dma_start3A_46, %dma_start3A_47] : memref<50000x16xf32, #tpu.memory_space<hbm>> -> memref<50000x16xf32, #tpu.memory_space<hbm>>
        tpu.enqueue_indirect_dma source(%dma_start3A_48 : memref<50000x16xf32, #tpu.memory_space<hbm>>) target(%arg10 : memref<256x16xf32, #tpu.memory_space<vmem>>) offsets(%dma_start3A_45 : memref<256xi32, #tpu.memory_space<vmem>>) semaphore(%arg14 : memref<!tpu.dma_semaphore, #tpu.memory_space<semaphore_mem>>)
        %dma_wait3A_49 = arith.constant 0 : i32
        %dma_wait3A_50 = arith.constant 0 : i32
        %dma_wait3A_51 = tpu.memref_slice %arg8[%dma_wait3A_49, %dma_wait3A_50] : memref<4x256xi32, #tpu.memory_space<vmem>> -> memref<1x256xi32, #tpu.memory_space<vmem>>
        %dma_wait3A_52 = tpu.memref_squeeze %dma_wait3A_51 : memref<1x256xi32, #tpu.memory_space<vmem>> -> memref<256xi32, #tpu.memory_space<vmem>>
        %dma_wait3A_53 = arith.constant 0 : i32
        %dma_wait3A_54 = arith.constant 0 : i32
        %dma_wait3A_55 = tpu.memref_slice %arg3[%dma_wait3A_53, %dma_wait3A_54] : memref<50000x16xf32, #tpu.memory_space<hbm>> -> memref<50000x16xf32, #tpu.memory_space<hbm>>
        tpu.wait_indirect_dma semaphore(%arg13 : memref<!tpu.dma_semaphore, #tpu.memory_space<semaphore_mem>>) src(%dma_wait3A_55 : memref<50000x16xf32, #tpu.memory_space<hbm>>) dst(%arg9 : memref<256x16xf32, #tpu.memory_space<vmem>>)
        %dma_start3A_56 = arith.constant 2 : i32
        %dma_start3A_57 = arith.constant 0 : i32
        %dma_start3A_58 = tpu.memref_slice %arg8[%dma_start3A_56, %dma_start3A_57] : memref<4x256xi32, #tpu.memory_space<vmem>> -> memref<1x256xi32, #tpu.memory_space<vmem>>
        %dma_start3A_59 = tpu.memref_squeeze %dma_start3A_58 : memref<1x256xi32, #tpu.memory_space<vmem>> -> memref<256xi32, #tpu.memory_space<vmem>>
        %dma_start3A_60 = arith.constant 0 : i32
        %dma_start3A_61 = arith.constant 0 : i32
        %dma_start3A_62 = tpu.memref_slice %arg11[%dma_start3A_60, %dma_start3A_61] : memref<51200x16xf32, #tpu.memory_space<vmem_shared>> -> memref<51200x16xf32, #tpu.memory_space<vmem_shared>>
        tpu.enqueue_indirect_dma source(%arg9 : memref<256x16xf32, #tpu.memory_space<vmem>>) target(%dma_start3A_62 : memref<51200x16xf32, #tpu.memory_space<vmem_shared>>) offsets(%dma_start3A_59 : memref<256xi32, #tpu.memory_space<vmem>>) semaphore(%arg15 : memref<!tpu.dma_semaphore, #tpu.memory_space<semaphore_mem>>) {add = true}
        %dma_wait3A_63 = arith.constant 1 : i32
        %dma_wait3A_64 = arith.constant 0 : i32
        %dma_wait3A_65 = tpu.memref_slice %arg8[%dma_wait3A_63, %dma_wait3A_64] : memref<4x256xi32, #tpu.memory_space<vmem>> -> memref<1x256xi32, #tpu.memory_space<vmem>>
        %dma_wait3A_66 = tpu.memref_squeeze %dma_wait3A_65 : memref<1x256xi32, #tpu.memory_space<vmem>> -> memref<256xi32, #tpu.memory_space<vmem>>
        %dma_wait3A_67 = arith.constant 0 : i32
        %dma_wait3A_68 = arith.constant 0 : i32
        %dma_wait3A_69 = tpu.memref_slice %arg3[%dma_wait3A_67, %dma_wait3A_68] : memref<50000x16xf32, #tpu.memory_space<hbm>> -> memref<50000x16xf32, #tpu.memory_space<hbm>>
        tpu.wait_indirect_dma semaphore(%arg14 : memref<!tpu.dma_semaphore, #tpu.memory_space<semaphore_mem>>) src(%dma_wait3A_69 : memref<50000x16xf32, #tpu.memory_space<hbm>>) dst(%arg10 : memref<256x16xf32, #tpu.memory_space<vmem>>)
        %dma_start3A_70 = arith.constant 3 : i32
        %dma_start3A_71 = arith.constant 0 : i32
        %dma_start3A_72 = tpu.memref_slice %arg8[%dma_start3A_70, %dma_start3A_71] : memref<4x256xi32, #tpu.memory_space<vmem>> -> memref<1x256xi32, #tpu.memory_space<vmem>>
        %dma_start3A_73 = tpu.memref_squeeze %dma_start3A_72 : memref<1x256xi32, #tpu.memory_space<vmem>> -> memref<256xi32, #tpu.memory_space<vmem>>
        %dma_start3A_74 = arith.constant 0 : i32
        %dma_start3A_75 = arith.constant 0 : i32
        %dma_start3A_76 = tpu.memref_slice %arg11[%dma_start3A_74, %dma_start3A_75] : memref<51200x16xf32, #tpu.memory_space<vmem_shared>> -> memref<51200x16xf32, #tpu.memory_space<vmem_shared>>
        tpu.enqueue_indirect_dma source(%arg10 : memref<256x16xf32, #tpu.memory_space<vmem>>) target(%dma_start3A_76 : memref<51200x16xf32, #tpu.memory_space<vmem_shared>>) offsets(%dma_start3A_73 : memref<256xi32, #tpu.memory_space<vmem>>) semaphore(%arg15 : memref<!tpu.dma_semaphore, #tpu.memory_space<semaphore_mem>>) {add = true}
        %dma_wait3A_77 = arith.constant 2 : i32
        %dma_wait3A_78 = arith.constant 0 : i32
        %dma_wait3A_79 = tpu.memref_slice %arg8[%dma_wait3A_77, %dma_wait3A_78] : memref<4x256xi32, #tpu.memory_space<vmem>> -> memref<1x256xi32, #tpu.memory_space<vmem>>
        %dma_wait3A_80 = tpu.memref_squeeze %dma_wait3A_79 : memref<1x256xi32, #tpu.memory_space<vmem>> -> memref<256xi32, #tpu.memory_space<vmem>>
        %dma_wait3A_81 = arith.constant 0 : i32
        %dma_wait3A_82 = arith.constant 0 : i32
        %dma_wait3A_83 = tpu.memref_slice %arg11[%dma_wait3A_81, %dma_wait3A_82] : memref<51200x16xf32, #tpu.memory_space<vmem_shared>> -> memref<51200x16xf32, #tpu.memory_space<vmem_shared>>
        tpu.wait_indirect_dma semaphore(%arg15 : memref<!tpu.dma_semaphore, #tpu.memory_space<semaphore_mem>>) src(%arg9 : memref<256x16xf32, #tpu.memory_space<vmem>>) dst(%dma_wait3A_83 : memref<51200x16xf32, #tpu.memory_space<vmem_shared>>)
        %dma_wait3A_84 = arith.constant 3 : i32
        %dma_wait3A_85 = arith.constant 0 : i32
        %dma_wait3A_86 = tpu.memref_slice %arg8[%dma_wait3A_84, %dma_wait3A_85] : memref<4x256xi32, #tpu.memory_space<vmem>> -> memref<1x256xi32, #tpu.memory_space<vmem>>
        %dma_wait3A_87 = tpu.memref_squeeze %dma_wait3A_86 : memref<1x256xi32, #tpu.memory_space<vmem>> -> memref<256xi32, #tpu.memory_space<vmem>>
        %dma_wait3A_88 = arith.constant 0 : i32
        %dma_wait3A_89 = arith.constant 0 : i32
        %dma_wait3A_90 = tpu.memref_slice %arg11[%dma_wait3A_88, %dma_wait3A_89] : memref<51200x16xf32, #tpu.memory_space<vmem_shared>> -> memref<51200x16xf32, #tpu.memory_space<vmem_shared>>
        tpu.wait_indirect_dma semaphore(%arg15 : memref<!tpu.dma_semaphore, #tpu.memory_space<semaphore_mem>>) src(%arg10 : memref<256x16xf32, #tpu.memory_space<vmem>>) dst(%dma_wait3A_90 : memref<51200x16xf32, #tpu.memory_space<vmem_shared>>)
      }
      %scan3A_12 = arith.constant 98 : i32
      %barrier3A_13 = arith.constant 0 : index
      tpu.barrier barrier_id(%barrier3A_13)
      %mul3A_14 = arith.constant 3200 : i32
      %mul3A_15 = arith.muli %arg1, %mul3A_14 : i32
      %mul3A_16 = arith.constant 3200 : i32
      %mul3A_17 = arith.muli %arg1, %mul3A_16 : i32
      "tpu.region"() ({
        %run_scoped3A = tpu.sem_alloc : memref<!tpu.dma_semaphore, #tpu.memory_space<semaphore_mem>>
        %dma_start3A = arith.constant 0 : i32
        %dma_start3A_18 = tpu.memref_slice %arg7[%mul3A_17, %dma_start3A] : memref<51200x16xf32, #tpu.memory_space<hbm>> -> memref<3200x16xf32, #tpu.memory_space<hbm>>
        %dma_start3A_19 = arith.constant 0 : i32
        %dma_start3A_20 = tpu.memref_slice %arg11[%mul3A_15, %dma_start3A_19] : memref<51200x16xf32, #tpu.memory_space<vmem_shared>> -> memref<3200x16xf32, #tpu.memory_space<vmem_shared>>
        tpu.enqueue_dma source(%dma_start3A_20 : memref<3200x16xf32, #tpu.memory_space<vmem_shared>>) target(%dma_start3A_18 : memref<3200x16xf32, #tpu.memory_space<hbm>>) target_semaphore(%run_scoped3A : memref<!tpu.dma_semaphore, #tpu.memory_space<semaphore_mem>>)
        %dma_wait3A = arith.constant 0 : i32
        %dma_wait3A_21 = tpu.memref_slice %arg7[%mul3A_17, %dma_wait3A] : memref<51200x16xf32, #tpu.memory_space<hbm>> -> memref<3200x16xf32, #tpu.memory_space<hbm>>
        %dma_wait3A_22 = arith.constant 0 : i32
        %dma_wait3A_23 = tpu.memref_slice %arg11[%mul3A_15, %dma_wait3A_22] : memref<51200x16xf32, #tpu.memory_space<vmem_shared>> -> memref<3200x16xf32, #tpu.memory_space<vmem_shared>>
        tpu.wait_dma2 semaphore(%run_scoped3A : memref<!tpu.dma_semaphore, #tpu.memory_space<semaphore_mem>>) src(%dma_wait3A_23 : memref<3200x16xf32, #tpu.memory_space<vmem_shared>>) dst(%dma_wait3A_21 : memref<3200x16xf32, #tpu.memory_space<hbm>>)
        tpu.yield
      }) : () -> ()
    } else {
    }
    return
  }
}

module attributes {stable_mosaic.version = 14 : i64} {
  func.func @body(%arg0: i32, %arg1: memref<2000x1xf32, #tpu.memory_space<vmem>>, %arg2: memref<2000x64xf32, #tpu.memory_space<vmem>>, %arg3: memref<64x64xf32, #tpu.memory_space<vmem>>, %arg4: memref<2000x1xf32, #tpu.memory_space<vmem>>, %arg5: memref<2000x32xf32, #tpu.memory_space<vmem>>, %arg6: memref<2000x32xf32, #tpu.memory_space<vmem>>) attributes {dimension_semantics = [#tpu.dimension_semantics<arbitrary>], iteration_bounds = array<i64: 25>, scalar_prefetch = 0 : i64, scratch_operands = 0 : i64, tpu.core_type = #tpu.core_type<tc>, window_params = [{transform_indices = @transform_0, window_bounds = array<i64: 2000, 1>}, {transform_indices = @transform_1, window_bounds = array<i64: 2000, 64>}, {pipeline_mode = #tpu.pipeline_mode<synchronous>, transform_indices = @transform_2, window_bounds = array<i64: 64, 64>}, {transform_indices = @transform_3, window_bounds = array<i64: 2000, 1>}, {transform_indices = @transform_4, window_bounds = array<i64: 2000, 32>}, {transform_indices = @transform_5, window_bounds = array<i64: 2000, 32>}]} {
    %get3A = arith.constant 0 : index
    %get3A_0 = arith.constant 0 : index
    %get3A_1 = vector.load %arg1[%get3A, %get3A_0] : memref<2000x1xf32, #tpu.memory_space<vmem>>, vector<2000x1xf32>
    %add3A = arith.constant 1.000000e+00 : f32
    %add3A_2 = vector.broadcast %add3A : f32 to vector<2000x1xf32>
    %add3A_3 = arith.addf %get3A_1, %add3A_2 : vector<2000x1xf32>
    %rsqrt3A = math.rsqrt %add3A_3 : vector<2000x1xf32>
    %get3A_4 = arith.constant 0 : index
    %get3A_5 = arith.constant 0 : index
    %get3A_6 = vector.load %arg2[%get3A_4, %get3A_5] : memref<2000x64xf32, #tpu.memory_space<vmem>>, vector<2000x64xf32>
    %get3A_7 = arith.constant 0 : index
    %get3A_8 = arith.constant 0 : index
    %get3A_9 = vector.load %arg3[%get3A_7, %get3A_8] : memref<64x64xf32, #tpu.memory_space<vmem>>, vector<64x64xf32>
    %dot_general3A = arith.constant dense<0.000000e+00> : vector<2000x64xf32>
    %dot_general3A_10 = tpu.matmul %get3A_6, %get3A_9, %dot_general3A {dimension_numbers = #tpu.dot_dimension_numbers<[1], [0], [0], [1], [0, 0, 1, 1], [], []>, transpose_lhs_hint = false} : vector<2000x64xf32>, vector<64x64xf32>, vector<2000x64xf32> -> vector<2000x64xf32>
    %mul3A = vector.broadcast %rsqrt3A : vector<2000x1xf32> to vector<2000x64xf32>
    %mul3A_11 = arith.mulf %dot_general3A_10, %mul3A : vector<2000x64xf32>
    %swap3A = arith.constant 0 : index
    %swap3A_12 = arith.constant 0 : index
    %swap3A_13 = vector.load %arg4[%swap3A, %swap3A_12] : memref<2000x1xf32, #tpu.memory_space<vmem>>, vector<2000x1xf32>
    tpu.vector_store %arg4[%swap3A, %swap3A_12], %rsqrt3A {strides = array<i32>} : memref<2000x1xf32, #tpu.memory_space<vmem>>, vector<2000x1xf32>,
    %slice3A = vector.extract_strided_slice %mul3A_11 {offsets = [0, 0], sizes = [2000, 32], strides = [1, 1]} : vector<2000x64xf32> to vector<2000x32xf32>
    %swap3A_14 = arith.constant 0 : index
    %swap3A_15 = arith.constant 0 : index
    %swap3A_16 = vector.load %arg5[%swap3A_14, %swap3A_15] : memref<2000x32xf32, #tpu.memory_space<vmem>>, vector<2000x32xf32>
    tpu.vector_store %arg5[%swap3A_14, %swap3A_15], %slice3A {strides = array<i32>} : memref<2000x32xf32, #tpu.memory_space<vmem>>, vector<2000x32xf32>,
    %slice3A_17 = vector.extract_strided_slice %mul3A_11 {offsets = [0, 32], sizes = [2000, 32], strides = [1, 1]} : vector<2000x64xf32> to vector<2000x32xf32>
    %swap3A_18 = arith.constant 0 : index
    %swap3A_19 = arith.constant 0 : index
    %swap3A_20 = vector.load %arg6[%swap3A_18, %swap3A_19] : memref<2000x32xf32, #tpu.memory_space<vmem>>, vector<2000x32xf32>
    tpu.vector_store %arg6[%swap3A_18, %swap3A_19], %slice3A_17 {strides = array<i32>} : memref<2000x32xf32, #tpu.memory_space<vmem>>, vector<2000x32xf32>,
    return
  }
  func.func @transform_0(%arg0: i32) -> (i32, i32) {
    %c0_i32 = arith.constant 0 : i32
    %c0_i32_0 = arith.constant 0 : i32
    return %arg0, %c0_i32 : i32, i32
  }
  func.func @transform_1(%arg0: i32) -> (i32, i32) {
    %c0_i32 = arith.constant 0 : i32
    %c0_i32_0 = arith.constant 0 : i32
    return %arg0, %c0_i32 : i32, i32
  }
  func.func @transform_2(%arg0: i32) -> (i32, i32) {
    %c0_i32 = arith.constant 0 : i32
    %c0_i32_0 = arith.constant 0 : i32
    %c0_i32_1 = arith.constant 0 : i32
    return %c0_i32, %c0_i32_0 : i32, i32
  }
  func.func @transform_3(%arg0: i32) -> (i32, i32) {
    %c0_i32 = arith.constant 0 : i32
    %c0_i32_0 = arith.constant 0 : i32
    return %arg0, %c0_i32 : i32, i32
  }
  func.func @transform_4(%arg0: i32) -> (i32, i32) {
    %c0_i32 = arith.constant 0 : i32
    %c0_i32_0 = arith.constant 0 : i32
    return %arg0, %c0_i32 : i32, i32
  }
  func.func @transform_5(%arg0: i32) -> (i32, i32) {
    %c0_i32 = arith.constant 0 : i32
    %c0_i32_0 = arith.constant 0 : i32
    return %arg0, %c0_i32 : i32, i32
  }
}

module attributes {stable_mosaic.version = 14 : i64} {
  func.func @body(%arg0: i32, %arg1: memref<2000x32xf32, #tpu.memory_space<vmem>>, %arg2: memref<2000x32xf32, #tpu.memory_space<vmem>>, %arg3: memref<2000x32xf32, #tpu.memory_space<vmem>>, %arg4: memref<2000x32xf32, #tpu.memory_space<vmem>>, %arg5: memref<2000x1xf32, #tpu.memory_space<vmem>>, %arg6: memref<1x64xf32, #tpu.memory_space<vmem>>, %arg7: memref<2000x64xf32, #tpu.memory_space<vmem>>, %arg8: memref<1x64xf32, #tpu.memory_space<vmem>>, %arg9: memref<1x64xf32, #tpu.memory_space<vmem>>) attributes {dimension_semantics = [#tpu.dimension_semantics<arbitrary>], iteration_bounds = array<i64: 25>, scalar_prefetch = 0 : i64, scratch_operands = 0 : i64, tpu.core_type = #tpu.core_type<tc>, window_params = [{transform_indices = @transform_0, window_bounds = array<i64: 2000, 32>}, {transform_indices = @transform_1, window_bounds = array<i64: 2000, 32>}, {transform_indices = @transform_2, window_bounds = array<i64: 2000, 32>}, {transform_indices = @transform_3, window_bounds = array<i64: 2000, 32>}, {transform_indices = @transform_4, window_bounds = array<i64: 2000, 1>}, {pipeline_mode = #tpu.pipeline_mode<synchronous>, transform_indices = @transform_5, window_bounds = array<i64: 1, 64>}, {transform_indices = @transform_6, window_bounds = array<i64: 2000, 64>}, {pipeline_mode = #tpu.pipeline_mode<synchronous>, transform_indices = @transform_7, window_bounds = array<i64: 1, 64>}, {pipeline_mode = #tpu.pipeline_mode<synchronous>, transform_indices = @transform_8, window_bounds = array<i64: 1, 64>}]} {
    %get3A = arith.constant 0 : index
    %get3A_0 = arith.constant 0 : index
    %get3A_1 = vector.load %arg1[%get3A, %get3A_0] : memref<2000x32xf32, #tpu.memory_space<vmem>>, vector<2000x32xf32>
    %get3A_2 = arith.constant 0 : index
    %get3A_3 = arith.constant 0 : index
    %get3A_4 = vector.load %arg3[%get3A_2, %get3A_3] : memref<2000x32xf32, #tpu.memory_space<vmem>>, vector<2000x32xf32>
    %add3A = arith.addf %get3A_1, %get3A_4 : vector<2000x32xf32>
    %get3A_5 = arith.constant 0 : index
    %get3A_6 = arith.constant 0 : index
    %get3A_7 = vector.load %arg2[%get3A_5, %get3A_6] : memref<2000x32xf32, #tpu.memory_space<vmem>>, vector<2000x32xf32>
    %get3A_8 = arith.constant 0 : index
    %get3A_9 = arith.constant 0 : index
    %get3A_10 = vector.load %arg4[%get3A_8, %get3A_9] : memref<2000x32xf32, #tpu.memory_space<vmem>>, vector<2000x32xf32>
    %add3A_11 = arith.addf %get3A_7, %get3A_10 : vector<2000x32xf32>
    %concatenate3A = tpu.concatenate %add3A, %add3A_11 in 1 : vector<2000x32xf32>, vector<2000x32xf32> -> vector<2000x64xf32>
    %get3A_12 = arith.constant 0 : index
    %get3A_13 = arith.constant 0 : index
    %get3A_14 = vector.load %arg5[%get3A_12, %get3A_13] : memref<2000x1xf32, #tpu.memory_space<vmem>>, vector<2000x1xf32>
    %mul3A = vector.broadcast %get3A_14 : vector<2000x1xf32> to vector<2000x64xf32>
    %mul3A_15 = arith.mulf %concatenate3A, %mul3A : vector<2000x64xf32>
    %get3A_16 = arith.constant 0 : index
    %get3A_17 = arith.constant 0 : index
    %get3A_18 = vector.load %arg6[%get3A_16, %get3A_17] : memref<1x64xf32, #tpu.memory_space<vmem>>, vector<1x64xf32>
    %add3A_19 = vector.broadcast %get3A_18 : vector<1x64xf32> to vector<2000x64xf32>
    %add3A_20 = arith.addf %mul3A_15, %add3A_19 : vector<2000x64xf32>
    %max3A = arith.constant 0.000000e+00 : f32
    %max3A_21 = vector.broadcast %max3A : f32 to vector<2000x64xf32>
    %max3A_22 = arith.maximumf %add3A_20, %max3A_21 : vector<2000x64xf32>
    %swap3A = arith.constant 0 : index
    %swap3A_23 = arith.constant 0 : index
    %swap3A_24 = vector.load %arg7[%swap3A, %swap3A_23] : memref<2000x64xf32, #tpu.memory_space<vmem>>, vector<2000x64xf32>
    tpu.vector_store %arg7[%swap3A, %swap3A_23], %max3A_22 {strides = array<i32>} : memref<2000x64xf32, #tpu.memory_space<vmem>>, vector<2000x64xf32>,
    %eq3A = arith.constant 0 : i32
    %eq3A_25 = arith.cmpi eq, %arg0, %eq3A : i32
    %convert_element_type3A = arith.extui %eq3A_25 : i1 to i32
    %cond3A = arith.constant 0 : i32
    %cond3A_26 = arith.cmpi ne, %convert_element_type3A, %cond3A : i32
    scf.if %cond3A_26 {
      %broadcast_in_dim3A_46 = arith.constant 0.000000e+00 : f32
      %broadcast_in_dim3A_47 = vector.broadcast %broadcast_in_dim3A_46 : f32 to vector<1x64xf32>
      %swap3A_48 = arith.constant 0 : index
      %swap3A_49 = arith.constant 0 : index
      %swap3A_50 = vector.load %arg8[%swap3A_48, %swap3A_49] : memref<1x64xf32, #tpu.memory_space<vmem>>, vector<1x64xf32>
      tpu.vector_store %arg8[%swap3A_48, %swap3A_49], %broadcast_in_dim3A_47 {strides = array<i32>} : memref<1x64xf32, #tpu.memory_space<vmem>>, vector<1x64xf32>,
      %broadcast_in_dim3A_51 = arith.constant 0.000000e+00 : f32
      %broadcast_in_dim3A_52 = vector.broadcast %broadcast_in_dim3A_51 : f32 to vector<1x64xf32>
      %swap3A_53 = arith.constant 0 : index
      %swap3A_54 = arith.constant 0 : index
      %swap3A_55 = vector.load %arg9[%swap3A_53, %swap3A_54] : memref<1x64xf32, #tpu.memory_space<vmem>>, vector<1x64xf32>
      tpu.vector_store %arg9[%swap3A_53, %swap3A_54], %broadcast_in_dim3A_52 {strides = array<i32>} : memref<1x64xf32, #tpu.memory_space<vmem>>, vector<1x64xf32>,
    } else {
    }
    %get3A_27 = arith.constant 0 : index
    %get3A_28 = arith.constant 0 : index
    %get3A_29 = vector.load %arg8[%get3A_27, %get3A_28] : memref<1x64xf32, #tpu.memory_space<vmem>>, vector<1x64xf32>
    %reduce_sum3A = arith.constant dense<0.000000e+00> : vector<64xf32>
    %reduce_sum3A_30 = vector.multi_reduction <add>, %max3A_22, %reduce_sum3A [0] : vector<2000x64xf32> to vector<64xf32>
    %broadcast_in_dim3A = vector.shape_cast %reduce_sum3A_30 : vector<64xf32> to vector<1x64xf32>
    %add3A_31 = arith.addf %get3A_29, %broadcast_in_dim3A : vector<1x64xf32>
    %swap3A_32 = arith.constant 0 : index
    %swap3A_33 = arith.constant 0 : index
    %swap3A_34 = vector.load %arg8[%swap3A_32, %swap3A_33] : memref<1x64xf32, #tpu.memory_space<vmem>>, vector<1x64xf32>
    tpu.vector_store %arg8[%swap3A_32, %swap3A_33], %add3A_31 {strides = array<i32>} : memref<1x64xf32, #tpu.memory_space<vmem>>, vector<1x64xf32>,
    %get3A_35 = arith.constant 0 : index
    %get3A_36 = arith.constant 0 : index
    %get3A_37 = vector.load %arg9[%get3A_35, %get3A_36] : memref<1x64xf32, #tpu.memory_space<vmem>>, vector<1x64xf32>
    %mul3A_38 = arith.mulf %max3A_22, %max3A_22 : vector<2000x64xf32>
    %reduce_sum3A_39 = arith.constant dense<0.000000e+00> : vector<64xf32>
    %reduce_sum3A_40 = vector.multi_reduction <add>, %mul3A_38, %reduce_sum3A_39 [0] : vector<2000x64xf32> to vector<64xf32>
    %broadcast_in_dim3A_41 = vector.shape_cast %reduce_sum3A_40 : vector<64xf32> to vector<1x64xf32>
    %add3A_42 = arith.addf %get3A_37, %broadcast_in_dim3A_41 : vector<1x64xf32>
    %swap3A_43 = arith.constant 0 : index
    %swap3A_44 = arith.constant 0 : index
    %swap3A_45 = vector.load %arg9[%swap3A_43, %swap3A_44] : memref<1x64xf32, #tpu.memory_space<vmem>>, vector<1x64xf32>
    tpu.vector_store %arg9[%swap3A_43, %swap3A_44], %add3A_42 {strides = array<i32>} : memref<1x64xf32, #tpu.memory_space<vmem>>, vector<1x64xf32>,
    return
  }
  func.func @transform_0(%arg0: i32) -> (i32, i32) {
    %c0_i32 = arith.constant 0 : i32
    %c0_i32_0 = arith.constant 0 : i32
    return %arg0, %c0_i32 : i32, i32
  }
  func.func @transform_1(%arg0: i32) -> (i32, i32) {
    %c0_i32 = arith.constant 0 : i32
    %c0_i32_0 = arith.constant 0 : i32
    return %arg0, %c0_i32 : i32, i32
  }
  func.func @transform_2(%arg0: i32) -> (i32, i32) {
    %c0_i32 = arith.constant 0 : i32
    %c0_i32_0 = arith.constant 0 : i32
    return %arg0, %c0_i32 : i32, i32
  }
  func.func @transform_3(%arg0: i32) -> (i32, i32) {
    %c0_i32 = arith.constant 0 : i32
    %c0_i32_0 = arith.constant 0 : i32
    return %arg0, %c0_i32 : i32, i32
  }
  func.func @transform_4(%arg0: i32) -> (i32, i32) {
    %c0_i32 = arith.constant 0 : i32
    %c0_i32_0 = arith.constant 0 : i32
    return %arg0, %c0_i32 : i32, i32
  }
  func.func @transform_5(%arg0: i32) -> (i32, i32) {
    %c0_i32 = arith.constant 0 : i32
    %c0_i32_0 = arith.constant 0 : i32
    %c0_i32_1 = arith.constant 0 : i32
    return %c0_i32, %c0_i32_0 : i32, i32
  }
  func.func @transform_6(%arg0: i32) -> (i32, i32) {
    %c0_i32 = arith.constant 0 : i32
    %c0_i32_0 = arith.constant 0 : i32
    return %arg0, %c0_i32 : i32, i32
  }
  func.func @transform_7(%arg0: i32) -> (i32, i32) {
    %c0_i32 = arith.constant 0 : i32
    %c0_i32_0 = arith.constant 0 : i32
    %c0_i32_1 = arith.constant 0 : i32
    return %c0_i32, %c0_i32_0 : i32, i32
  }
  func.func @transform_8(%arg0: i32) -> (i32, i32) {
    %c0_i32 = arith.constant 0 : i32
    %c0_i32_0 = arith.constant 0 : i32
    %c0_i32_1 = arith.constant 0 : i32
    return %c0_i32, %c0_i32_0 : i32, i32
  }
}

module attributes {stable_mosaic.version = 14 : i64} {
  func.func @body(%arg0: i32, %arg1: memref<2000x64xf32, #tpu.memory_space<vmem>>, %arg2: memref<1x64xf32, #tpu.memory_space<vmem>>, %arg3: memref<1x64xf32, #tpu.memory_space<vmem>>, %arg4: memref<1x64xf32, #tpu.memory_space<vmem>>, %arg5: memref<1x64xf32, #tpu.memory_space<vmem>>, %arg6: memref<2000x1xf32, #tpu.memory_space<vmem>>, %arg7: memref<2000x32xf32, #tpu.memory_space<vmem>>, %arg8: memref<2000x32xf32, #tpu.memory_space<vmem>>) attributes {dimension_semantics = [#tpu.dimension_semantics<arbitrary>], iteration_bounds = array<i64: 25>, scalar_prefetch = 0 : i64, scratch_operands = 0 : i64, tpu.core_type = #tpu.core_type<tc>, window_params = [{transform_indices = @transform_0, window_bounds = array<i64: 2000, 64>}, {pipeline_mode = #tpu.pipeline_mode<synchronous>, transform_indices = @transform_1, window_bounds = array<i64: 1, 64>}, {pipeline_mode = #tpu.pipeline_mode<synchronous>, transform_indices = @transform_2, window_bounds = array<i64: 1, 64>}, {pipeline_mode = #tpu.pipeline_mode<synchronous>, transform_indices = @transform_3, window_bounds = array<i64: 1, 64>}, {pipeline_mode = #tpu.pipeline_mode<synchronous>, transform_indices = @transform_4, window_bounds = array<i64: 1, 64>}, {transform_indices = @transform_5, window_bounds = array<i64: 2000, 1>}, {transform_indices = @transform_6, window_bounds = array<i64: 2000, 32>}, {transform_indices = @transform_7, window_bounds = array<i64: 2000, 32>}]} {
    %get3A = arith.constant 0 : index
    %get3A_0 = arith.constant 0 : index
    %get3A_1 = vector.load %arg2[%get3A, %get3A_0] : memref<1x64xf32, #tpu.memory_space<vmem>>, vector<1x64xf32>
    %div3A = arith.constant 5.000000e+04 : f32
    %div3A_2 = vector.broadcast %div3A : f32 to vector<1x64xf32>
    %div3A_3 = arith.divf %get3A_1, %div3A_2 : vector<1x64xf32>
    %get3A_4 = arith.constant 0 : index
    %get3A_5 = arith.constant 0 : index
    %get3A_6 = vector.load %arg3[%get3A_4, %get3A_5] : memref<1x64xf32, #tpu.memory_space<vmem>>, vector<1x64xf32>
    %div3A_7 = arith.constant 5.000000e+04 : f32
    %div3A_8 = vector.broadcast %div3A_7 : f32 to vector<1x64xf32>
    %div3A_9 = arith.divf %get3A_6, %div3A_8 : vector<1x64xf32>
    %mul3A = arith.mulf %div3A_3, %div3A_3 : vector<1x64xf32>
    %sub3A = arith.subf %div3A_9, %mul3A : vector<1x64xf32>
    %get3A_10 = arith.constant 0 : index
    %get3A_11 = arith.constant 0 : index
    %get3A_12 = vector.load %arg4[%get3A_10, %get3A_11] : memref<1x64xf32, #tpu.memory_space<vmem>>, vector<1x64xf32>
    %add3A = arith.constant 9.99999974E-6 : f32
    %add3A_13 = vector.broadcast %add3A : f32 to vector<1x64xf32>
    %add3A_14 = arith.addf %sub3A, %add3A_13 : vector<1x64xf32>
    %rsqrt3A = math.rsqrt %add3A_14 : vector<1x64xf32>
    %mul3A_15 = arith.mulf %get3A_12, %rsqrt3A : vector<1x64xf32>
    %get3A_16 = arith.constant 0 : index
    %get3A_17 = arith.constant 0 : index
    %get3A_18 = vector.load %arg1[%get3A_16, %get3A_17] : memref<2000x64xf32, #tpu.memory_space<vmem>>, vector<2000x64xf32>
    %sub3A_19 = vector.broadcast %div3A_3 : vector<1x64xf32> to vector<2000x64xf32>
    %sub3A_20 = arith.subf %get3A_18, %sub3A_19 : vector<2000x64xf32>
    %mul3A_21 = vector.broadcast %mul3A_15 : vector<1x64xf32> to vector<2000x64xf32>
    %mul3A_22 = arith.mulf %sub3A_20, %mul3A_21 : vector<2000x64xf32>
    %get3A_23 = arith.constant 0 : index
    %get3A_24 = arith.constant 0 : index
    %get3A_25 = vector.load %arg5[%get3A_23, %get3A_24] : memref<1x64xf32, #tpu.memory_space<vmem>>, vector<1x64xf32>
    %add3A_26 = vector.broadcast %get3A_25 : vector<1x64xf32> to vector<2000x64xf32>
    %add3A_27 = arith.addf %mul3A_22, %add3A_26 : vector<2000x64xf32>
    %get3A_28 = arith.constant 0 : index
    %get3A_29 = arith.constant 0 : index
    %get3A_30 = vector.load %arg6[%get3A_28, %get3A_29] : memref<2000x1xf32, #tpu.memory_space<vmem>>, vector<2000x1xf32>
    %mul3A_31 = vector.broadcast %get3A_30 : vector<2000x1xf32> to vector<2000x64xf32>
    %mul3A_32 = arith.mulf %add3A_27, %mul3A_31 : vector<2000x64xf32>
    %slice3A = vector.extract_strided_slice %mul3A_32 {offsets = [0, 0], sizes = [2000, 32], strides = [1, 1]} : vector<2000x64xf32> to vector<2000x32xf32>
    %swap3A = arith.constant 0 : index
    %swap3A_33 = arith.constant 0 : index
    %swap3A_34 = vector.load %arg7[%swap3A, %swap3A_33] : memref<2000x32xf32, #tpu.memory_space<vmem>>, vector<2000x32xf32>
    tpu.vector_store %arg7[%swap3A, %swap3A_33], %slice3A {strides = array<i32>} : memref<2000x32xf32, #tpu.memory_space<vmem>>, vector<2000x32xf32>,
    %slice3A_35 = vector.extract_strided_slice %mul3A_32 {offsets = [0, 32], sizes = [2000, 32], strides = [1, 1]} : vector<2000x64xf32> to vector<2000x32xf32>
    %swap3A_36 = arith.constant 0 : index
    %swap3A_37 = arith.constant 0 : index
    %swap3A_38 = vector.load %arg8[%swap3A_36, %swap3A_37] : memref<2000x32xf32, #tpu.memory_space<vmem>>, vector<2000x32xf32>
    tpu.vector_store %arg8[%swap3A_36, %swap3A_37], %slice3A_35 {strides = array<i32>} : memref<2000x32xf32, #tpu.memory_space<vmem>>, vector<2000x32xf32>,
    return
  }
  func.func @transform_0(%arg0: i32) -> (i32, i32) {
    %c0_i32 = arith.constant 0 : i32
    %c0_i32_0 = arith.constant 0 : i32
    return %arg0, %c0_i32 : i32, i32
  }
  func.func @transform_1(%arg0: i32) -> (i32, i32) {
    %c0_i32 = arith.constant 0 : i32
    %c0_i32_0 = arith.constant 0 : i32
    %c0_i32_1 = arith.constant 0 : i32
    return %c0_i32, %c0_i32_0 : i32, i32
  }
  func.func @transform_2(%arg0: i32) -> (i32, i32) {
    %c0_i32 = arith.constant 0 : i32
    %c0_i32_0 = arith.constant 0 : i32
    %c0_i32_1 = arith.constant 0 : i32
    return %c0_i32, %c0_i32_0 : i32, i32
  }
  func.func @transform_3(%arg0: i32) -> (i32, i32) {
    %c0_i32 = arith.constant 0 : i32
    %c0_i32_0 = arith.constant 0 : i32
    %c0_i32_1 = arith.constant 0 : i32
    return %c0_i32, %c0_i32_0 : i32, i32
  }
  func.func @transform_4(%arg0: i32) -> (i32, i32) {
    %c0_i32 = arith.constant 0 : i32
    %c0_i32_0 = arith.constant 0 : i32
    %c0_i32_1 = arith.constant 0 : i32
    return %c0_i32, %c0_i32_0 : i32, i32
  }
  func.func @transform_5(%arg0: i32) -> (i32, i32) {
    %c0_i32 = arith.constant 0 : i32
    %c0_i32_0 = arith.constant 0 : i32
    return %arg0, %c0_i32 : i32, i32
  }
  func.func @transform_6(%arg0: i32) -> (i32, i32) {
    %c0_i32 = arith.constant 0 : i32
    %c0_i32_0 = arith.constant 0 : i32
    return %arg0, %c0_i32 : i32, i32
  }
  func.func @transform_7(%arg0: i32) -> (i32, i32) {
    %c0_i32 = arith.constant 0 : i32
    %c0_i32_0 = arith.constant 0 : i32
    return %arg0, %c0_i32 : i32, i32
  }
}

module attributes {stable_mosaic.version = 14 : i64} {
  func.func @body(%arg0: i32, %arg1: memref<2000x32xf32, #tpu.memory_space<vmem>>, %arg2: memref<2000x32xf32, #tpu.memory_space<vmem>>, %arg3: memref<2000x32xf32, #tpu.memory_space<vmem>>, %arg4: memref<2000x32xf32, #tpu.memory_space<vmem>>, %arg5: memref<2000x1xf32, #tpu.memory_space<vmem>>, %arg6: memref<64x128xf32, #tpu.memory_space<vmem>>, %arg7: memref<1x128xf32, #tpu.memory_space<vmem>>, %arg8: memref<2000x128xf32, #tpu.memory_space<vmem>>, %arg9: memref<1x128xf32, #tpu.memory_space<vmem>>, %arg10: memref<1x128xf32, #tpu.memory_space<vmem>>) attributes {dimension_semantics = [#tpu.dimension_semantics<arbitrary>], iteration_bounds = array<i64: 25>, scalar_prefetch = 0 : i64, scratch_operands = 0 : i64, tpu.core_type = #tpu.core_type<tc>, window_params = [{transform_indices = @transform_0, window_bounds = array<i64: 2000, 32>}, {transform_indices = @transform_1, window_bounds = array<i64: 2000, 32>}, {transform_indices = @transform_2, window_bounds = array<i64: 2000, 32>}, {transform_indices = @transform_3, window_bounds = array<i64: 2000, 32>}, {transform_indices = @transform_4, window_bounds = array<i64: 2000, 1>}, {pipeline_mode = #tpu.pipeline_mode<synchronous>, transform_indices = @transform_5, window_bounds = array<i64: 64, 128>}, {pipeline_mode = #tpu.pipeline_mode<synchronous>, transform_indices = @transform_6, window_bounds = array<i64: 1, 128>}, {transform_indices = @transform_7, window_bounds = array<i64: 2000, 128>}, {pipeline_mode = #tpu.pipeline_mode<synchronous>, transform_indices = @transform_8, window_bounds = array<i64: 1, 128>}, {pipeline_mode = #tpu.pipeline_mode<synchronous>, transform_indices = @transform_9, window_bounds = array<i64: 1, 128>}]} {
    %get3A = arith.constant 0 : index
    %get3A_0 = arith.constant 0 : index
    %get3A_1 = vector.load %arg1[%get3A, %get3A_0] : memref<2000x32xf32, #tpu.memory_space<vmem>>, vector<2000x32xf32>
    %get3A_2 = arith.constant 0 : index
    %get3A_3 = arith.constant 0 : index
    %get3A_4 = vector.load %arg3[%get3A_2, %get3A_3] : memref<2000x32xf32, #tpu.memory_space<vmem>>, vector<2000x32xf32>
    %add3A = arith.addf %get3A_1, %get3A_4 : vector<2000x32xf32>
    %get3A_5 = arith.constant 0 : index
    %get3A_6 = arith.constant 0 : index
    %get3A_7 = vector.load %arg2[%get3A_5, %get3A_6] : memref<2000x32xf32, #tpu.memory_space<vmem>>, vector<2000x32xf32>
    %get3A_8 = arith.constant 0 : index
    %get3A_9 = arith.constant 0 : index
    %get3A_10 = vector.load %arg4[%get3A_8, %get3A_9] : memref<2000x32xf32, #tpu.memory_space<vmem>>, vector<2000x32xf32>
    %add3A_11 = arith.addf %get3A_7, %get3A_10 : vector<2000x32xf32>
    %concatenate3A = tpu.concatenate %add3A, %add3A_11 in 1 : vector<2000x32xf32>, vector<2000x32xf32> -> vector<2000x64xf32>
    %get3A_12 = arith.constant 0 : index
    %get3A_13 = arith.constant 0 : index
    %get3A_14 = vector.load %arg5[%get3A_12, %get3A_13] : memref<2000x1xf32, #tpu.memory_space<vmem>>, vector<2000x1xf32>
    %mul3A = vector.broadcast %get3A_14 : vector<2000x1xf32> to vector<2000x64xf32>
    %mul3A_15 = arith.mulf %concatenate3A, %mul3A : vector<2000x64xf32>
    %get3A_16 = arith.constant 0 : index
    %get3A_17 = arith.constant 0 : index
    %get3A_18 = vector.load %arg6[%get3A_16, %get3A_17] : memref<64x128xf32, #tpu.memory_space<vmem>>, vector<64x128xf32>
    %dot_general3A = arith.constant dense<0.000000e+00> : vector<2000x128xf32>
    %dot_general3A_19 = tpu.matmul %mul3A_15, %get3A_18, %dot_general3A {dimension_numbers = #tpu.dot_dimension_numbers<[1], [0], [0], [1], [0, 0, 1, 1], [], []>, precision = #tpu.contract_precision<fp32>, transpose_lhs_hint = false} : vector<2000x64xf32>, vector<64x128xf32>, vector<2000x128xf32> -> vector<2000x128xf32>
    %get3A_20 = arith.constant 0 : index
    %get3A_21 = arith.constant 0 : index
    %get3A_22 = vector.load %arg7[%get3A_20, %get3A_21] : memref<1x128xf32, #tpu.memory_space<vmem>>, vector<1x128xf32>
    %add3A_23 = vector.broadcast %get3A_22 : vector<1x128xf32> to vector<2000x128xf32>
    %add3A_24 = arith.addf %dot_general3A_19, %add3A_23 : vector<2000x128xf32>
    %max3A = arith.constant 0.000000e+00 : f32
    %max3A_25 = vector.broadcast %max3A : f32 to vector<2000x128xf32>
    %max3A_26 = arith.maximumf %add3A_24, %max3A_25 : vector<2000x128xf32>
    %swap3A = arith.constant 0 : index
    %swap3A_27 = arith.constant 0 : index
    %swap3A_28 = vector.load %arg8[%swap3A, %swap3A_27] : memref<2000x128xf32, #tpu.memory_space<vmem>>, vector<2000x128xf32>
    tpu.vector_store %arg8[%swap3A, %swap3A_27], %max3A_26 {strides = array<i32>} : memref<2000x128xf32, #tpu.memory_space<vmem>>, vector<2000x128xf32>,
    %eq3A = arith.constant 0 : i32
    %eq3A_29 = arith.cmpi eq, %arg0, %eq3A : i32
    %convert_element_type3A = arith.extui %eq3A_29 : i1 to i32
    %cond3A = arith.constant 0 : i32
    %cond3A_30 = arith.cmpi ne, %convert_element_type3A, %cond3A : i32
    scf.if %cond3A_30 {
      %broadcast_in_dim3A_50 = arith.constant 0.000000e+00 : f32
      %broadcast_in_dim3A_51 = vector.broadcast %broadcast_in_dim3A_50 : f32 to vector<1x128xf32>
      %swap3A_52 = arith.constant 0 : index
      %swap3A_53 = arith.constant 0 : index
      %swap3A_54 = vector.load %arg9[%swap3A_52, %swap3A_53] : memref<1x128xf32, #tpu.memory_space<vmem>>, vector<1x128xf32>
      tpu.vector_store %arg9[%swap3A_52, %swap3A_53], %broadcast_in_dim3A_51 {strides = array<i32>} : memref<1x128xf32, #tpu.memory_space<vmem>>, vector<1x128xf32>,
      %broadcast_in_dim3A_55 = arith.constant 0.000000e+00 : f32
      %broadcast_in_dim3A_56 = vector.broadcast %broadcast_in_dim3A_55 : f32 to vector<1x128xf32>
      %swap3A_57 = arith.constant 0 : index
      %swap3A_58 = arith.constant 0 : index
      %swap3A_59 = vector.load %arg10[%swap3A_57, %swap3A_58] : memref<1x128xf32, #tpu.memory_space<vmem>>, vector<1x128xf32>
      tpu.vector_store %arg10[%swap3A_57, %swap3A_58], %broadcast_in_dim3A_56 {strides = array<i32>} : memref<1x128xf32, #tpu.memory_space<vmem>>, vector<1x128xf32>,
    } else {
    }
    %get3A_31 = arith.constant 0 : index
    %get3A_32 = arith.constant 0 : index
    %get3A_33 = vector.load %arg9[%get3A_31, %get3A_32] : memref<1x128xf32, #tpu.memory_space<vmem>>, vector<1x128xf32>
    %reduce_sum3A = arith.constant dense<0.000000e+00> : vector<128xf32>
    %reduce_sum3A_34 = vector.multi_reduction <add>, %max3A_26, %reduce_sum3A [0] : vector<2000x128xf32> to vector<128xf32>
    %broadcast_in_dim3A = vector.shape_cast %reduce_sum3A_34 : vector<128xf32> to vector<1x128xf32>
    %add3A_35 = arith.addf %get3A_33, %broadcast_in_dim3A : vector<1x128xf32>
    %swap3A_36 = arith.constant 0 : index
    %swap3A_37 = arith.constant 0 : index
    %swap3A_38 = vector.load %arg9[%swap3A_36, %swap3A_37] : memref<1x128xf32, #tpu.memory_space<vmem>>, vector<1x128xf32>
    tpu.vector_store %arg9[%swap3A_36, %swap3A_37], %add3A_35 {strides = array<i32>} : memref<1x128xf32, #tpu.memory_space<vmem>>, vector<1x128xf32>,
    %get3A_39 = arith.constant 0 : index
    %get3A_40 = arith.constant 0 : index
    %get3A_41 = vector.load %arg10[%get3A_39, %get3A_40] : memref<1x128xf32, #tpu.memory_space<vmem>>, vector<1x128xf32>
    %mul3A_42 = arith.mulf %max3A_26, %max3A_26 : vector<2000x128xf32>
    %reduce_sum3A_43 = arith.constant dense<0.000000e+00> : vector<128xf32>
    %reduce_sum3A_44 = vector.multi_reduction <add>, %mul3A_42, %reduce_sum3A_43 [0] : vector<2000x128xf32> to vector<128xf32>
    %broadcast_in_dim3A_45 = vector.shape_cast %reduce_sum3A_44 : vector<128xf32> to vector<1x128xf32>
    %add3A_46 = arith.addf %get3A_41, %broadcast_in_dim3A_45 : vector<1x128xf32>
    %swap3A_47 = arith.constant 0 : index
    %swap3A_48 = arith.constant 0 : index
    %swap3A_49 = vector.load %arg10[%swap3A_47, %swap3A_48] : memref<1x128xf32, #tpu.memory_space<vmem>>, vector<1x128xf32>
    tpu.vector_store %arg10[%swap3A_47, %swap3A_48], %add3A_46 {strides = array<i32>} : memref<1x128xf32, #tpu.memory_space<vmem>>, vector<1x128xf32>,
    return
  }
  func.func @transform_0(%arg0: i32) -> (i32, i32) {
    %c0_i32 = arith.constant 0 : i32
    %c0_i32_0 = arith.constant 0 : i32
    return %arg0, %c0_i32 : i32, i32
  }
  func.func @transform_1(%arg0: i32) -> (i32, i32) {
    %c0_i32 = arith.constant 0 : i32
    %c0_i32_0 = arith.constant 0 : i32
    return %arg0, %c0_i32 : i32, i32
  }
  func.func @transform_2(%arg0: i32) -> (i32, i32) {
    %c0_i32 = arith.constant 0 : i32
    %c0_i32_0 = arith.constant 0 : i32
    return %arg0, %c0_i32 : i32, i32
  }
  func.func @transform_3(%arg0: i32) -> (i32, i32) {
    %c0_i32 = arith.constant 0 : i32
    %c0_i32_0 = arith.constant 0 : i32
    return %arg0, %c0_i32 : i32, i32
  }
  func.func @transform_4(%arg0: i32) -> (i32, i32) {
    %c0_i32 = arith.constant 0 : i32
    %c0_i32_0 = arith.constant 0 : i32
    return %arg0, %c0_i32 : i32, i32
  }
  func.func @transform_5(%arg0: i32) -> (i32, i32) {
    %c0_i32 = arith.constant 0 : i32
    %c0_i32_0 = arith.constant 0 : i32
    %c0_i32_1 = arith.constant 0 : i32
    return %c0_i32, %c0_i32_0 : i32, i32
  }
  func.func @transform_6(%arg0: i32) -> (i32, i32) {
    %c0_i32 = arith.constant 0 : i32
    %c0_i32_0 = arith.constant 0 : i32
    %c0_i32_1 = arith.constant 0 : i32
    return %c0_i32, %c0_i32_0 : i32, i32
  }
  func.func @transform_7(%arg0: i32) -> (i32, i32) {
    %c0_i32 = arith.constant 0 : i32
    %c0_i32_0 = arith.constant 0 : i32
    return %arg0, %c0_i32 : i32, i32
  }
  func.func @transform_8(%arg0: i32) -> (i32, i32) {
    %c0_i32 = arith.constant 0 : i32
    %c0_i32_0 = arith.constant 0 : i32
    %c0_i32_1 = arith.constant 0 : i32
    return %c0_i32, %c0_i32_0 : i32, i32
  }
  func.func @transform_9(%arg0: i32) -> (i32, i32) {
    %c0_i32 = arith.constant 0 : i32
    %c0_i32_0 = arith.constant 0 : i32
    %c0_i32_1 = arith.constant 0 : i32
    return %c0_i32, %c0_i32_0 : i32, i32
  }
}

module attributes {stable_mosaic.version = 14 : i64} {
  func.func @body(%arg0: i32, %arg1: memref<2000x128xf32, #tpu.memory_space<vmem>>, %arg2: memref<1x128xf32, #tpu.memory_space<vmem>>, %arg3: memref<1x128xf32, #tpu.memory_space<vmem>>, %arg4: memref<1x128xf32, #tpu.memory_space<vmem>>, %arg5: memref<1x128xf32, #tpu.memory_space<vmem>>, %arg6: memref<2000x1xf32, #tpu.memory_space<vmem>>, %arg7: memref<128x64xf32, #tpu.memory_space<vmem>>, %arg8: memref<2000x32xf32, #tpu.memory_space<vmem>>, %arg9: memref<2000x32xf32, #tpu.memory_space<vmem>>) attributes {dimension_semantics = [#tpu.dimension_semantics<arbitrary>], iteration_bounds = array<i64: 25>, scalar_prefetch = 0 : i64, scratch_operands = 0 : i64, tpu.core_type = #tpu.core_type<tc>, window_params = [{transform_indices = @transform_0, window_bounds = array<i64: 2000, 128>}, {pipeline_mode = #tpu.pipeline_mode<synchronous>, transform_indices = @transform_1, window_bounds = array<i64: 1, 128>}, {pipeline_mode = #tpu.pipeline_mode<synchronous>, transform_indices = @transform_2, window_bounds = array<i64: 1, 128>}, {pipeline_mode = #tpu.pipeline_mode<synchronous>, transform_indices = @transform_3, window_bounds = array<i64: 1, 128>}, {pipeline_mode = #tpu.pipeline_mode<synchronous>, transform_indices = @transform_4, window_bounds = array<i64: 1, 128>}, {transform_indices = @transform_5, window_bounds = array<i64: 2000, 1>}, {pipeline_mode = #tpu.pipeline_mode<synchronous>, transform_indices = @transform_6, window_bounds = array<i64: 128, 64>}, {transform_indices = @transform_7, window_bounds = array<i64: 2000, 32>}, {transform_indices = @transform_8, window_bounds = array<i64: 2000, 32>}]} {
    %get3A = arith.constant 0 : index
    %get3A_0 = arith.constant 0 : index
    %get3A_1 = vector.load %arg2[%get3A, %get3A_0] : memref<1x128xf32, #tpu.memory_space<vmem>>, vector<1x128xf32>
    %div3A = arith.constant 5.000000e+04 : f32
    %div3A_2 = vector.broadcast %div3A : f32 to vector<1x128xf32>
    %div3A_3 = arith.divf %get3A_1, %div3A_2 : vector<1x128xf32>
    %get3A_4 = arith.constant 0 : index
    %get3A_5 = arith.constant 0 : index
    %get3A_6 = vector.load %arg3[%get3A_4, %get3A_5] : memref<1x128xf32, #tpu.memory_space<vmem>>, vector<1x128xf32>
    %div3A_7 = arith.constant 5.000000e+04 : f32
    %div3A_8 = vector.broadcast %div3A_7 : f32 to vector<1x128xf32>
    %div3A_9 = arith.divf %get3A_6, %div3A_8 : vector<1x128xf32>
    %mul3A = arith.mulf %div3A_3, %div3A_3 : vector<1x128xf32>
    %sub3A = arith.subf %div3A_9, %mul3A : vector<1x128xf32>
    %get3A_10 = arith.constant 0 : index
    %get3A_11 = arith.constant 0 : index
    %get3A_12 = vector.load %arg4[%get3A_10, %get3A_11] : memref<1x128xf32, #tpu.memory_space<vmem>>, vector<1x128xf32>
    %add3A = arith.constant 9.99999974E-6 : f32
    %add3A_13 = vector.broadcast %add3A : f32 to vector<1x128xf32>
    %add3A_14 = arith.addf %sub3A, %add3A_13 : vector<1x128xf32>
    %rsqrt3A = math.rsqrt %add3A_14 : vector<1x128xf32>
    %mul3A_15 = arith.mulf %get3A_12, %rsqrt3A : vector<1x128xf32>
    %get3A_16 = arith.constant 0 : index
    %get3A_17 = arith.constant 0 : index
    %get3A_18 = vector.load %arg1[%get3A_16, %get3A_17] : memref<2000x128xf32, #tpu.memory_space<vmem>>, vector<2000x128xf32>
    %sub3A_19 = vector.broadcast %div3A_3 : vector<1x128xf32> to vector<2000x128xf32>
    %sub3A_20 = arith.subf %get3A_18, %sub3A_19 : vector<2000x128xf32>
    %mul3A_21 = vector.broadcast %mul3A_15 : vector<1x128xf32> to vector<2000x128xf32>
    %mul3A_22 = arith.mulf %sub3A_20, %mul3A_21 : vector<2000x128xf32>
    %get3A_23 = arith.constant 0 : index
    %get3A_24 = arith.constant 0 : index
    %get3A_25 = vector.load %arg5[%get3A_23, %get3A_24] : memref<1x128xf32, #tpu.memory_space<vmem>>, vector<1x128xf32>
    %add3A_26 = vector.broadcast %get3A_25 : vector<1x128xf32> to vector<2000x128xf32>
    %add3A_27 = arith.addf %mul3A_22, %add3A_26 : vector<2000x128xf32>
    %get3A_28 = arith.constant 0 : index
    %get3A_29 = arith.constant 0 : index
    %get3A_30 = vector.load %arg7[%get3A_28, %get3A_29] : memref<128x64xf32, #tpu.memory_space<vmem>>, vector<128x64xf32>
    %dot_general3A = arith.constant dense<0.000000e+00> : vector<2000x64xf32>
    %dot_general3A_31 = tpu.matmul %add3A_27, %get3A_30, %dot_general3A {dimension_numbers = #tpu.dot_dimension_numbers<[1], [0], [0], [1], [0, 0, 1, 1], [], []>, transpose_lhs_hint = false} : vector<2000x128xf32>, vector<128x64xf32>, vector<2000x64xf32> -> vector<2000x64xf32>
    %get3A_32 = arith.constant 0 : index
    %get3A_33 = arith.constant 0 : index
    %get3A_34 = vector.load %arg6[%get3A_32, %get3A_33] : memref<2000x1xf32, #tpu.memory_space<vmem>>, vector<2000x1xf32>
    %mul3A_35 = vector.broadcast %get3A_34 : vector<2000x1xf32> to vector<2000x64xf32>
    %mul3A_36 = arith.mulf %dot_general3A_31, %mul3A_35 : vector<2000x64xf32>
    %slice3A = vector.extract_strided_slice %mul3A_36 {offsets = [0, 0], sizes = [2000, 32], strides = [1, 1]} : vector<2000x64xf32> to vector<2000x32xf32>
    %swap3A = arith.constant 0 : index
    %swap3A_37 = arith.constant 0 : index
    %swap3A_38 = vector.load %arg8[%swap3A, %swap3A_37] : memref<2000x32xf32, #tpu.memory_space<vmem>>, vector<2000x32xf32>
    tpu.vector_store %arg8[%swap3A, %swap3A_37], %slice3A {strides = array<i32>} : memref<2000x32xf32, #tpu.memory_space<vmem>>, vector<2000x32xf32>,
    %slice3A_39 = vector.extract_strided_slice %mul3A_36 {offsets = [0, 32], sizes = [2000, 32], strides = [1, 1]} : vector<2000x64xf32> to vector<2000x32xf32>
    %swap3A_40 = arith.constant 0 : index
    %swap3A_41 = arith.constant 0 : index
    %swap3A_42 = vector.load %arg9[%swap3A_40, %swap3A_41] : memref<2000x32xf32, #tpu.memory_space<vmem>>, vector<2000x32xf32>
    tpu.vector_store %arg9[%swap3A_40, %swap3A_41], %slice3A_39 {strides = array<i32>} : memref<2000x32xf32, #tpu.memory_space<vmem>>, vector<2000x32xf32>,
    return
  }
  func.func @transform_0(%arg0: i32) -> (i32, i32) {
    %c0_i32 = arith.constant 0 : i32
    %c0_i32_0 = arith.constant 0 : i32
    return %arg0, %c0_i32 : i32, i32
  }
  func.func @transform_1(%arg0: i32) -> (i32, i32) {
    %c0_i32 = arith.constant 0 : i32
    %c0_i32_0 = arith.constant 0 : i32
    %c0_i32_1 = arith.constant 0 : i32
    return %c0_i32, %c0_i32_0 : i32, i32
  }
  func.func @transform_2(%arg0: i32) -> (i32, i32) {
    %c0_i32 = arith.constant 0 : i32
    %c0_i32_0 = arith.constant 0 : i32
    %c0_i32_1 = arith.constant 0 : i32
    return %c0_i32, %c0_i32_0 : i32, i32
  }
  func.func @transform_3(%arg0: i32) -> (i32, i32) {
    %c0_i32 = arith.constant 0 : i32
    %c0_i32_0 = arith.constant 0 : i32
    %c0_i32_1 = arith.constant 0 : i32
    return %c0_i32, %c0_i32_0 : i32, i32
  }
  func.func @transform_4(%arg0: i32) -> (i32, i32) {
    %c0_i32 = arith.constant 0 : i32
    %c0_i32_0 = arith.constant 0 : i32
    %c0_i32_1 = arith.constant 0 : i32
    return %c0_i32, %c0_i32_0 : i32, i32
  }
  func.func @transform_5(%arg0: i32) -> (i32, i32) {
    %c0_i32 = arith.constant 0 : i32
    %c0_i32_0 = arith.constant 0 : i32
    return %arg0, %c0_i32 : i32, i32
  }
  func.func @transform_6(%arg0: i32) -> (i32, i32) {
    %c0_i32 = arith.constant 0 : i32
    %c0_i32_0 = arith.constant 0 : i32
    %c0_i32_1 = arith.constant 0 : i32
    return %c0_i32, %c0_i32_0 : i32, i32
  }
  func.func @transform_7(%arg0: i32) -> (i32, i32) {
    %c0_i32 = arith.constant 0 : i32
    %c0_i32_0 = arith.constant 0 : i32
    return %arg0, %c0_i32 : i32, i32
  }
  func.func @transform_8(%arg0: i32) -> (i32, i32) {
    %c0_i32 = arith.constant 0 : i32
    %c0_i32_0 = arith.constant 0 : i32
    return %arg0, %c0_i32 : i32, i32
  }
}

module attributes {stable_mosaic.version = 14 : i64} {
  func.func @body(%arg0: i32, %arg1: memref<2000x64xf32, #tpu.memory_space<vmem>>, %arg2: memref<1x64xf32, #tpu.memory_space<vmem>>, %arg3: memref<1x64xf32, #tpu.memory_space<vmem>>, %arg4: memref<1x64xf32, #tpu.memory_space<vmem>>, %arg5: memref<1x64xf32, #tpu.memory_space<vmem>>, %arg6: memref<2000x1xf32, #tpu.memory_space<vmem>>, %arg7: memref<64x32xf32, #tpu.memory_space<vmem>>, %arg8: memref<2000x16xf32, #tpu.memory_space<vmem>>, %arg9: memref<2000x16xf32, #tpu.memory_space<vmem>>) attributes {dimension_semantics = [#tpu.dimension_semantics<arbitrary>], iteration_bounds = array<i64: 25>, scalar_prefetch = 0 : i64, scratch_operands = 0 : i64, tpu.core_type = #tpu.core_type<tc>, window_params = [{transform_indices = @transform_0, window_bounds = array<i64: 2000, 64>}, {pipeline_mode = #tpu.pipeline_mode<synchronous>, transform_indices = @transform_1, window_bounds = array<i64: 1, 64>}, {pipeline_mode = #tpu.pipeline_mode<synchronous>, transform_indices = @transform_2, window_bounds = array<i64: 1, 64>}, {pipeline_mode = #tpu.pipeline_mode<synchronous>, transform_indices = @transform_3, window_bounds = array<i64: 1, 64>}, {pipeline_mode = #tpu.pipeline_mode<synchronous>, transform_indices = @transform_4, window_bounds = array<i64: 1, 64>}, {transform_indices = @transform_5, window_bounds = array<i64: 2000, 1>}, {pipeline_mode = #tpu.pipeline_mode<synchronous>, transform_indices = @transform_6, window_bounds = array<i64: 64, 32>}, {transform_indices = @transform_7, window_bounds = array<i64: 2000, 16>}, {transform_indices = @transform_8, window_bounds = array<i64: 2000, 16>}]} {
    %get3A = arith.constant 0 : index
    %get3A_0 = arith.constant 0 : index
    %get3A_1 = vector.load %arg2[%get3A, %get3A_0] : memref<1x64xf32, #tpu.memory_space<vmem>>, vector<1x64xf32>
    %div3A = arith.constant 5.000000e+04 : f32
    %div3A_2 = vector.broadcast %div3A : f32 to vector<1x64xf32>
    %div3A_3 = arith.divf %get3A_1, %div3A_2 : vector<1x64xf32>
    %get3A_4 = arith.constant 0 : index
    %get3A_5 = arith.constant 0 : index
    %get3A_6 = vector.load %arg3[%get3A_4, %get3A_5] : memref<1x64xf32, #tpu.memory_space<vmem>>, vector<1x64xf32>
    %div3A_7 = arith.constant 5.000000e+04 : f32
    %div3A_8 = vector.broadcast %div3A_7 : f32 to vector<1x64xf32>
    %div3A_9 = arith.divf %get3A_6, %div3A_8 : vector<1x64xf32>
    %mul3A = arith.mulf %div3A_3, %div3A_3 : vector<1x64xf32>
    %sub3A = arith.subf %div3A_9, %mul3A : vector<1x64xf32>
    %get3A_10 = arith.constant 0 : index
    %get3A_11 = arith.constant 0 : index
    %get3A_12 = vector.load %arg4[%get3A_10, %get3A_11] : memref<1x64xf32, #tpu.memory_space<vmem>>, vector<1x64xf32>
    %add3A = arith.constant 9.99999974E-6 : f32
    %add3A_13 = vector.broadcast %add3A : f32 to vector<1x64xf32>
    %add3A_14 = arith.addf %sub3A, %add3A_13 : vector<1x64xf32>
    %rsqrt3A = math.rsqrt %add3A_14 : vector<1x64xf32>
    %mul3A_15 = arith.mulf %get3A_12, %rsqrt3A : vector<1x64xf32>
    %get3A_16 = arith.constant 0 : index
    %get3A_17 = arith.constant 0 : index
    %get3A_18 = vector.load %arg1[%get3A_16, %get3A_17] : memref<2000x64xf32, #tpu.memory_space<vmem>>, vector<2000x64xf32>
    %sub3A_19 = vector.broadcast %div3A_3 : vector<1x64xf32> to vector<2000x64xf32>
    %sub3A_20 = arith.subf %get3A_18, %sub3A_19 : vector<2000x64xf32>
    %mul3A_21 = vector.broadcast %mul3A_15 : vector<1x64xf32> to vector<2000x64xf32>
    %mul3A_22 = arith.mulf %sub3A_20, %mul3A_21 : vector<2000x64xf32>
    %get3A_23 = arith.constant 0 : index
    %get3A_24 = arith.constant 0 : index
    %get3A_25 = vector.load %arg5[%get3A_23, %get3A_24] : memref<1x64xf32, #tpu.memory_space<vmem>>, vector<1x64xf32>
    %add3A_26 = vector.broadcast %get3A_25 : vector<1x64xf32> to vector<2000x64xf32>
    %add3A_27 = arith.addf %mul3A_22, %add3A_26 : vector<2000x64xf32>
    %get3A_28 = arith.constant 0 : index
    %get3A_29 = arith.constant 0 : index
    %get3A_30 = vector.load %arg7[%get3A_28, %get3A_29] : memref<64x32xf32, #tpu.memory_space<vmem>>, vector<64x32xf32>
    %dot_general3A = arith.constant dense<0.000000e+00> : vector<2000x32xf32>
    %dot_general3A_31 = tpu.matmul %add3A_27, %get3A_30, %dot_general3A {dimension_numbers = #tpu.dot_dimension_numbers<[1], [0], [0], [1], [0, 0, 1, 1], [], []>, transpose_lhs_hint = false} : vector<2000x64xf32>, vector<64x32xf32>, vector<2000x32xf32> -> vector<2000x32xf32>
    %get3A_32 = arith.constant 0 : index
    %get3A_33 = arith.constant 0 : index
    %get3A_34 = vector.load %arg6[%get3A_32, %get3A_33] : memref<2000x1xf32, #tpu.memory_space<vmem>>, vector<2000x1xf32>
    %mul3A_35 = vector.broadcast %get3A_34 : vector<2000x1xf32> to vector<2000x32xf32>
    %mul3A_36 = arith.mulf %dot_general3A_31, %mul3A_35 : vector<2000x32xf32>
    %slice3A = vector.extract_strided_slice %mul3A_36 {offsets = [0, 0], sizes = [2000, 16], strides = [1, 1]} : vector<2000x32xf32> to vector<2000x16xf32>
    %swap3A = arith.constant 0 : index
    %swap3A_37 = arith.constant 0 : index
    %swap3A_38 = vector.load %arg8[%swap3A, %swap3A_37] : memref<2000x16xf32, #tpu.memory_space<vmem>>, vector<2000x16xf32>
    tpu.vector_store %arg8[%swap3A, %swap3A_37], %slice3A {strides = array<i32>} : memref<2000x16xf32, #tpu.memory_space<vmem>>, vector<2000x16xf32>,
    %slice3A_39 = vector.extract_strided_slice %mul3A_36 {offsets = [0, 16], sizes = [2000, 16], strides = [1, 1]} : vector<2000x32xf32> to vector<2000x16xf32>
    %swap3A_40 = arith.constant 0 : index
    %swap3A_41 = arith.constant 0 : index
    %swap3A_42 = vector.load %arg9[%swap3A_40, %swap3A_41] : memref<2000x16xf32, #tpu.memory_space<vmem>>, vector<2000x16xf32>
    tpu.vector_store %arg9[%swap3A_40, %swap3A_41], %slice3A_39 {strides = array<i32>} : memref<2000x16xf32, #tpu.memory_space<vmem>>, vector<2000x16xf32>,
    return
  }
  func.func @transform_0(%arg0: i32) -> (i32, i32) {
    %c0_i32 = arith.constant 0 : i32
    %c0_i32_0 = arith.constant 0 : i32
    return %arg0, %c0_i32 : i32, i32
  }
  func.func @transform_1(%arg0: i32) -> (i32, i32) {
    %c0_i32 = arith.constant 0 : i32
    %c0_i32_0 = arith.constant 0 : i32
    %c0_i32_1 = arith.constant 0 : i32
    return %c0_i32, %c0_i32_0 : i32, i32
  }
  func.func @transform_2(%arg0: i32) -> (i32, i32) {
    %c0_i32 = arith.constant 0 : i32
    %c0_i32_0 = arith.constant 0 : i32
    %c0_i32_1 = arith.constant 0 : i32
    return %c0_i32, %c0_i32_0 : i32, i32
  }
  func.func @transform_3(%arg0: i32) -> (i32, i32) {
    %c0_i32 = arith.constant 0 : i32
    %c0_i32_0 = arith.constant 0 : i32
    %c0_i32_1 = arith.constant 0 : i32
    return %c0_i32, %c0_i32_0 : i32, i32
  }
  func.func @transform_4(%arg0: i32) -> (i32, i32) {
    %c0_i32 = arith.constant 0 : i32
    %c0_i32_0 = arith.constant 0 : i32
    %c0_i32_1 = arith.constant 0 : i32
    return %c0_i32, %c0_i32_0 : i32, i32
  }
  func.func @transform_5(%arg0: i32) -> (i32, i32) {
    %c0_i32 = arith.constant 0 : i32
    %c0_i32_0 = arith.constant 0 : i32
    return %arg0, %c0_i32 : i32, i32
  }
  func.func @transform_6(%arg0: i32) -> (i32, i32) {
    %c0_i32 = arith.constant 0 : i32
    %c0_i32_0 = arith.constant 0 : i32
    %c0_i32_1 = arith.constant 0 : i32
    return %c0_i32, %c0_i32_0 : i32, i32
  }
  func.func @transform_7(%arg0: i32) -> (i32, i32) {
    %c0_i32 = arith.constant 0 : i32
    %c0_i32_0 = arith.constant 0 : i32
    return %arg0, %c0_i32 : i32, i32
  }
  func.func @transform_8(%arg0: i32) -> (i32, i32) {
    %c0_i32 = arith.constant 0 : i32
    %c0_i32_0 = arith.constant 0 : i32
    return %arg0, %c0_i32 : i32, i32
  }
}

module attributes {stable_mosaic.version = 14 : i64} {
  func.func @body(%arg0: i32, %arg1: memref<2000x16xf32, #tpu.memory_space<vmem>>, %arg2: memref<2000x16xf32, #tpu.memory_space<vmem>>, %arg3: memref<2000x16xf32, #tpu.memory_space<vmem>>, %arg4: memref<2000x16xf32, #tpu.memory_space<vmem>>, %arg5: memref<2000x1xf32, #tpu.memory_space<vmem>>, %arg6: memref<1x32xf32, #tpu.memory_space<vmem>>, %arg7: memref<2000x32xf32, #tpu.memory_space<vmem>>, %arg8: memref<1x32xf32, #tpu.memory_space<vmem>>, %arg9: memref<1x32xf32, #tpu.memory_space<vmem>>) attributes {dimension_semantics = [#tpu.dimension_semantics<arbitrary>], iteration_bounds = array<i64: 25>, scalar_prefetch = 0 : i64, scratch_operands = 0 : i64, tpu.core_type = #tpu.core_type<tc>, window_params = [{transform_indices = @transform_0, window_bounds = array<i64: 2000, 16>}, {transform_indices = @transform_1, window_bounds = array<i64: 2000, 16>}, {transform_indices = @transform_2, window_bounds = array<i64: 2000, 16>}, {transform_indices = @transform_3, window_bounds = array<i64: 2000, 16>}, {transform_indices = @transform_4, window_bounds = array<i64: 2000, 1>}, {pipeline_mode = #tpu.pipeline_mode<synchronous>, transform_indices = @transform_5, window_bounds = array<i64: 1, 32>}, {transform_indices = @transform_6, window_bounds = array<i64: 2000, 32>}, {pipeline_mode = #tpu.pipeline_mode<synchronous>, transform_indices = @transform_7, window_bounds = array<i64: 1, 32>}, {pipeline_mode = #tpu.pipeline_mode<synchronous>, transform_indices = @transform_8, window_bounds = array<i64: 1, 32>}]} {
    %get3A = arith.constant 0 : index
    %get3A_0 = arith.constant 0 : index
    %get3A_1 = vector.load %arg1[%get3A, %get3A_0] : memref<2000x16xf32, #tpu.memory_space<vmem>>, vector<2000x16xf32>
    %get3A_2 = arith.constant 0 : index
    %get3A_3 = arith.constant 0 : index
    %get3A_4 = vector.load %arg3[%get3A_2, %get3A_3] : memref<2000x16xf32, #tpu.memory_space<vmem>>, vector<2000x16xf32>
    %add3A = arith.addf %get3A_1, %get3A_4 : vector<2000x16xf32>
    %get3A_5 = arith.constant 0 : index
    %get3A_6 = arith.constant 0 : index
    %get3A_7 = vector.load %arg2[%get3A_5, %get3A_6] : memref<2000x16xf32, #tpu.memory_space<vmem>>, vector<2000x16xf32>
    %get3A_8 = arith.constant 0 : index
    %get3A_9 = arith.constant 0 : index
    %get3A_10 = vector.load %arg4[%get3A_8, %get3A_9] : memref<2000x16xf32, #tpu.memory_space<vmem>>, vector<2000x16xf32>
    %add3A_11 = arith.addf %get3A_7, %get3A_10 : vector<2000x16xf32>
    %concatenate3A = tpu.concatenate %add3A, %add3A_11 in 1 : vector<2000x16xf32>, vector<2000x16xf32> -> vector<2000x32xf32>
    %get3A_12 = arith.constant 0 : index
    %get3A_13 = arith.constant 0 : index
    %get3A_14 = vector.load %arg5[%get3A_12, %get3A_13] : memref<2000x1xf32, #tpu.memory_space<vmem>>, vector<2000x1xf32>
    %mul3A = vector.broadcast %get3A_14 : vector<2000x1xf32> to vector<2000x32xf32>
    %mul3A_15 = arith.mulf %concatenate3A, %mul3A : vector<2000x32xf32>
    %get3A_16 = arith.constant 0 : index
    %get3A_17 = arith.constant 0 : index
    %get3A_18 = vector.load %arg6[%get3A_16, %get3A_17] : memref<1x32xf32, #tpu.memory_space<vmem>>, vector<1x32xf32>
    %add3A_19 = vector.broadcast %get3A_18 : vector<1x32xf32> to vector<2000x32xf32>
    %add3A_20 = arith.addf %mul3A_15, %add3A_19 : vector<2000x32xf32>
    %max3A = arith.constant 0.000000e+00 : f32
    %max3A_21 = vector.broadcast %max3A : f32 to vector<2000x32xf32>
    %max3A_22 = arith.maximumf %add3A_20, %max3A_21 : vector<2000x32xf32>
    %swap3A = arith.constant 0 : index
    %swap3A_23 = arith.constant 0 : index
    %swap3A_24 = vector.load %arg7[%swap3A, %swap3A_23] : memref<2000x32xf32, #tpu.memory_space<vmem>>, vector<2000x32xf32>
    tpu.vector_store %arg7[%swap3A, %swap3A_23], %max3A_22 {strides = array<i32>} : memref<2000x32xf32, #tpu.memory_space<vmem>>, vector<2000x32xf32>,
    %eq3A = arith.constant 0 : i32
    %eq3A_25 = arith.cmpi eq, %arg0, %eq3A : i32
    %convert_element_type3A = arith.extui %eq3A_25 : i1 to i32
    %cond3A = arith.constant 0 : i32
    %cond3A_26 = arith.cmpi ne, %convert_element_type3A, %cond3A : i32
    scf.if %cond3A_26 {
      %broadcast_in_dim3A_46 = arith.constant 0.000000e+00 : f32
      %broadcast_in_dim3A_47 = vector.broadcast %broadcast_in_dim3A_46 : f32 to vector<1x32xf32>
      %swap3A_48 = arith.constant 0 : index
      %swap3A_49 = arith.constant 0 : index
      %swap3A_50 = vector.load %arg8[%swap3A_48, %swap3A_49] : memref<1x32xf32, #tpu.memory_space<vmem>>, vector<1x32xf32>
      tpu.vector_store %arg8[%swap3A_48, %swap3A_49], %broadcast_in_dim3A_47 {strides = array<i32>} : memref<1x32xf32, #tpu.memory_space<vmem>>, vector<1x32xf32>,
      %broadcast_in_dim3A_51 = arith.constant 0.000000e+00 : f32
      %broadcast_in_dim3A_52 = vector.broadcast %broadcast_in_dim3A_51 : f32 to vector<1x32xf32>
      %swap3A_53 = arith.constant 0 : index
      %swap3A_54 = arith.constant 0 : index
      %swap3A_55 = vector.load %arg9[%swap3A_53, %swap3A_54] : memref<1x32xf32, #tpu.memory_space<vmem>>, vector<1x32xf32>
      tpu.vector_store %arg9[%swap3A_53, %swap3A_54], %broadcast_in_dim3A_52 {strides = array<i32>} : memref<1x32xf32, #tpu.memory_space<vmem>>, vector<1x32xf32>,
    } else {
    }
    %get3A_27 = arith.constant 0 : index
    %get3A_28 = arith.constant 0 : index
    %get3A_29 = vector.load %arg8[%get3A_27, %get3A_28] : memref<1x32xf32, #tpu.memory_space<vmem>>, vector<1x32xf32>
    %reduce_sum3A = arith.constant dense<0.000000e+00> : vector<32xf32>
    %reduce_sum3A_30 = vector.multi_reduction <add>, %max3A_22, %reduce_sum3A [0] : vector<2000x32xf32> to vector<32xf32>
    %broadcast_in_dim3A = vector.shape_cast %reduce_sum3A_30 : vector<32xf32> to vector<1x32xf32>
    %add3A_31 = arith.addf %get3A_29, %broadcast_in_dim3A : vector<1x32xf32>
    %swap3A_32 = arith.constant 0 : index
    %swap3A_33 = arith.constant 0 : index
    %swap3A_34 = vector.load %arg8[%swap3A_32, %swap3A_33] : memref<1x32xf32, #tpu.memory_space<vmem>>, vector<1x32xf32>
    tpu.vector_store %arg8[%swap3A_32, %swap3A_33], %add3A_31 {strides = array<i32>} : memref<1x32xf32, #tpu.memory_space<vmem>>, vector<1x32xf32>,
    %get3A_35 = arith.constant 0 : index
    %get3A_36 = arith.constant 0 : index
    %get3A_37 = vector.load %arg9[%get3A_35, %get3A_36] : memref<1x32xf32, #tpu.memory_space<vmem>>, vector<1x32xf32>
    %mul3A_38 = arith.mulf %max3A_22, %max3A_22 : vector<2000x32xf32>
    %reduce_sum3A_39 = arith.constant dense<0.000000e+00> : vector<32xf32>
    %reduce_sum3A_40 = vector.multi_reduction <add>, %mul3A_38, %reduce_sum3A_39 [0] : vector<2000x32xf32> to vector<32xf32>
    %broadcast_in_dim3A_41 = vector.shape_cast %reduce_sum3A_40 : vector<32xf32> to vector<1x32xf32>
    %add3A_42 = arith.addf %get3A_37, %broadcast_in_dim3A_41 : vector<1x32xf32>
    %swap3A_43 = arith.constant 0 : index
    %swap3A_44 = arith.constant 0 : index
    %swap3A_45 = vector.load %arg9[%swap3A_43, %swap3A_44] : memref<1x32xf32, #tpu.memory_space<vmem>>, vector<1x32xf32>
    tpu.vector_store %arg9[%swap3A_43, %swap3A_44], %add3A_42 {strides = array<i32>} : memref<1x32xf32, #tpu.memory_space<vmem>>, vector<1x32xf32>,
    return
  }
  func.func @transform_0(%arg0: i32) -> (i32, i32) {
    %c0_i32 = arith.constant 0 : i32
    %c0_i32_0 = arith.constant 0 : i32
    return %arg0, %c0_i32 : i32, i32
  }
  func.func @transform_1(%arg0: i32) -> (i32, i32) {
    %c0_i32 = arith.constant 0 : i32
    %c0_i32_0 = arith.constant 0 : i32
    return %arg0, %c0_i32 : i32, i32
  }
  func.func @transform_2(%arg0: i32) -> (i32, i32) {
    %c0_i32 = arith.constant 0 : i32
    %c0_i32_0 = arith.constant 0 : i32
    return %arg0, %c0_i32 : i32, i32
  }
  func.func @transform_3(%arg0: i32) -> (i32, i32) {
    %c0_i32 = arith.constant 0 : i32
    %c0_i32_0 = arith.constant 0 : i32
    return %arg0, %c0_i32 : i32, i32
  }
  func.func @transform_4(%arg0: i32) -> (i32, i32) {
    %c0_i32 = arith.constant 0 : i32
    %c0_i32_0 = arith.constant 0 : i32
    return %arg0, %c0_i32 : i32, i32
  }
  func.func @transform_5(%arg0: i32) -> (i32, i32) {
    %c0_i32 = arith.constant 0 : i32
    %c0_i32_0 = arith.constant 0 : i32
    %c0_i32_1 = arith.constant 0 : i32
    return %c0_i32, %c0_i32_0 : i32, i32
  }
  func.func @transform_6(%arg0: i32) -> (i32, i32) {
    %c0_i32 = arith.constant 0 : i32
    %c0_i32_0 = arith.constant 0 : i32
    return %arg0, %c0_i32 : i32, i32
  }
  func.func @transform_7(%arg0: i32) -> (i32, i32) {
    %c0_i32 = arith.constant 0 : i32
    %c0_i32_0 = arith.constant 0 : i32
    %c0_i32_1 = arith.constant 0 : i32
    return %c0_i32, %c0_i32_0 : i32, i32
  }
  func.func @transform_8(%arg0: i32) -> (i32, i32) {
    %c0_i32 = arith.constant 0 : i32
    %c0_i32_0 = arith.constant 0 : i32
    %c0_i32_1 = arith.constant 0 : i32
    return %c0_i32, %c0_i32_0 : i32, i32
  }
}

module attributes {stable_mosaic.version = 14 : i64} {
  func.func @body(%arg0: i32, %arg1: memref<2000x32xf32, #tpu.memory_space<vmem>>, %arg2: memref<1x32xf32, #tpu.memory_space<vmem>>, %arg3: memref<1x32xf32, #tpu.memory_space<vmem>>, %arg4: memref<1x32xf32, #tpu.memory_space<vmem>>, %arg5: memref<1x32xf32, #tpu.memory_space<vmem>>, %arg6: memref<32x5xf32, #tpu.memory_space<vmem>>, %arg7: memref<1x5xf32, #tpu.memory_space<vmem>>, %arg8: memref<2000x5xf32, #tpu.memory_space<vmem>>, %arg9: memref<2000x32xf32, #tpu.memory_space<vmem>>) attributes {dimension_semantics = [#tpu.dimension_semantics<arbitrary>], iteration_bounds = array<i64: 25>, scalar_prefetch = 0 : i64, scratch_operands = 0 : i64, tpu.core_type = #tpu.core_type<tc>, window_params = [{transform_indices = @transform_0, window_bounds = array<i64: 2000, 32>}, {pipeline_mode = #tpu.pipeline_mode<synchronous>, transform_indices = @transform_1, window_bounds = array<i64: 1, 32>}, {pipeline_mode = #tpu.pipeline_mode<synchronous>, transform_indices = @transform_2, window_bounds = array<i64: 1, 32>}, {pipeline_mode = #tpu.pipeline_mode<synchronous>, transform_indices = @transform_3, window_bounds = array<i64: 1, 32>}, {pipeline_mode = #tpu.pipeline_mode<synchronous>, transform_indices = @transform_4, window_bounds = array<i64: 1, 32>}, {pipeline_mode = #tpu.pipeline_mode<synchronous>, transform_indices = @transform_5, window_bounds = array<i64: 32, 5>}, {pipeline_mode = #tpu.pipeline_mode<synchronous>, transform_indices = @transform_6, window_bounds = array<i64: 1, 5>}, {transform_indices = @transform_7, window_bounds = array<i64: 2000, 5>}, {transform_indices = @transform_8, window_bounds = array<i64: 2000, 32>}]} {
    %get3A = arith.constant 0 : index
    %get3A_0 = arith.constant 0 : index
    %get3A_1 = vector.load %arg2[%get3A, %get3A_0] : memref<1x32xf32, #tpu.memory_space<vmem>>, vector<1x32xf32>
    %div3A = arith.constant 5.000000e+04 : f32
    %div3A_2 = vector.broadcast %div3A : f32 to vector<1x32xf32>
    %div3A_3 = arith.divf %get3A_1, %div3A_2 : vector<1x32xf32>
    %get3A_4 = arith.constant 0 : index
    %get3A_5 = arith.constant 0 : index
    %get3A_6 = vector.load %arg3[%get3A_4, %get3A_5] : memref<1x32xf32, #tpu.memory_space<vmem>>, vector<1x32xf32>
    %div3A_7 = arith.constant 5.000000e+04 : f32
    %div3A_8 = vector.broadcast %div3A_7 : f32 to vector<1x32xf32>
    %div3A_9 = arith.divf %get3A_6, %div3A_8 : vector<1x32xf32>
    %mul3A = arith.mulf %div3A_3, %div3A_3 : vector<1x32xf32>
    %sub3A = arith.subf %div3A_9, %mul3A : vector<1x32xf32>
    %get3A_10 = arith.constant 0 : index
    %get3A_11 = arith.constant 0 : index
    %get3A_12 = vector.load %arg4[%get3A_10, %get3A_11] : memref<1x32xf32, #tpu.memory_space<vmem>>, vector<1x32xf32>
    %add3A = arith.constant 9.99999974E-6 : f32
    %add3A_13 = vector.broadcast %add3A : f32 to vector<1x32xf32>
    %add3A_14 = arith.addf %sub3A, %add3A_13 : vector<1x32xf32>
    %rsqrt3A = math.rsqrt %add3A_14 : vector<1x32xf32>
    %mul3A_15 = arith.mulf %get3A_12, %rsqrt3A : vector<1x32xf32>
    %get3A_16 = arith.constant 0 : index
    %get3A_17 = arith.constant 0 : index
    %get3A_18 = vector.load %arg1[%get3A_16, %get3A_17] : memref<2000x32xf32, #tpu.memory_space<vmem>>, vector<2000x32xf32>
    %sub3A_19 = vector.broadcast %div3A_3 : vector<1x32xf32> to vector<2000x32xf32>
    %sub3A_20 = arith.subf %get3A_18, %sub3A_19 : vector<2000x32xf32>
    %mul3A_21 = vector.broadcast %mul3A_15 : vector<1x32xf32> to vector<2000x32xf32>
    %mul3A_22 = arith.mulf %sub3A_20, %mul3A_21 : vector<2000x32xf32>
    %get3A_23 = arith.constant 0 : index
    %get3A_24 = arith.constant 0 : index
    %get3A_25 = vector.load %arg5[%get3A_23, %get3A_24] : memref<1x32xf32, #tpu.memory_space<vmem>>, vector<1x32xf32>
    %add3A_26 = vector.broadcast %get3A_25 : vector<1x32xf32> to vector<2000x32xf32>
    %add3A_27 = arith.addf %mul3A_22, %add3A_26 : vector<2000x32xf32>
    %swap3A = arith.constant 0 : index
    %swap3A_28 = arith.constant 0 : index
    %swap3A_29 = vector.load %arg9[%swap3A, %swap3A_28] : memref<2000x32xf32, #tpu.memory_space<vmem>>, vector<2000x32xf32>
    tpu.vector_store %arg9[%swap3A, %swap3A_28], %add3A_27 {strides = array<i32>} : memref<2000x32xf32, #tpu.memory_space<vmem>>, vector<2000x32xf32>,
    %get3A_30 = arith.constant 0 : index
    %get3A_31 = arith.constant 0 : index
    %get3A_32 = vector.load %arg6[%get3A_30, %get3A_31] : memref<32x5xf32, #tpu.memory_space<vmem>>, vector<32x5xf32>
    %dot_general3A = arith.constant dense<0.000000e+00> : vector<2000x5xf32>
    %dot_general3A_33 = tpu.matmul %add3A_27, %get3A_32, %dot_general3A {dimension_numbers = #tpu.dot_dimension_numbers<[1], [0], [0], [1], [0, 0, 1, 1], [], []>, transpose_lhs_hint = false} : vector<2000x32xf32>, vector<32x5xf32>, vector<2000x5xf32> -> vector<2000x5xf32>
    %get3A_34 = arith.constant 0 : index
    %get3A_35 = arith.constant 0 : index
    %get3A_36 = vector.load %arg7[%get3A_34, %get3A_35] : memref<1x5xf32, #tpu.memory_space<vmem>>, vector<1x5xf32>
    %add3A_37 = vector.broadcast %get3A_36 : vector<1x5xf32> to vector<2000x5xf32>
    %add3A_38 = arith.addf %dot_general3A_33, %add3A_37 : vector<2000x5xf32>
    %swap3A_39 = arith.constant 0 : index
    %swap3A_40 = arith.constant 0 : index
    %swap3A_41 = vector.load %arg8[%swap3A_39, %swap3A_40] : memref<2000x5xf32, #tpu.memory_space<vmem>>, vector<2000x5xf32>
    tpu.vector_store %arg8[%swap3A_39, %swap3A_40], %add3A_38 {strides = array<i32>} : memref<2000x5xf32, #tpu.memory_space<vmem>>, vector<2000x5xf32>,
    return
  }
  func.func @transform_0(%arg0: i32) -> (i32, i32) {
    %c0_i32 = arith.constant 0 : i32
    %c0_i32_0 = arith.constant 0 : i32
    return %arg0, %c0_i32 : i32, i32
  }
  func.func @transform_1(%arg0: i32) -> (i32, i32) {
    %c0_i32 = arith.constant 0 : i32
    %c0_i32_0 = arith.constant 0 : i32
    %c0_i32_1 = arith.constant 0 : i32
    return %c0_i32, %c0_i32_0 : i32, i32
  }
  func.func @transform_2(%arg0: i32) -> (i32, i32) {
    %c0_i32 = arith.constant 0 : i32
    %c0_i32_0 = arith.constant 0 : i32
    %c0_i32_1 = arith.constant 0 : i32
    return %c0_i32, %c0_i32_0 : i32, i32
  }
  func.func @transform_3(%arg0: i32) -> (i32, i32) {
    %c0_i32 = arith.constant 0 : i32
    %c0_i32_0 = arith.constant 0 : i32
    %c0_i32_1 = arith.constant 0 : i32
    return %c0_i32, %c0_i32_0 : i32, i32
  }
  func.func @transform_4(%arg0: i32) -> (i32, i32) {
    %c0_i32 = arith.constant 0 : i32
    %c0_i32_0 = arith.constant 0 : i32
    %c0_i32_1 = arith.constant 0 : i32
    return %c0_i32, %c0_i32_0 : i32, i32
  }
  func.func @transform_5(%arg0: i32) -> (i32, i32) {
    %c0_i32 = arith.constant 0 : i32
    %c0_i32_0 = arith.constant 0 : i32
    %c0_i32_1 = arith.constant 0 : i32
    return %c0_i32, %c0_i32_0 : i32, i32
  }
  func.func @transform_6(%arg0: i32) -> (i32, i32) {
    %c0_i32 = arith.constant 0 : i32
    %c0_i32_0 = arith.constant 0 : i32
    %c0_i32_1 = arith.constant 0 : i32
    return %c0_i32, %c0_i32_0 : i32, i32
  }
  func.func @transform_7(%arg0: i32) -> (i32, i32) {
    %c0_i32 = arith.constant 0 : i32
    %c0_i32_0 = arith.constant 0 : i32
    return %arg0, %c0_i32 : i32, i32
  }
  func.func @transform_8(%arg0: i32) -> (i32, i32) {
    %c0_i32 = arith.constant 0 : i32
    %c0_i32_0 = arith.constant 0 : i32
    return %arg0, %c0_i32 : i32, i32
  }
}

</mosaic_0001>

<sc_bundles>
// kernel: kernel.16.cloned.1.call-start
scs
__scs_entry_jumppad:
0x0: {  	(pc) =	sbr.rel $0x88, $3  }
0x1: {  	(tag) =	ssettag $0x0;
	lr =	simm.s32 $0x1  }
0x2: {  	[smem:$0x3F8D] =	sst lr;
	_ =	strace $0xD0000000  }
0x3: {  	_ = 	snop  }
0x4: {  	_ = 	snop  }
0x5: {  	_ = 	snop  }
0x6: {  	_ = 	snop  }
0x7: {  	_ = 	snop  }
__scs_overlays_trampoline_lowered:
0x8: {  	[smem:$0x3F9C] =	sst s0  }
0x9: {  	[smem:$0x3F9D] =	sst s1  }
0xa: {  	[smem:$0x3F9E] =	sst s2  }
0xb: {  	[smem:$0x3F9F] =	sst s3  }
0xc: {  	[smem:$0x3FA0] =	sst s4  }
0xd: {  	[smem:$0x3FA1] =	sst s5  }
0xe: {  	[smem:$0x3FA2] =	sst s6  }
0xf: {  	[smem:$0x3FA3] =	sst s7  }
0x10: {  	[smem:$0x3FA4] =	sst s8  }
0x11: {  	[smem:$0x3FA5] =	sst s9;
	s0 =	simm.s32 @!p0 $0x0  }
0x12: {  	s1 =	sld [smem:$0x3F8B];
	s0 =	simm.s32 @p0 $0x1  }
0x13: {  	[smem:$0x3FA6] =	sst s0;
	s0 =	simm.s32 @!p1 $0x0  }
0x14: {  	s2 =	sld [smem:$0x3F8A];
	s0 =	simm.s32 @p1 $0x1  }
0x15: {  	[smem:$0x3FA7] =	sst s0;
	s0 =	simm.s32 @!p2 $0x0  }
0x16: {  	s3 =	sld [smem:$0x3FDB];
	s0 =	simm.s32 @p2 $0x1  }
0x17: {  	s4 =	simm.s32 $0x1BF5;
	[smem:$0x3FA9] =	sst s0  }
0x18: {  	s0 =	sld [smem:$0x3F8C];
	_ =	swait.ge [sflag:s4], $0x0  }
0x19: {  	s7 =	sld [smem:$0x3F8D]  }
0x1a: {  	s8 =	sadd.s32 $0xFFFFE003, lr  }
0x1b: {  	s9 =	sadd.s32 $0xFFFFFEF7, lr;
	s5 =	simm.s32 $0xFFFFFFFF;
	p2 =	slt.u32 s8, $0xFFFFF086  }
0x1c: {  	p1 =	slt.u32 s9, $0xF7A;
	s5 =	simm.s32 @!p2 $0x0  }
0x1d: {  	s5 =	simm.s32 @p1 $0x1;
	p0 =	seq.s32 s7, s2  }
0x1e: {  	s7 =	smul.u32 @!p0 $0xF7A, s2;
	p2 =	seq.s32 @!p0 s5, $0x0  }
0x1f: {  	s9 =	smul.u32 $0xF7A, s1;
	s8 =	simm.s32 @!p0 $0x1BF5;
	p2 =	por !p2, p0  }
0x20: {  	[sflag:s8] =	ssyncset.s32 @!p0 $0xFFFFF086;
	s6 =	sadd.s32 @!p0 s3, s7;
	s7 =	simm.s32 @!p0 $0x108  }
0x21: {  	s3 =	sadd.s32 s3, s9;
	s6 =	sadd.s32 @!p0 $0x88, s6;
	s7 =	simm.s32 @p2 $0x1082  }
0x22: {  	[simem:s7], [sflag:s8] =	dma.local @!p0 [hbm:s6], $0xF7A  }
0x23: {  	s9 =	sor.u32 $0xD0000000, s2;
	s6 =	simm.s32 $0x108;
	_ =	swait.ge @!p0 [sflag:s8], $0x0  }
0x24: {  	s3 =	sadd.s32 $0x88, s3;
	s6 =	simm.s32 @!p1 $0x1082;
	[sflag:s4] =	ssyncset.s32 $0xFFFFF086  }
0x25: {  	[simem:s6], [sflag:s4] =	dma.local [hbm:s3], $0xF7A  }
0x26: {  	[smem:$0x3F8D] =	sst s1;
	(tag) =	ssettag s2;
	_ =	strace s9  }
0x27: {  	s1 =	sld [smem:$0x3F9D]  }
0x28: {  	s2 =	sld [smem:$0x3F9E]  }
0x29: {  	s4 =	sld [smem:$0x3FA0]  }
0x2a: {  	p0 =	seq.s32 s5, $0x0;
	s5 =	sld [smem:$0x3FA1]  }
0x2b: {  	s6 =	sld [smem:$0x3FA2]  }
0x2c: {  	s7 =	sld [smem:$0x3FA3]  }
0x2d: {  	s3 =	simm.s32 $0x108;
	s8 =	sld [smem:$0x3FA4]  }
0x2e: {  	s3 =	simm.s32 @!p0 $0x1082;
	s9 =	sld [smem:$0x3FA5]  }
0x2f: {  	lr =	sadd.s32 s0, s3;
	s0 =	sld [smem:$0x3F9C]  }
0x30: {  	s3 =	sld [smem:$0x3F9F]  }
0x31: {  	[smem:$0x3FA8] =	sst s10  }
0x32: {  	s10 =	sld [smem:$0x3FA6];
	_ =	sdelay $0x3  }
0x33: {  	p0 =	seq.s32 s10, $0x1;
	s10 =	sld [smem:$0x3FA8];
	_ =	sdelay $0x3  }
0x34: {  	[smem:$0x3FA8] =	sst s10  }
0x35: {  	s10 =	sld [smem:$0x3FA7];
	_ =	sdelay $0x3  }
0x36: {  	p1 =	seq.s32 s10, $0x1;
	s10 =	sld [smem:$0x3FA8];
	_ =	sdelay $0x3  }
0x37: {  	[smem:$0x3FA8] =	sst s10  }
0x38: {  	s10 =	sld [smem:$0x3FA9]  }
0x39: {  	_ = 	snop;
	(pc) =	sbr.ind lr, $3  }
0x3a: {  	_ = 	snop  }
0x3b: {  	_ = 	snop  }
0x3c: {  	p2 =	seq.s32 s10, $0x1;
	s10 =	sld [smem:$0x3FA8]  }
0x3d: {  	_ =	shalt  }
0x3e: {  	_ =	shalt  }
0x3f: {  	_ =	shalt  }
0x40: {  	_ =	shalt  }
0x41: {  	_ =	shalt  }
0x42: {  	_ =	shalt  }
0x43: {  	_ =	shalt  }
0x44: {  	_ =	shalt  }
0x45: {  	_ =	shalt  }
0x46: {  	_ =	shalt  }
0x47: {  	_ =	shalt  }
0x48: {  	_ =	shalt  }
0x49: {  	_ =	shalt  }
0x4a: {  	_ =	shalt  }
0x4b: {  	_ =	shalt  }
0x4c: {  	_ =	shalt  }
0x4d: {  	_ =	shalt  }
0x4e: {  	_ =	shalt  }
0x4f: {  	_ =	shalt  }
0x50: {  	_ =	shalt  }
0x51: {  	_ =	shalt  }
0x52: {  	_ =	shalt  }
0x53: {  	_ =	shalt  }
0x54: {  	_ =	shalt  }
0x55: {  	_ =	shalt  }
0x56: {  	_ =	shalt  }
0x57: {  	_ =	shalt  }
0x58: {  	_ =	shalt  }
0x59: {  	_ =	shalt  }
0x5a: {  	_ =	shalt  }
0x5b: {  	_ =	shalt  }
0x5c: {  	_ =	shalt  }
0x5d: {  	_ =	shalt  }
0x5e: {  	_ =	shalt  }
0x5f: {  	_ =	shalt  }
0x60: {  	_ =	shalt  }
0x61: {  	_ =	shalt  }
0x62: {  	_ =	shalt  }
0x63: {  	_ =	shalt  }
0x64: {  	_ =	shalt  }
0x65: {  	_ =	shalt  }
0x66: {  	_ =	shalt  }
0x67: {  	_ =	shalt  }
0x68: {  	_ =	shalt  }
0x69: {  	_ =	shalt  }
0x6a: {  	_ =	shalt  }
0x6b: {  	_ =	shalt  }
0x6c: {  	_ =	shalt  }
0x6d: {  	_ =	shalt  }
0x6e: {  	_ =	shalt  }
0x6f: {  	_ =	shalt  }
0x70: {  	_ =	shalt  }
0x71: {  	_ =	shalt  }
0x72: {  	_ =	shalt  }
0x73: {  	_ =	shalt  }
0x74: {  	_ =	shalt  }
0x75: {  	_ =	shalt  }
0x76: {  	_ =	shalt  }
0x77: {  	_ =	shalt  }
0x78: {  	_ =	shalt  }
0x79: {  	_ =	shalt  }
0x7a: {  	_ =	shalt  }
0x7b: {  	_ =	shalt  }
0x7c: {  	_ =	shalt  }
0x7d: {  	_ =	shalt  }
0x7e: {  	_ =	shalt  }
0x7f: {  	_ =	shalt  }
0x80: {  	_ =	shalt  }
0x81: {  	_ =	shalt  }
0x82: {  	_ =	shalt  }
0x83: {  	_ =	shalt  }
0x84: {  	_ =	shalt  }
0x85: {  	_ =	shalt  }
0x86: {  	_ =	shalt  }
0x87: {  	_ =	shalt  }
.Lfunc_end0:
.L_simem_size_0:
called_computation_lowered:
.L_overlay_start_0:
0x88: {  	s2 =	sld [smem:$0x3FD9]  }
0x89: {  	s3 =	sld [smem:$0x3FFE];
	_ =	sdelay $0x1  }
0x8a: {  	s1 =	srdreg.scid  }
0x8b: {  	s0 =	sand.u32 $0x1, s1  }
0x8c: {  	s14 =	sshll.u32 s0, $0xA;
	s2 =	sadd.s32 s3, s2  }
0x8d: {  	s2 =	sadd.s32 s2, s14  }
0x8e: {  	[smem:$0x3FB4] =	sst s2  }
0x8f: {  	_ = 	snop  }
0x90: {  	s2 =	sld [smem:$0x3FD0];
	_ =	sdelay $0x2  }
0x91: {  	s15 =	simm.s32 $0xA;
	s4 =	simm.s32 $0x10  }
0x92: {  	[smem:s4], [sflag:s15] =	dma.local [hbm:s2], $0x1  }
0x93: {  	_ =	swait.eq [sflag:s15], $0x1  }
0x94: {  	[sflag:s15] =	ssyncset.done $0x0  }
0x95: {  	s16 =	sld [smem:$0x10];
	[sflag:s15] =	ssyncadd.s32 $0xFFFFFFFF  }
0x96: {  	s17 =	sld [smem:$0x11];
	(tm) =	ssettm $0x1  }
0x97: {  	s18 =	sld [smem:$0x3FFB];
	_ =	sdelay $0x3  }
0x98: {  	_ =	strace s18  }
0x99: {  	s4 =	sld [smem:$0x3FFC];
	_ =	sdelay $0x3  }
0x9a: {  	_ =	strace s4  }
0x9b: {  	s4 =	sld [smem:$0x3FFD];
	_ =	sdelay $0x3  }
0x9c: {  	_ =	strace s4  }
0x9d: {  	_ =	strace $0x8FFFFFFF  }
0x9e: {  	s19 =	sld [smem:$0x3FDB];
	_ =	sdelay $0x1  }
0x9f: {  	s5 =	simm.s32 $_scs_section_size  }
0xa0: {  	s6 =	simm.s32 $_size__tile_overlayer_lowered;
	s7 =	simm.s32 $_tile_overlayer_lowered  }
0xa1: {  	s22 =	simm.s32 $0x1BFF;
	s21 =	sshll.u32 s7, $0x1;
	s4 =	sadd.s32 s5, s19  }
0xa2: {  	s8 =	simm.s32 $0x0;
	s20 =	sshll.u32 s6, $0x1;
	s6 =	sadd.s32 s21, s4  }
0xa3: {  	[timem:s8], [sflag:s22] =	dma.local [hbm:s6], s20  }
0xa4: {  	_ =	swait.ge [sflag:s22], s20  }
0xa5: {  	s5 =	ssub.s32 $0x0, s20;
	[sflag:s22] =	ssyncset.done $0x0  }
0xa6: {  	[sflag:s22] =	ssyncadd.s32 s5;
	_ =	sdelay $0x1  }
0xa7: {  	s23 =	simm.s32 $0x1B8B  }
0xa8: {  	_ =	swait.ge [sflag:s23], $0x1  }
0xa9: {  	[sflag:s23] =	ssyncset.done $0x0  }
0xaa: {  	s25 =	simm.s32 $0x1B8E;
	s24 =	sld [smem:$0x3FFE];
	[sflag:s23] =	ssyncadd.s32 $0xFFFFFFFF  }
0xab: {  	s26 =	simm.s32 $execute0_lowered;
	[smem:$0x3FD2] =	sst s25  }
0xac: {  	s6 =	sshll.u32 s26, $0x1;
	_ =	strace $0x80000046;
	[dreg:$0x1] =	wrdreg $0xFFFFFFFF  }
0xad: {  	s28 =	simm.s32 $_size_execute0_lowered;
	s4 =	sadd.s32 s4, s6;
	[dreg:$0x0] =	wrdreg $0x0  }
0xae: {  	s6 =	sshll.u32 s28, $0x1;
	[dreg:$0x2] =	wrdreg s4  }
0xaf: {  	[dreg:$0x3] =	wrdreg s6  }
0xb0: {  	[dreg:$0x4] =	wrdreg $0xC0  }
0xb1: {  	_ =	task [dreg:s8], $0x5FFFF  }
0xb2: {  	[dreg:$0x1] =	wrdreg $0xFFFFFFFF  }
0xb3: {  	[dreg:$0x0] =	wrdreg $0x60  }
0xb4: {  	[dreg:$0x2] =	wrdreg s24  }
0xb5: {  	[dreg:$0x3] =	wrdreg s17  }
0xb6: {  	[dreg:$0x4] =	wrdreg s16  }
0xb7: {  	[dreg:$0x5] =	wrdreg $0x5000  }
0xb8: {  	[dreg:$0x6] =	wrdreg $0x9  }
0xb9: {  	_ =	task.clear_ibuf [dreg:s8], $0x7FFFF;
	_ =	strace $0x90000046  }
0xba: {  	s29 =	simm.s32 $0x9;
	_ =	strace $0x80000048  }
0xbb: {  	_ =	swait.ge [sflag:s29], $0x1  }
0xbc: {  	[sflag:s29] =	ssyncadd.s32 $0xFFFFFFFF  }
0xbd: {  	_ =	strace $0x90000048  }
0xbe: {  	_ =	sfence  }
0xbf: {  	s30 =	sld [smem:$0x0];
	_ =	sdelay $0x2  }
0xc0: {  	s31 =	sshll.u32 s1, $0xD;
	s1 =	sshrl.u32 s1, $0x2  }
0xc1: {  	s3 =	sand.u32 $0x4000, s31;
	s1 =	sadd.s32 s1, s30  }
0xc2: {  	s0 =	sor.u32 s3, s0;
	s1 =	sshll.u32 s1, $0x11  }
0xc3: {  	s0 =	sor.u32 s1, s0  }
0xc4: {  	s0 =	sadd.s32 $0x8F2B, s0  }
0xc5: {  	[sflag:s0] =	ssyncadd.remote.s32 $0x1  }
0xc6: {  	_ =	sfence.sel $0xFFFF  }
0xc7: {  	[dreg:$0x0] =	wrdreg $0xFFFFFFFF;
	(pc) =	sbr.abs _section_cstart, $3  }
0xc8: {  	[dreg:$0x1] =	wrdreg $0xFFFFFFFF  }
0xc9: {  	_ =	task.clear_ibuf [dreg:s8], $0x2FFFF;
	_ =	strace $0x9FFFFFFF  }
0xca: {  	(tm) =	ssettm $0x7FFFFFFF  }
0xcb: {  	_ =	shalt  }
tec
execute0_lowered:
.L_overlay_start_1:
0x0: {  	(tag) =	ssettag $0x1  }
0x1: {  	s1 =	srdreg.scid  }
0x2: {  	s1 =	sand.u32 $0x1, s1  }
0x3: {  	s7 =	rddreg [dreg:$0x0];
	p0 =	seq.s32 s1, $0x1  }
.Ltmp0:
0x4: {  	s8 =	rddreg [dreg:$0x1];
	(pc) =	sbr.rel @p0 .LBB2_4-.Ltmp0, $4  }
0x5: {  	s12 =	rddreg [dreg:$0x2]  }
0x6: {  	s2 =	rddreg [dreg:$0x3];
	s3 =	simm.s32 $0x0  }
0x7: {  	[smem:$0x7FF] =	sst s3  }
0x8: {  	s0 =	rddreg [dreg:$0x4];
	_ =	strace $0x80000047;
	s1 =	stileid.u32  }
0x9: {  	s5 =	sadd.s32 $0x37400, s7  }
0xa: {  	s4 =	simm.s32 $0x400;
	s14 =	smul.u32 $0xC80, s1;
	s9 =	simm.s32 $0x3  }
0xb: {  	[tilespmem:s4], [sflag:$0x3] =	stream.linear.gather [hbm4b:s5+s3], $0x100, $0x38;
	[tilespmem:$0x1180] =	vst v63  }
0xc: {  	_ =	swait.ge [sflag:s9], $0x100  }
0xd: {  	s29 =	sshll.u32 s1, $0x6;
	s6 =	sadd.s32 s14, s2;
	[sflag:s9] =	ssyncset.done $0x0  }
0xe: {  	s5 =	sor.u32 $0x1C03, s29;
	s6 =	sshrl.u32 s6, $0x3;
	[sflag:s9] =	ssyncadd.s32 $0xFFFFFF00  }
0xf: {  	[spmem:s6], [sflag:s5] =	dma.local [hbm:s8], $0x190  }
0x10: {  	s30 =	smul.u32 $0x3100, s1;
	_ =	swait.ge [sflag:s9], $0x190  }
0x11: {  	s31 =	sadd.s32 $0x6400, s7;
	[sflag:s9] =	ssyncset.done $0x0  }
0x12: {  	[sflag:s9] =	ssyncadd.s32 $0xFFFFFE70;
	s9 =	sadd.s32 s30, s31  }
0x13: {  	s7 =	simm.s32 $0x1;
	[bflag:$0x0] =	sbarrier.arrive $0xFFFF;
	s8 =	sadd.s32 $0x0, s9  }
0x14: {  	[tilespmem:s3], [sflag:$0x1] =	stream.linear.gather [hbm4b:s8+s3], $0x400, $0x38;
	[tilespmem:$0x1180] =	vst v63  }
0x15: {  	_ =	swait.ge [sflag:s7], $0x400  }
0x16: {  	[sflag:s7] =	ssyncset.done $0x0  }
0x17: {  	s10 =	simm.s32 $0x100;
	s11 =	simm.s32 $0x200;
	[sflag:s7] =	ssyncadd.s32 $0xFFFFFC00  }
0x18: {  	[spmem:s2] =	stream.indirect.scatter.add.f32 [tilespmem:s4], [sflag:$0x2], $0x1, s11, s10, $0xb8;
	[tilespmem:$0x1180] =	vst v63  }
0x19: {  	s13 =	simm.s32 $0x300;
	s8 =	simm.s32 $0x2  }
0x1a: {  	[spmem:s2] =	stream.indirect.scatter.add.f32 [tilespmem:s4], [sflag:$0x2], $0x1, s13, s10, $0xb8;
	[tilespmem:$0x1180] =	vst v63  }
0x1b: {  	_ =	swait.ge [sflag:s8], $0x100  }
0x1c: {  	[sflag:s8] =	ssyncset.done $0x0  }
0x1d: {  	[sflag:s8] =	ssyncadd.s32 $0xFFFFFF00  }
0x1e: {  	s15 =	simm.s32 $0x100;
	s14 =	sshrl.u32 s14, $0x3;
	_ =	swait.ge [sflag:s8], $0x100  }
0x1f: {  	s12 =	sadd.s32 s12, s14;
	s14 =	simm.s32 $0x80;
	[sflag:s8] =	ssyncset.done $0x0  }
.LBB2_2:
0x20: {  	s16 =	sadd.s32 s14, s9  }
0x21: {  	[sflag:s8] =	ssyncadd.s32 $0xFFFFFF00;
	s14 =	smov.u32 s15;
	s17 =	sadd.s32 $0x80, s15  }
0x22: {  	[tilespmem:s3], [sflag:$0x1] =	stream.linear.gather [hbm4b:s16+s3], $0x400, $0x38;
	[tilespmem:$0x1180] =	vst v63  }
0x23: {  	p0 =	sne.s32 s15, $0x3080;
	_ =	swait.ge [sflag:s7], $0x400  }
0x24: {  	[sflag:s7] =	ssyncset.done $0x0  }
0x25: {  	[sflag:s7] =	ssyncadd.s32 $0xFFFFFC00  }
0x26: {  	[spmem:s2] =	stream.indirect.scatter.add.f32 [tilespmem:s4], [sflag:$0x2], $0x1, s11, s10, $0xb8;
	[tilespmem:$0x1180] =	vst v63  }
0x27: {  	_ = 	snop  }
0x28: {  	[spmem:s2] =	stream.indirect.scatter.add.f32 [tilespmem:s4], [sflag:$0x2], $0x1, s13, s10, $0xb8;
	[tilespmem:$0x1180] =	vst v63  }
.Ltmp1:
0x29: {  	_ =	swait.ge [sflag:s8], $0x100;
	(pc) =	sbr.rel @p0 .LBB2_2-.Ltmp1, $4  }
0x2a: {  	[sflag:s8] =	ssyncset.done $0x0  }
0x2b: {  	[sflag:s8] =	ssyncadd.s32 $0xFFFFFF00  }
0x2c: {  	_ =	swait.ge [sflag:s8], $0x100  }
0x2d: {  	s15 =	smov.u32 s17;
	[sflag:s8] =	ssyncset.done $0x0  }
0x2e: {  	s9 =	sadd.s32 s14, s9;
	[sflag:s8] =	ssyncadd.s32 $0xFFFFFF00  }
0x2f: {  	[tilespmem:s3], [sflag:$0x1] =	stream.linear.gather [hbm4b:s9+s3], $0x400, $0x38;
	[tilespmem:$0x1180] =	vst v63  }
0x30: {  	_ =	swait.ge [sflag:s7], $0x400  }
0x31: {  	[sflag:s7] =	ssyncset.done $0x0  }
0x32: {  	[sflag:s7] =	ssyncadd.s32 $0xFFFFFC00  }
0x33: {  	[spmem:s2] =	stream.indirect.scatter.add.f32 [tilespmem:s4], [sflag:$0x2], $0x1, s11, s10, $0xb8;
	[tilespmem:$0x1180] =	vst v63  }
0x34: {  	_ = 	snop  }
0x35: {  	[spmem:s2] =	stream.indirect.scatter.add.f32 [tilespmem:s4], [sflag:$0x2], $0x1, s13, s10, $0xb8;
	[tilespmem:$0x1180] =	vst v63  }
0x36: {  	_ =	swait.ge [sflag:s8], $0x100  }
0x37: {  	[sflag:s8] =	ssyncset.done $0x0  }
0x38: {  	[sflag:s8] =	ssyncadd.s32 $0xFFFFFF00  }
0x39: {  	_ =	swait.ge [sflag:s8], $0x100  }
0x3a: {  	[sflag:s8] =	ssyncset.done $0x0  }
0x3b: {  	[sflag:s8] =	ssyncadd.s32 $0xFFFFFF00  }
0x3c: {  	s31 =	simm.s32 $0x3;
	[bflag:$0x0] =	sbarrier.arrive $0xFFFF  }
0x3d: {  	[hbm:s12], [sflag:s5] =	dma.local [spmem:s6], $0x190  }
0x3e: {  	_ =	swait.ge [sflag:s31], $0x190  }
0x3f: {  	[sflag:s31] =	ssyncset.done $0x0  }
0x40: {  	[sflag:s31] =	ssyncadd.s32 $0xFFFFFE70  }
.LBB2_4:
0x41: {  	_ =	sfence.sel $0x180000  }
0x42: {  	[bflag:$0x0] =	sbarrier.arrive $0xFFFF  }
0x43: {  	p0 =	sne.s32 s1, $0x0;
	_ =	strace $0x90000047  }
0x44: {  	s0 =	sadd.s32 @!p0 $0x100000, s0;
	[bflag:$0x2] =	sbarrier.arrive $0xFFFF  }
0x45: {  	[sflag:s0] =	ssyncadd.tile.s32 @!p0 $0x1;
	_ =	shalt  }
.Lfunc_end2:
_tile_overlayer_lowered:
.L_overlay_start_2:
0x46: {  	(tag) =	ssettag $0x2  }
0x47: {  	s0 =	rddreg [dreg:$0x0];
	s2 =	stileid.u32  }
0x48: {  	s1 =	rddreg [dreg:$0x1];
	p0 =	sne.s32 s2, $0x0  }
0x49: {  	s3 =	rddreg [dreg:$0x2];
	[bflag:$0x3] =	sbarrier.arrive $0xFFFF;
	s2 =	simm.s32 @!p0 $0x1C03  }
0x4a: {  	[timem:s3], [sflag:s2] =	dma.local @!p0 [hbm:s0], s1  }
0x4b: {  	s0 =	simm.s32 @!p0 $0x3  }
0x4c: {  	_ =	swait.ge @!p0 [sflag:s0], s1  }
0x4d: {  	s1 =	ssub.s32 @!p0 $0x0, s1;
	[sflag:s0] =	ssyncset.done @!p0 $0x0  }
0x4e: {  	[sflag:s0] =	ssyncadd.s32 @!p0 s1  }
0x4f: {  	[bflag:$0x3] =	sbarrier.arrive $0xFFFF  }
0x50: {  	_ =	shalt  }

// kernel: kernel.19.cloned.1.call-start
scs
__scs_entry_jumppad:
0x0: {  	(pc) =	sbr.rel $0x88, $3  }
0x1: {  	(tag) =	ssettag $0x0;
	lr =	simm.s32 $0x1  }
0x2: {  	[smem:$0x3F8D] =	sst lr;
	_ =	strace $0xD0000000  }
0x3: {  	_ = 	snop  }
0x4: {  	_ = 	snop  }
0x5: {  	_ = 	snop  }
0x6: {  	_ = 	snop  }
0x7: {  	_ = 	snop  }
__scs_overlays_trampoline_lowered:
0x8: {  	[smem:$0x3F9C] =	sst s0  }
0x9: {  	[smem:$0x3F9D] =	sst s1  }
0xa: {  	[smem:$0x3F9E] =	sst s2  }
0xb: {  	[smem:$0x3F9F] =	sst s3  }
0xc: {  	[smem:$0x3FA0] =	sst s4  }
0xd: {  	[smem:$0x3FA1] =	sst s5  }
0xe: {  	[smem:$0x3FA2] =	sst s6  }
0xf: {  	[smem:$0x3FA3] =	sst s7  }
0x10: {  	[smem:$0x3FA4] =	sst s8  }
0x11: {  	[smem:$0x3FA5] =	sst s9;
	s0 =	simm.s32 @!p0 $0x0  }
0x12: {  	s1 =	sld [smem:$0x3F8B];
	s0 =	simm.s32 @p0 $0x1  }
0x13: {  	[smem:$0x3FA6] =	sst s0;
	s0 =	simm.s32 @!p1 $0x0  }
0x14: {  	s2 =	sld [smem:$0x3F8A];
	s0 =	simm.s32 @p1 $0x1  }
0x15: {  	[smem:$0x3FA7] =	sst s0;
	s0 =	simm.s32 @!p2 $0x0  }
0x16: {  	s3 =	sld [smem:$0x3FDB];
	s0 =	simm.s32 @p2 $0x1  }
0x17: {  	s4 =	simm.s32 $0x1BF5;
	[smem:$0x3FA9] =	sst s0  }
0x18: {  	s0 =	sld [smem:$0x3F8C];
	_ =	swait.ge [sflag:s4], $0x0  }
0x19: {  	s7 =	sld [smem:$0x3F8D]  }
0x1a: {  	s8 =	sadd.s32 $0xFFFFE003, lr  }
0x1b: {  	s9 =	sadd.s32 $0xFFFFFEF7, lr;
	s5 =	simm.s32 $0xFFFFFFFF;
	p2 =	slt.u32 s8, $0xFFFFF086  }
0x1c: {  	p1 =	slt.u32 s9, $0xF7A;
	s5 =	simm.s32 @!p2 $0x0  }
0x1d: {  	s5 =	simm.s32 @p1 $0x1;
	p0 =	seq.s32 s7, s2  }
0x1e: {  	s7 =	smul.u32 @!p0 $0xF7A, s2;
	p2 =	seq.s32 @!p0 s5, $0x0  }
0x1f: {  	s9 =	smul.u32 $0xF7A, s1;
	s8 =	simm.s32 @!p0 $0x1BF5;
	p2 =	por !p2, p0  }
0x20: {  	[sflag:s8] =	ssyncset.s32 @!p0 $0xFFFFF086;
	s6 =	sadd.s32 @!p0 s3, s7;
	s7 =	simm.s32 @!p0 $0x108  }
0x21: {  	s3 =	sadd.s32 s3, s9;
	s6 =	sadd.s32 @!p0 $0x88, s6;
	s7 =	simm.s32 @p2 $0x1082  }
0x22: {  	[simem:s7], [sflag:s8] =	dma.local @!p0 [hbm:s6], $0xF7A  }
0x23: {  	s9 =	sor.u32 $0xD0000000, s2;
	s6 =	simm.s32 $0x108;
	_ =	swait.ge @!p0 [sflag:s8], $0x0  }
0x24: {  	s3 =	sadd.s32 $0x88, s3;
	s6 =	simm.s32 @!p1 $0x1082;
	[sflag:s4] =	ssyncset.s32 $0xFFFFF086  }
0x25: {  	[simem:s6], [sflag:s4] =	dma.local [hbm:s3], $0xF7A  }
0x26: {  	[smem:$0x3F8D] =	sst s1;
	(tag) =	ssettag s2;
	_ =	strace s9  }
0x27: {  	s1 =	sld [smem:$0x3F9D]  }
0x28: {  	s2 =	sld [smem:$0x3F9E]  }
0x29: {  	s4 =	sld [smem:$0x3FA0]  }
0x2a: {  	p0 =	seq.s32 s5, $0x0;
	s5 =	sld [smem:$0x3FA1]  }
0x2b: {  	s6 =	sld [smem:$0x3FA2]  }
0x2c: {  	s7 =	sld [smem:$0x3FA3]  }
0x2d: {  	s3 =	simm.s32 $0x108;
	s8 =	sld [smem:$0x3FA4]  }
0x2e: {  	s3 =	simm.s32 @!p0 $0x1082;
	s9 =	sld [smem:$0x3FA5]  }
0x2f: {  	lr =	sadd.s32 s0, s3;
	s0 =	sld [smem:$0x3F9C]  }
0x30: {  	s3 =	sld [smem:$0x3F9F]  }
0x31: {  	[smem:$0x3FA8] =	sst s10  }
0x32: {  	s10 =	sld [smem:$0x3FA6];
	_ =	sdelay $0x3  }
0x33: {  	p0 =	seq.s32 s10, $0x1;
	s10 =	sld [smem:$0x3FA8];
	_ =	sdelay $0x3  }
0x34: {  	[smem:$0x3FA8] =	sst s10  }
0x35: {  	s10 =	sld [smem:$0x3FA7];
	_ =	sdelay $0x3  }
0x36: {  	p1 =	seq.s32 s10, $0x1;
	s10 =	sld [smem:$0x3FA8];
	_ =	sdelay $0x3  }
0x37: {  	[smem:$0x3FA8] =	sst s10  }
0x38: {  	s10 =	sld [smem:$0x3FA9]  }
0x39: {  	_ = 	snop;
	(pc) =	sbr.ind lr, $3  }
0x3a: {  	_ = 	snop  }
0x3b: {  	_ = 	snop  }
0x3c: {  	p2 =	seq.s32 s10, $0x1;
	s10 =	sld [smem:$0x3FA8]  }
0x3d: {  	_ =	shalt  }
0x3e: {  	_ =	shalt  }
0x3f: {  	_ =	shalt  }
0x40: {  	_ =	shalt  }
0x41: {  	_ =	shalt  }
0x42: {  	_ =	shalt  }
0x43: {  	_ =	shalt  }
0x44: {  	_ =	shalt  }
0x45: {  	_ =	shalt  }
0x46: {  	_ =	shalt  }
0x47: {  	_ =	shalt  }
0x48: {  	_ =	shalt  }
0x49: {  	_ =	shalt  }
0x4a: {  	_ =	shalt  }
0x4b: {  	_ =	shalt  }
0x4c: {  	_ =	shalt  }
0x4d: {  	_ =	shalt  }
0x4e: {  	_ =	shalt  }
0x4f: {  	_ =	shalt  }
0x50: {  	_ =	shalt  }
0x51: {  	_ =	shalt  }
0x52: {  	_ =	shalt  }
0x53: {  	_ =	shalt  }
0x54: {  	_ =	shalt  }
0x55: {  	_ =	shalt  }
0x56: {  	_ =	shalt  }
0x57: {  	_ =	shalt  }
0x58: {  	_ =	shalt  }
0x59: {  	_ =	shalt  }
0x5a: {  	_ =	shalt  }
0x5b: {  	_ =	shalt  }
0x5c: {  	_ =	shalt  }
0x5d: {  	_ =	shalt  }
0x5e: {  	_ =	shalt  }
0x5f: {  	_ =	shalt  }
0x60: {  	_ =	shalt  }
0x61: {  	_ =	shalt  }
0x62: {  	_ =	shalt  }
0x63: {  	_ =	shalt  }
0x64: {  	_ =	shalt  }
0x65: {  	_ =	shalt  }
0x66: {  	_ =	shalt  }
0x67: {  	_ =	shalt  }
0x68: {  	_ =	shalt  }
0x69: {  	_ =	shalt  }
0x6a: {  	_ =	shalt  }
0x6b: {  	_ =	shalt  }
0x6c: {  	_ =	shalt  }
0x6d: {  	_ =	shalt  }
0x6e: {  	_ =	shalt  }
0x6f: {  	_ =	shalt  }
0x70: {  	_ =	shalt  }
0x71: {  	_ =	shalt  }
0x72: {  	_ =	shalt  }
0x73: {  	_ =	shalt  }
0x74: {  	_ =	shalt  }
0x75: {  	_ =	shalt  }
0x76: {  	_ =	shalt  }
0x77: {  	_ =	shalt  }
0x78: {  	_ =	shalt  }
0x79: {  	_ =	shalt  }
0x7a: {  	_ =	shalt  }
0x7b: {  	_ =	shalt  }
0x7c: {  	_ =	shalt  }
0x7d: {  	_ =	shalt  }
0x7e: {  	_ =	shalt  }
0x7f: {  	_ =	shalt  }
0x80: {  	_ =	shalt  }
0x81: {  	_ =	shalt  }
0x82: {  	_ =	shalt  }
0x83: {  	_ =	shalt  }
0x84: {  	_ =	shalt  }
0x85: {  	_ =	shalt  }
0x86: {  	_ =	shalt  }
0x87: {  	_ =	shalt  }
.Lfunc_end0:
.L_simem_size_0:
called_computation.1_lowered:
.L_overlay_start_0:
0x88: {  	s2 =	sld [smem:$0x3FD9]  }
0x89: {  	s3 =	sld [smem:$0x3FFE];
	_ =	sdelay $0x1  }
0x8a: {  	s1 =	srdreg.scid  }
0x8b: {  	s0 =	sand.u32 $0x1, s1  }
0x8c: {  	s14 =	sshll.u32 s0, $0xA;
	s2 =	sadd.s32 s3, s2  }
0x8d: {  	s2 =	sadd.s32 s2, s14  }
0x8e: {  	[smem:$0x3FB4] =	sst s2  }
0x8f: {  	_ = 	snop  }
0x90: {  	s2 =	sld [smem:$0x3FD0];
	_ =	sdelay $0x2  }
0x91: {  	s15 =	simm.s32 $0xA;
	s4 =	simm.s32 $0x10  }
0x92: {  	[smem:s4], [sflag:s15] =	dma.local [hbm:s2], $0x1  }
0x93: {  	_ =	swait.eq [sflag:s15], $0x1  }
0x94: {  	[sflag:s15] =	ssyncset.done $0x0  }
0x95: {  	s16 =	sld [smem:$0x10];
	[sflag:s15] =	ssyncadd.s32 $0xFFFFFFFF  }
0x96: {  	s17 =	sld [smem:$0x11];
	(tm) =	ssettm $0x1  }
0x97: {  	s18 =	sld [smem:$0x3FFB];
	_ =	sdelay $0x3  }
0x98: {  	_ =	strace s18  }
0x99: {  	s4 =	sld [smem:$0x3FFC];
	_ =	sdelay $0x3  }
0x9a: {  	_ =	strace s4  }
0x9b: {  	s4 =	sld [smem:$0x3FFD];
	_ =	sdelay $0x3  }
0x9c: {  	_ =	strace s4  }
0x9d: {  	_ =	strace $0x8FFFFFFF  }
0x9e: {  	s19 =	sld [smem:$0x3FDB];
	_ =	sdelay $0x1  }
0x9f: {  	s5 =	simm.s32 $_scs_section_size  }
0xa0: {  	s6 =	simm.s32 $_size__tile_overlayer_lowered;
	s7 =	simm.s32 $_tile_overlayer_lowered  }
0xa1: {  	s22 =	simm.s32 $0x1BFF;
	s21 =	sshll.u32 s7, $0x1;
	s4 =	sadd.s32 s5, s19  }
0xa2: {  	s8 =	simm.s32 $0x0;
	s20 =	sshll.u32 s6, $0x1;
	s6 =	sadd.s32 s21, s4  }
0xa3: {  	[timem:s8], [sflag:s22] =	dma.local [hbm:s6], s20  }
0xa4: {  	_ =	swait.ge [sflag:s22], s20  }
0xa5: {  	s5 =	ssub.s32 $0x0, s20;
	[sflag:s22] =	ssyncset.done $0x0  }
0xa6: {  	[sflag:s22] =	ssyncadd.s32 s5;
	_ =	sdelay $0x1  }
0xa7: {  	s23 =	simm.s32 $0x1B8B  }
0xa8: {  	_ =	swait.ge [sflag:s23], $0x1  }
0xa9: {  	[sflag:s23] =	ssyncset.done $0x0  }
0xaa: {  	s25 =	simm.s32 $0x1B8E;
	s24 =	sld [smem:$0x3FFE];
	[sflag:s23] =	ssyncadd.s32 $0xFFFFFFFF  }
0xab: {  	s26 =	simm.s32 $execute0_lowered;
	[smem:$0x3FD2] =	sst s25  }
0xac: {  	s6 =	sshll.u32 s26, $0x1;
	_ =	strace $0x80000049;
	[dreg:$0x1] =	wrdreg $0xFFFFFFFF  }
0xad: {  	s28 =	simm.s32 $_size_execute0_lowered;
	s4 =	sadd.s32 s4, s6;
	[dreg:$0x0] =	wrdreg $0x0  }
0xae: {  	s6 =	sshll.u32 s28, $0x1;
	[dreg:$0x2] =	wrdreg s4  }
0xaf: {  	[dreg:$0x3] =	wrdreg s6  }
0xb0: {  	[dreg:$0x4] =	wrdreg $0xC0  }
0xb1: {  	_ =	task [dreg:s8], $0x5FFFF  }
0xb2: {  	[dreg:$0x1] =	wrdreg $0xFFFFFFFF  }
0xb3: {  	[dreg:$0x0] =	wrdreg $0x60  }
0xb4: {  	[dreg:$0x2] =	wrdreg s17  }
0xb5: {  	[dreg:$0x3] =	wrdreg s24  }
0xb6: {  	[dreg:$0x4] =	wrdreg s16  }
0xb7: {  	[dreg:$0x5] =	wrdreg $0x44000  }
0xb8: {  	[dreg:$0x6] =	wrdreg $0x9  }
0xb9: {  	_ =	task.clear_ibuf [dreg:s8], $0x7FFFF;
	_ =	strace $0x90000049  }
0xba: {  	s29 =	simm.s32 $0x9;
	_ =	strace $0x8000004B  }
0xbb: {  	_ =	swait.ge [sflag:s29], $0x1  }
0xbc: {  	[sflag:s29] =	ssyncadd.s32 $0xFFFFFFFF  }
0xbd: {  	_ =	strace $0x9000004B  }
0xbe: {  	_ =	sfence  }
0xbf: {  	s30 =	sld [smem:$0x0];
	_ =	sdelay $0x2  }
0xc0: {  	s31 =	sshll.u32 s1, $0xD;
	s1 =	sshrl.u32 s1, $0x2  }
0xc1: {  	s3 =	sand.u32 $0x4000, s31;
	s1 =	sadd.s32 s1, s30  }
0xc2: {  	s0 =	sor.u32 s3, s0;
	s1 =	sshll.u32 s1, $0x11  }
0xc3: {  	s0 =	sor.u32 s1, s0  }
0xc4: {  	s0 =	sadd.s32 $0x8F2B, s0  }
0xc5: {  	[sflag:s0] =	ssyncadd.remote.s32 $0x1  }
0xc6: {  	_ =	sfence.sel $0xFFFF  }
0xc7: {  	[dreg:$0x0] =	wrdreg $0xFFFFFFFF;
	(pc) =	sbr.abs _section_cstart, $3  }
0xc8: {  	[dreg:$0x1] =	wrdreg $0xFFFFFFFF  }
0xc9: {  	_ =	task.clear_ibuf [dreg:s8], $0x2FFFF;
	_ =	strace $0x9FFFFFFF  }
0xca: {  	(tm) =	ssettm $0x7FFFFFFF  }
0xcb: {  	_ =	shalt  }
tec
execute0_lowered:
.L_overlay_start_1:
0x0: {  	(tag) =	ssettag $0x1  }
0x1: {  	s1 =	rddreg [dreg:$0x0]  }
0x2: {  	s8 =	rddreg [dreg:$0x1]  }
0x3: {  	s2 =	rddreg [dreg:$0x2]  }
0x4: {  	s4 =	rddreg [dreg:$0x3]  }
0x5: {  	s0 =	rddreg [dreg:$0x4];
	s5 =	simm.s32 $0x0;
	s3 =	stileid.u32  }
0x6: {  	s6 =	srdreg.scid;
	s15 =	simm.s32 $0x1;
	s16 =	simm.s32 $0x100  }
0x7: {  	s17 =	simm.s32 $0x400;
	s18 =	simm.s32 $0x2400;
	s19 =	simm.s32 $0x2  }
0x8: {  	s20 =	simm.s32 $0x200;
	s21 =	simm.s32 $0x3;
	s22 =	simm.s32 $0x300  }
0x9: {  	s23 =	simm.s32 $0x4;
	s24 =	simm.s32 $0x0;
	[smem:$0x7FF] =	sst s5  }
0xa: {  	s7 =	smul.u32 $0x3100, s3;
	s10 =	sand.u32 $0x1, s6;
	s6 =	sadd.s32 $0x37400, s8  }
0xb: {  	s13 =	smul.u32 $0x19000, s3;
	s31 =	sshll.u32 s3, $0x6;
	_ =	strace $0x8000004A  }
.Ltmp0:
0xc: {  	s9 =	ssub.s32 $0x2, s10;
	p0 =	seq.s32 s10, $0x1;
	(pc) =	sbr.rel .LBB2_1-.Ltmp0, $4  }
0xd: {  	s12 =	sadd.s32 s7, s8;
	s7 =	sadd.s32 $0x9A200, s8;
	s11 =	sshrl.u32 s9, $0x1  }
0xe: {  	s8 =	sadd.s32 $0x68200, s8;
	s14 =	sadd.s32 s13, s4;
	s10 =	sshrl.u32 s13, $0x3  }
0xf: {  	s11 =	ssub.s32 s9, s11;
	s9 =	sor.u32 $0x1C05, s31;
	s12 =	sadd.s32 $0x6400, s12  }
0x10: {  	s13 =	sshrl.u32 s14, $0x3;
	s14 =	simm.s32 $0x5;
	s11 =	smax.u32 s11, $0x1  }
.LBB2_7:
0x11: {  	s25 =	sadd.s32 s25, s12;
	[sflag:s23] =	ssyncadd.s32 $0xFFFFE000  }
0x12: {  	[tilespmem:s5], [sflag:$0x1] =	stream.linear.gather [hbm4b:s25+s5], $0x400, $0x38;
	[tilespmem:$0x1D400] =	vst v63  }
0x13: {  	_ =	swait.ge [sflag:s15], $0x400  }
0x14: {  	[sflag:s15] =	ssyncset.done $0x0  }
0x15: {  	[sflag:s15] =	ssyncadd.s32 $0xFFFFFC00  }
0x16: {  	[tilespmem:s17], [sflag:$0x2] =	stream.indirect.gather [hbm4b:s6+s16], $0x20, s5, s16, $0xb8;
	[tilespmem:$0x1D400] =	vst v63  }
0x17: {  	_ = 	snop  }
0x18: {  	[tilespmem:s18], [sflag:$0x3] =	stream.indirect.gather [hbm4b:s6+s16], $0x20, s16, s16, $0xb8;
	[tilespmem:$0x1D400] =	vst v63  }
0x19: {  	_ =	swait.ge [sflag:s19], $0x2000  }
0x1a: {  	[sflag:s19] =	ssyncset.done $0x0  }
0x1b: {  	[sflag:s19] =	ssyncadd.s32 $0xFFFFE000  }
0x1c: {  	[spmem:s4] =	stream.indirect.scatter.add.f32 [tilespmem:s17], [sflag:$0x4], $0x20, s20, s16, $0xb8;
	[tilespmem:$0x1D400] =	vst v63  }
0x1d: {  	_ =	swait.ge [sflag:s21], $0x2000  }
0x1e: {  	[sflag:s21] =	ssyncset.done $0x0  }
0x1f: {  	[sflag:s21] =	ssyncadd.s32 $0xFFFFE000  }
0x20: {  	[spmem:s4] =	stream.indirect.scatter.add.f32 [tilespmem:s18], [sflag:$0x4], $0x20, s22, s16, $0xb8;
	[tilespmem:$0x1D400] =	vst v63  }
0x21: {  	_ =	swait.ge [sflag:s23], $0x2000  }
0x22: {  	[sflag:s23] =	ssyncset.done $0x0  }
0x23: {  	[sflag:s23] =	ssyncadd.s32 $0xFFFFE000  }
0x24: {  	_ =	swait.ge [sflag:s23], $0x2000  }
0x25: {  	[sflag:s23] =	ssyncset.done $0x0  }
0x26: {  	s25 =	smov.u32 s8;
	[sflag:s23] =	ssyncadd.s32 $0xFFFFE000  }
.LBB2_8:
0x27: {  	s24 =	sadd.s32 $0x1, s24  }
0x28: {  	p1 =	sne.s32 s24, s11  }
.Ltmp1:
0x29: {  	s25 =	sadd.s32 s25, s10;
	[bflag:$0x0] =	sbarrier.arrive $0xFFFF;
	(pc) =	sbr.rel @!p1 .LBB2_9-.Ltmp1, $4  }
0x2a: {  	[hbm:s25], [sflag:s9] =	dma.local [spmem:s13], $0x3200  }
0x2b: {  	_ =	swait.ge [sflag:s14], $0x3200  }
0x2c: {  	[sflag:s14] =	ssyncset.done $0x0  }
0x2d: {  	[sflag:s14] =	ssyncadd.s32 $0xFFFFCE00  }
.LBB2_1:
0x2e: {  	[spmem:s13], [sflag:s9] =	dma.local [hbm:s2], $0x3200  }
.Ltmp2:
0x2f: {  	_ =	swait.ge [sflag:s14], $0x3200;
	(pc) =	sbr.rel @!p0 .LBB2_2-.Ltmp2, $4  }
0x30: {  	[sflag:s14] =	ssyncset.done $0x0  }
0x31: {  	[sflag:s14] =	ssyncadd.s32 $0xFFFFCE00  }
0x32: {  	[bflag:$0x0] =	sbarrier.arrive $0xFFFF  }
0x33: {  	s25 =	sadd.s32 $0x0, s12  }
0x34: {  	[tilespmem:s5], [sflag:$0x1] =	stream.linear.gather [hbm4b:s25+s5], $0x400, $0x38;
	[tilespmem:$0x1D400] =	vst v63  }
0x35: {  	_ =	swait.ge [sflag:s15], $0x400  }
0x36: {  	[sflag:s15] =	ssyncset.done $0x0  }
0x37: {  	[sflag:s15] =	ssyncadd.s32 $0xFFFFFC00  }
0x38: {  	[tilespmem:s17], [sflag:$0x2] =	stream.indirect.gather [hbm4b:s6+s16], $0x20, s5, s16, $0xb8;
	[tilespmem:$0x1D400] =	vst v63  }
0x39: {  	_ = 	snop  }
0x3a: {  	[tilespmem:s18], [sflag:$0x3] =	stream.indirect.gather [hbm4b:s6+s16], $0x20, s16, s16, $0xb8;
	[tilespmem:$0x1D400] =	vst v63  }
0x3b: {  	_ =	swait.ge [sflag:s19], $0x2000  }
0x3c: {  	[sflag:s19] =	ssyncset.done $0x0  }
0x3d: {  	[sflag:s19] =	ssyncadd.s32 $0xFFFFE000  }
0x3e: {  	[spmem:s4] =	stream.indirect.scatter.add.f32 [tilespmem:s17], [sflag:$0x4], $0x20, s20, s16, $0xb8;
	[tilespmem:$0x1D400] =	vst v63  }
0x3f: {  	_ =	swait.ge [sflag:s21], $0x2000  }
0x40: {  	[sflag:s21] =	ssyncset.done $0x0  }
0x41: {  	[sflag:s21] =	ssyncadd.s32 $0xFFFFE000  }
0x42: {  	[spmem:s4] =	stream.indirect.scatter.add.f32 [tilespmem:s18], [sflag:$0x4], $0x20, s22, s16, $0xb8;
	[tilespmem:$0x1D400] =	vst v63  }
0x43: {  	_ =	swait.ge [sflag:s23], $0x2000  }
0x44: {  	[sflag:s23] =	ssyncset.done $0x0  }
0x45: {  	[sflag:s23] =	ssyncadd.s32 $0xFFFFE000  }
0x46: {  	_ =	swait.ge [sflag:s23], $0x2000  }
0x47: {  	s25 =	simm.s32 $0x80;
	s26 =	simm.s32 $0x100;
	[sflag:s23] =	ssyncset.done $0x0  }
.LBB2_6:
0x48: {  	s28 =	sadd.s32 s25, s12  }
0x49: {  	[sflag:s23] =	ssyncadd.s32 $0xFFFFE000;
	s25 =	smov.u32 s26;
	s29 =	sadd.s32 $0x80, s26  }
0x4a: {  	[tilespmem:s5], [sflag:$0x1] =	stream.linear.gather [hbm4b:s28+s5], $0x400, $0x38;
	[tilespmem:$0x1D400] =	vst v63  }
0x4b: {  	p1 =	sne.s32 s26, $0x3080;
	_ =	swait.ge [sflag:s15], $0x400  }
0x4c: {  	[sflag:s15] =	ssyncset.done $0x0  }
0x4d: {  	[sflag:s15] =	ssyncadd.s32 $0xFFFFFC00  }
0x4e: {  	[tilespmem:s17], [sflag:$0x2] =	stream.indirect.gather [hbm4b:s6+s16], $0x20, s5, s16, $0xb8;
	[tilespmem:$0x1D400] =	vst v63  }
0x4f: {  	_ = 	snop  }
0x50: {  	[tilespmem:s18], [sflag:$0x3] =	stream.indirect.gather [hbm4b:s6+s16], $0x20, s16, s16, $0xb8;
	[tilespmem:$0x1D400] =	vst v63  }
0x51: {  	_ =	swait.ge [sflag:s19], $0x2000  }
0x52: {  	[sflag:s19] =	ssyncset.done $0x0  }
0x53: {  	[sflag:s19] =	ssyncadd.s32 $0xFFFFE000  }
0x54: {  	[spmem:s4] =	stream.indirect.scatter.add.f32 [tilespmem:s17], [sflag:$0x4], $0x20, s20, s16, $0xb8;
	[tilespmem:$0x1D400] =	vst v63  }
0x55: {  	_ =	swait.ge [sflag:s21], $0x2000  }
0x56: {  	[sflag:s21] =	ssyncset.done $0x0  }
0x57: {  	[sflag:s21] =	ssyncadd.s32 $0xFFFFE000  }
0x58: {  	[spmem:s4] =	stream.indirect.scatter.add.f32 [tilespmem:s18], [sflag:$0x4], $0x20, s22, s16, $0xb8;
	[tilespmem:$0x1D400] =	vst v63  }
.Ltmp3:
0x59: {  	_ =	swait.ge [sflag:s23], $0x2000;
	(pc) =	sbr.rel @p1 .LBB2_6-.Ltmp3, $4  }
0x5a: {  	[sflag:s23] =	ssyncset.done $0x0  }
0x5b: {  	[sflag:s23] =	ssyncadd.s32 $0xFFFFE000  }
0x5c: {  	_ =	swait.ge [sflag:s23], $0x2000  }
0x5d: {  	s26 =	smov.u32 s29;
	[sflag:s23] =	ssyncset.done $0x0  }
.Ltmp4:
0x5e: {  	_ = 	snop;
	(pc) =	sbr.rel .LBB2_7-.Ltmp4, $1  }
0x5f: {  	_ =	sdelay $0x3  }
.LBB2_2:
0x60: {  	[tilespmem:s5], [sflag:$0x1] =	stream.linear.gather [hbm4b:s25+s5], $0x400, $0x38;
	[tilespmem:$0x1D400] =	vst v63  }
0x61: {  	_ =	swait.ge [sflag:s15], $0x400  }
0x62: {  	[sflag:s15] =	ssyncset.done $0x0  }
0x63: {  	[sflag:s15] =	ssyncadd.s32 $0xFFFFFC00  }
0x64: {  	[tilespmem:s17], [sflag:$0x2] =	stream.indirect.gather [hbm4b:s1+s16], $0x20, s5, s16, $0xb8;
	[tilespmem:$0x1D400] =	vst v63  }
0x65: {  	_ = 	snop  }
0x66: {  	[tilespmem:s18], [sflag:$0x3] =	stream.indirect.gather [hbm4b:s1+s16], $0x20, s16, s16, $0xb8;
	[tilespmem:$0x1D400] =	vst v63  }
0x67: {  	_ =	swait.ge [sflag:s19], $0x2000  }
0x68: {  	[sflag:s19] =	ssyncset.done $0x0  }
0x69: {  	[sflag:s19] =	ssyncadd.s32 $0xFFFFE000  }
0x6a: {  	[spmem:s4] =	stream.indirect.scatter.add.f32 [tilespmem:s17], [sflag:$0x4], $0x20, s20, s16, $0xb8;
	[tilespmem:$0x1D400] =	vst v63  }
0x6b: {  	_ =	swait.ge [sflag:s21], $0x2000  }
0x6c: {  	[sflag:s21] =	ssyncset.done $0x0  }
0x6d: {  	[sflag:s21] =	ssyncadd.s32 $0xFFFFE000  }
0x6e: {  	[spmem:s4] =	stream.indirect.scatter.add.f32 [tilespmem:s18], [sflag:$0x4], $0x20, s22, s16, $0xb8;
	[tilespmem:$0x1D400] =	vst v63  }
0x6f: {  	_ =	swait.ge [sflag:s23], $0x2000  }
0x70: {  	[sflag:s23] =	ssyncset.done $0x0  }
0x71: {  	[sflag:s23] =	ssyncadd.s32 $0xFFFFE000  }
0x72: {  	_ =	swait.ge [sflag:s23], $0x2000  }
0x73: {  	s25 =	simm.s32 $0x80;
	s26 =	simm.s32 $0x100;
	[sflag:s23] =	ssyncset.done $0x0  }
.LBB2_3:
0x74: {  	s28 =	sadd.s32 s25, s12  }
0x75: {  	[sflag:s23] =	ssyncadd.s32 $0xFFFFE000;
	s25 =	smov.u32 s26;
	s29 =	sadd.s32 $0x80, s26  }
0x76: {  	[tilespmem:s5], [sflag:$0x1] =	stream.linear.gather [hbm4b:s28+s5], $0x400, $0x38;
	[tilespmem:$0x1D400] =	vst v63  }
0x77: {  	p1 =	seq.s32 s26, $0x3080;
	_ =	swait.ge [sflag:s15], $0x400  }
0x78: {  	[sflag:s15] =	ssyncset.done $0x0  }
0x79: {  	[sflag:s15] =	ssyncadd.s32 $0xFFFFFC00  }
0x7a: {  	[tilespmem:s17], [sflag:$0x2] =	stream.indirect.gather [hbm4b:s1+s16], $0x20, s5, s16, $0xb8;
	[tilespmem:$0x1D400] =	vst v63  }
0x7b: {  	_ = 	snop  }
0x7c: {  	[tilespmem:s18], [sflag:$0x3] =	stream.indirect.gather [hbm4b:s1+s16], $0x20, s16, s16, $0xb8;
	[tilespmem:$0x1D400] =	vst v63  }
0x7d: {  	_ =	swait.ge [sflag:s19], $0x2000  }
0x7e: {  	[sflag:s19] =	ssyncset.done $0x0  }
0x7f: {  	[sflag:s19] =	ssyncadd.s32 $0xFFFFE000  }
0x80: {  	[spmem:s4] =	stream.indirect.scatter.add.f32 [tilespmem:s17], [sflag:$0x4], $0x20, s20, s16, $0xb8;
	[tilespmem:$0x1D400] =	vst v63  }
0x81: {  	_ =	swait.ge [sflag:s21], $0x2000  }
0x82: {  	[sflag:s21] =	ssyncset.done $0x0  }
0x83: {  	[sflag:s21] =	ssyncadd.s32 $0xFFFFE000  }
0x84: {  	[spmem:s4] =	stream.indirect.scatter.add.f32 [tilespmem:s18], [sflag:$0x4], $0x20, s22, s16, $0xb8;
	[tilespmem:$0x1D400] =	vst v63  }
.Ltmp5:
0x85: {  	_ =	swait.ge [sflag:s23], $0x2000;
	(pc) =	sbr.rel @!p1 .LBB2_3-.Ltmp5, $4  }
0x86: {  	[sflag:s23] =	ssyncset.done $0x0  }
0x87: {  	[sflag:s23] =	ssyncadd.s32 $0xFFFFE000  }
0x88: {  	_ =	swait.ge [sflag:s23], $0x2000  }
0x89: {  	s26 =	smov.u32 s29;
	[sflag:s23] =	ssyncset.done $0x0  }
0x8a: {  	s25 =	sadd.s32 s25, s12;
	[sflag:s23] =	ssyncadd.s32 $0xFFFFE000  }
0x8b: {  	[tilespmem:s5], [sflag:$0x1] =	stream.linear.gather [hbm4b:s25+s5], $0x400, $0x38;
	[tilespmem:$0x1D400] =	vst v63  }
0x8c: {  	_ =	swait.ge [sflag:s15], $0x400  }
0x8d: {  	[sflag:s15] =	ssyncset.done $0x0  }
0x8e: {  	[sflag:s15] =	ssyncadd.s32 $0xFFFFFC00  }
0x8f: {  	[tilespmem:s17], [sflag:$0x2] =	stream.indirect.gather [hbm4b:s1+s16], $0x20, s5, s16, $0xb8;
	[tilespmem:$0x1D400] =	vst v63  }
0x90: {  	_ = 	snop  }
0x91: {  	[tilespmem:s18], [sflag:$0x3] =	stream.indirect.gather [hbm4b:s1+s16], $0x20, s16, s16, $0xb8;
	[tilespmem:$0x1D400] =	vst v63  }
0x92: {  	_ =	swait.ge [sflag:s19], $0x2000  }
0x93: {  	[sflag:s19] =	ssyncset.done $0x0  }
0x94: {  	[sflag:s19] =	ssyncadd.s32 $0xFFFFE000  }
0x95: {  	[spmem:s4] =	stream.indirect.scatter.add.f32 [tilespmem:s17], [sflag:$0x4], $0x20, s20, s16, $0xb8;
	[tilespmem:$0x1D400] =	vst v63  }
0x96: {  	_ =	swait.ge [sflag:s21], $0x2000  }
0x97: {  	[sflag:s21] =	ssyncset.done $0x0  }
0x98: {  	[sflag:s21] =	ssyncadd.s32 $0xFFFFE000  }
0x99: {  	[spmem:s4] =	stream.indirect.scatter.add.f32 [tilespmem:s18], [sflag:$0x4], $0x20, s22, s16, $0xb8;
	[tilespmem:$0x1D400] =	vst v63  }
0x9a: {  	_ =	swait.ge [sflag:s23], $0x2000  }
.Ltmp6:
0x9b: {  	[sflag:s23] =	ssyncset.done $0x0;
	(pc) =	sbr.rel .LBB2_8-.Ltmp6, $4  }
0x9c: {  	[sflag:s23] =	ssyncadd.s32 $0xFFFFE000  }
0x9d: {  	_ =	swait.ge [sflag:s23], $0x2000  }
0x9e: {  	[sflag:s23] =	ssyncset.done $0x0  }
0x9f: {  	s25 =	smov.u32 s7;
	[sflag:s23] =	ssyncadd.s32 $0xFFFFE000  }
.LBB2_9:
0xa0: {  	_ =	sfence.sel $0x180000  }
0xa1: {  	[bflag:$0x0] =	sbarrier.arrive $0xFFFF  }
0xa2: {  	p0 =	sne.s32 s3, $0x0;
	_ =	strace $0x9000004A  }
0xa3: {  	s0 =	sadd.s32 @!p0 $0x100000, s0;
	[bflag:$0x2] =	sbarrier.arrive $0xFFFF  }
0xa4: {  	[sflag:s0] =	ssyncadd.tile.s32 @!p0 $0x1;
	_ =	shalt  }
.Lfunc_end2:
_tile_overlayer_lowered:
.L_overlay_start_2:
0xa5: {  	(tag) =	ssettag $0x2  }
0xa6: {  	s0 =	rddreg [dreg:$0x0];
	s2 =	stileid.u32  }
0xa7: {  	s1 =	rddreg [dreg:$0x1];
	p0 =	sne.s32 s2, $0x0  }
0xa8: {  	s3 =	rddreg [dreg:$0x2];
	[bflag:$0x3] =	sbarrier.arrive $0xFFFF;
	s2 =	simm.s32 @!p0 $0x1C05  }
0xa9: {  	[timem:s3], [sflag:s2] =	dma.local @!p0 [hbm:s0], s1  }
0xaa: {  	s0 =	simm.s32 @!p0 $0x5  }
0xab: {  	_ =	swait.ge @!p0 [sflag:s0], s1  }
0xac: {  	s1 =	ssub.s32 @!p0 $0x0, s1;
	[sflag:s0] =	ssyncset.done @!p0 $0x0  }
0xad: {  	[sflag:s0] =	ssyncadd.s32 @!p0 s1  }
0xae: {  	[bflag:$0x3] =	sbarrier.arrive $0xFFFF  }
0xaf: {  	_ =	shalt  }

// kernel: kernel.22.cloned.1.call-start
scs
__scs_entry_jumppad:
0x0: {  	(pc) =	sbr.rel $0x88, $3  }
0x1: {  	(tag) =	ssettag $0x0;
	lr =	simm.s32 $0x1  }
0x2: {  	[smem:$0x3F8D] =	sst lr;
	_ =	strace $0xD0000000  }
0x3: {  	_ = 	snop  }
0x4: {  	_ = 	snop  }
0x5: {  	_ = 	snop  }
0x6: {  	_ = 	snop  }
0x7: {  	_ = 	snop  }
__scs_overlays_trampoline_lowered:
0x8: {  	[smem:$0x3F9C] =	sst s0  }
0x9: {  	[smem:$0x3F9D] =	sst s1  }
0xa: {  	[smem:$0x3F9E] =	sst s2  }
0xb: {  	[smem:$0x3F9F] =	sst s3  }
0xc: {  	[smem:$0x3FA0] =	sst s4  }
0xd: {  	[smem:$0x3FA1] =	sst s5  }
0xe: {  	[smem:$0x3FA2] =	sst s6  }
0xf: {  	[smem:$0x3FA3] =	sst s7  }
0x10: {  	[smem:$0x3FA4] =	sst s8  }
0x11: {  	[smem:$0x3FA5] =	sst s9;
	s0 =	simm.s32 @!p0 $0x0  }
0x12: {  	s1 =	sld [smem:$0x3F8B];
	s0 =	simm.s32 @p0 $0x1  }
0x13: {  	[smem:$0x3FA6] =	sst s0;
	s0 =	simm.s32 @!p1 $0x0  }
0x14: {  	s2 =	sld [smem:$0x3F8A];
	s0 =	simm.s32 @p1 $0x1  }
0x15: {  	[smem:$0x3FA7] =	sst s0;
	s0 =	simm.s32 @!p2 $0x0  }
0x16: {  	s3 =	sld [smem:$0x3FDB];
	s0 =	simm.s32 @p2 $0x1  }
0x17: {  	s4 =	simm.s32 $0x1BF5;
	[smem:$0x3FA9] =	sst s0  }
0x18: {  	s0 =	sld [smem:$0x3F8C];
	_ =	swait.ge [sflag:s4], $0x0  }
0x19: {  	s7 =	sld [smem:$0x3F8D]  }
0x1a: {  	s8 =	sadd.s32 $0xFFFFE003, lr  }
0x1b: {  	s9 =	sadd.s32 $0xFFFFFEF7, lr;
	s5 =	simm.s32 $0xFFFFFFFF;
	p2 =	slt.u32 s8, $0xFFFFF086  }
0x1c: {  	p1 =	slt.u32 s9, $0xF7A;
	s5 =	simm.s32 @!p2 $0x0  }
0x1d: {  	s5 =	simm.s32 @p1 $0x1;
	p0 =	seq.s32 s7, s2  }
0x1e: {  	s7 =	smul.u32 @!p0 $0xF7A, s2;
	p2 =	seq.s32 @!p0 s5, $0x0  }
0x1f: {  	s9 =	smul.u32 $0xF7A, s1;
	s8 =	simm.s32 @!p0 $0x1BF5;
	p2 =	por !p2, p0  }
0x20: {  	[sflag:s8] =	ssyncset.s32 @!p0 $0xFFFFF086;
	s6 =	sadd.s32 @!p0 s3, s7;
	s7 =	simm.s32 @!p0 $0x108  }
0x21: {  	s3 =	sadd.s32 s3, s9;
	s6 =	sadd.s32 @!p0 $0x88, s6;
	s7 =	simm.s32 @p2 $0x1082  }
0x22: {  	[simem:s7], [sflag:s8] =	dma.local @!p0 [hbm:s6], $0xF7A  }
0x23: {  	s9 =	sor.u32 $0xD0000000, s2;
	s6 =	simm.s32 $0x108;
	_ =	swait.ge @!p0 [sflag:s8], $0x0  }
0x24: {  	s3 =	sadd.s32 $0x88, s3;
	s6 =	simm.s32 @!p1 $0x1082;
	[sflag:s4] =	ssyncset.s32 $0xFFFFF086  }
0x25: {  	[simem:s6], [sflag:s4] =	dma.local [hbm:s3], $0xF7A  }
0x26: {  	[smem:$0x3F8D] =	sst s1;
	(tag) =	ssettag s2;
	_ =	strace s9  }
0x27: {  	s1 =	sld [smem:$0x3F9D]  }
0x28: {  	s2 =	sld [smem:$0x3F9E]  }
0x29: {  	s4 =	sld [smem:$0x3FA0]  }
0x2a: {  	p0 =	seq.s32 s5, $0x0;
	s5 =	sld [smem:$0x3FA1]  }
0x2b: {  	s6 =	sld [smem:$0x3FA2]  }
0x2c: {  	s7 =	sld [smem:$0x3FA3]  }
0x2d: {  	s3 =	simm.s32 $0x108;
	s8 =	sld [smem:$0x3FA4]  }
0x2e: {  	s3 =	simm.s32 @!p0 $0x1082;
	s9 =	sld [smem:$0x3FA5]  }
0x2f: {  	lr =	sadd.s32 s0, s3;
	s0 =	sld [smem:$0x3F9C]  }
0x30: {  	s3 =	sld [smem:$0x3F9F]  }
0x31: {  	[smem:$0x3FA8] =	sst s10  }
0x32: {  	s10 =	sld [smem:$0x3FA6];
	_ =	sdelay $0x3  }
0x33: {  	p0 =	seq.s32 s10, $0x1;
	s10 =	sld [smem:$0x3FA8];
	_ =	sdelay $0x3  }
0x34: {  	[smem:$0x3FA8] =	sst s10  }
0x35: {  	s10 =	sld [smem:$0x3FA7];
	_ =	sdelay $0x3  }
0x36: {  	p1 =	seq.s32 s10, $0x1;
	s10 =	sld [smem:$0x3FA8];
	_ =	sdelay $0x3  }
0x37: {  	[smem:$0x3FA8] =	sst s10  }
0x38: {  	s10 =	sld [smem:$0x3FA9]  }
0x39: {  	_ = 	snop;
	(pc) =	sbr.ind lr, $3  }
0x3a: {  	_ = 	snop  }
0x3b: {  	_ = 	snop  }
0x3c: {  	p2 =	seq.s32 s10, $0x1;
	s10 =	sld [smem:$0x3FA8]  }
0x3d: {  	_ =	shalt  }
0x3e: {  	_ =	shalt  }
0x3f: {  	_ =	shalt  }
0x40: {  	_ =	shalt  }
0x41: {  	_ =	shalt  }
0x42: {  	_ =	shalt  }
0x43: {  	_ =	shalt  }
0x44: {  	_ =	shalt  }
0x45: {  	_ =	shalt  }
0x46: {  	_ =	shalt  }
0x47: {  	_ =	shalt  }
0x48: {  	_ =	shalt  }
0x49: {  	_ =	shalt  }
0x4a: {  	_ =	shalt  }
0x4b: {  	_ =	shalt  }
0x4c: {  	_ =	shalt  }
0x4d: {  	_ =	shalt  }
0x4e: {  	_ =	shalt  }
0x4f: {  	_ =	shalt  }
0x50: {  	_ =	shalt  }
0x51: {  	_ =	shalt  }
0x52: {  	_ =	shalt  }
0x53: {  	_ =	shalt  }
0x54: {  	_ =	shalt  }
0x55: {  	_ =	shalt  }
0x56: {  	_ =	shalt  }
0x57: {  	_ =	shalt  }
0x58: {  	_ =	shalt  }
0x59: {  	_ =	shalt  }
0x5a: {  	_ =	shalt  }
0x5b: {  	_ =	shalt  }
0x5c: {  	_ =	shalt  }
0x5d: {  	_ =	shalt  }
0x5e: {  	_ =	shalt  }
0x5f: {  	_ =	shalt  }
0x60: {  	_ =	shalt  }
0x61: {  	_ =	shalt  }
0x62: {  	_ =	shalt  }
0x63: {  	_ =	shalt  }
0x64: {  	_ =	shalt  }
0x65: {  	_ =	shalt  }
0x66: {  	_ =	shalt  }
0x67: {  	_ =	shalt  }
0x68: {  	_ =	shalt  }
0x69: {  	_ =	shalt  }
0x6a: {  	_ =	shalt  }
0x6b: {  	_ =	shalt  }
0x6c: {  	_ =	shalt  }
0x6d: {  	_ =	shalt  }
0x6e: {  	_ =	shalt  }
0x6f: {  	_ =	shalt  }
0x70: {  	_ =	shalt  }
0x71: {  	_ =	shalt  }
0x72: {  	_ =	shalt  }
0x73: {  	_ =	shalt  }
0x74: {  	_ =	shalt  }
0x75: {  	_ =	shalt  }
0x76: {  	_ =	shalt  }
0x77: {  	_ =	shalt  }
0x78: {  	_ =	shalt  }
0x79: {  	_ =	shalt  }
0x7a: {  	_ =	shalt  }
0x7b: {  	_ =	shalt  }
0x7c: {  	_ =	shalt  }
0x7d: {  	_ =	shalt  }
0x7e: {  	_ =	shalt  }
0x7f: {  	_ =	shalt  }
0x80: {  	_ =	shalt  }
0x81: {  	_ =	shalt  }
0x82: {  	_ =	shalt  }
0x83: {  	_ =	shalt  }
0x84: {  	_ =	shalt  }
0x85: {  	_ =	shalt  }
0x86: {  	_ =	shalt  }
0x87: {  	_ =	shalt  }
.Lfunc_end0:
.L_simem_size_0:
called_computation.2_lowered:
.L_overlay_start_0:
0x88: {  	s2 =	sld [smem:$0x3FD9]  }
0x89: {  	s3 =	sld [smem:$0x3FFE];
	_ =	sdelay $0x1  }
0x8a: {  	s1 =	srdreg.scid  }
0x8b: {  	s0 =	sand.u32 $0x1, s1  }
0x8c: {  	s14 =	sshll.u32 s0, $0xA;
	s2 =	sadd.s32 s3, s2  }
0x8d: {  	s2 =	sadd.s32 s2, s14  }
0x8e: {  	[smem:$0x3FB4] =	sst s2  }
0x8f: {  	_ = 	snop  }
0x90: {  	s2 =	sld [smem:$0x3FD0];
	_ =	sdelay $0x2  }
0x91: {  	s15 =	simm.s32 $0xA;
	s4 =	simm.s32 $0x10  }
0x92: {  	[smem:s4], [sflag:s15] =	dma.local [hbm:s2], $0x1  }
0x93: {  	_ =	swait.eq [sflag:s15], $0x1  }
0x94: {  	[sflag:s15] =	ssyncset.done $0x0  }
0x95: {  	s16 =	sld [smem:$0x10];
	[sflag:s15] =	ssyncadd.s32 $0xFFFFFFFF  }
0x96: {  	s17 =	sld [smem:$0x11];
	(tm) =	ssettm $0x1  }
0x97: {  	s18 =	sld [smem:$0x3FFB];
	_ =	sdelay $0x3  }
0x98: {  	_ =	strace s18  }
0x99: {  	s4 =	sld [smem:$0x3FFC];
	_ =	sdelay $0x3  }
0x9a: {  	_ =	strace s4  }
0x9b: {  	s4 =	sld [smem:$0x3FFD];
	_ =	sdelay $0x3  }
0x9c: {  	_ =	strace s4  }
0x9d: {  	_ =	strace $0x8FFFFFFF  }
0x9e: {  	s19 =	sld [smem:$0x3FDB];
	_ =	sdelay $0x1  }
0x9f: {  	s5 =	simm.s32 $_scs_section_size  }
0xa0: {  	s6 =	simm.s32 $_size__tile_overlayer_lowered;
	s7 =	simm.s32 $_tile_overlayer_lowered  }
0xa1: {  	s22 =	simm.s32 $0x1BFF;
	s21 =	sshll.u32 s7, $0x1;
	s4 =	sadd.s32 s5, s19  }
0xa2: {  	s8 =	simm.s32 $0x0;
	s20 =	sshll.u32 s6, $0x1;
	s6 =	sadd.s32 s21, s4  }
0xa3: {  	[timem:s8], [sflag:s22] =	dma.local [hbm:s6], s20  }
0xa4: {  	_ =	swait.ge [sflag:s22], s20  }
0xa5: {  	s5 =	ssub.s32 $0x0, s20;
	[sflag:s22] =	ssyncset.done $0x0  }
0xa6: {  	[sflag:s22] =	ssyncadd.s32 s5;
	_ =	sdelay $0x1  }
0xa7: {  	s23 =	simm.s32 $0x1B8B  }
0xa8: {  	_ =	swait.ge [sflag:s23], $0x1  }
0xa9: {  	[sflag:s23] =	ssyncset.done $0x0  }
0xaa: {  	s25 =	simm.s32 $0x1B8E;
	s24 =	sld [smem:$0x3FFE];
	[sflag:s23] =	ssyncadd.s32 $0xFFFFFFFF  }
0xab: {  	s26 =	simm.s32 $execute0_lowered;
	[smem:$0x3FD2] =	sst s25  }
0xac: {  	s6 =	sshll.u32 s26, $0x1;
	_ =	strace $0x8000004C;
	[dreg:$0x1] =	wrdreg $0xFFFFFFFF  }
0xad: {  	s28 =	simm.s32 $_size_execute0_lowered;
	s4 =	sadd.s32 s4, s6;
	[dreg:$0x0] =	wrdreg $0x0  }
0xae: {  	s6 =	sshll.u32 s28, $0x1;
	[dreg:$0x2] =	wrdreg s4  }
0xaf: {  	[dreg:$0x3] =	wrdreg s6  }
0xb0: {  	[dreg:$0x4] =	wrdreg $0xC0  }
0xb1: {  	_ =	task [dreg:s8], $0x5FFFF  }
0xb2: {  	[dreg:$0x1] =	wrdreg $0xFFFFFFFF  }
0xb3: {  	[dreg:$0x0] =	wrdreg $0x60  }
0xb4: {  	[dreg:$0x2] =	wrdreg s17  }
0xb5: {  	[dreg:$0x3] =	wrdreg s24  }
0xb6: {  	[dreg:$0x4] =	wrdreg s16  }
0xb7: {  	[dreg:$0x5] =	wrdreg $0x44000  }
0xb8: {  	[dreg:$0x6] =	wrdreg $0x9  }
0xb9: {  	_ =	task.clear_ibuf [dreg:s8], $0x7FFFF;
	_ =	strace $0x9000004C  }
0xba: {  	s29 =	simm.s32 $0x9;
	_ =	strace $0x8000004E  }
0xbb: {  	_ =	swait.ge [sflag:s29], $0x1  }
0xbc: {  	[sflag:s29] =	ssyncadd.s32 $0xFFFFFFFF  }
0xbd: {  	_ =	strace $0x9000004E  }
0xbe: {  	_ =	sfence  }
0xbf: {  	s30 =	sld [smem:$0x0];
	_ =	sdelay $0x2  }
0xc0: {  	s31 =	sshll.u32 s1, $0xD;
	s1 =	sshrl.u32 s1, $0x2  }
0xc1: {  	s3 =	sand.u32 $0x4000, s31;
	s1 =	sadd.s32 s1, s30  }
0xc2: {  	s0 =	sor.u32 s3, s0;
	s1 =	sshll.u32 s1, $0x11  }
0xc3: {  	s0 =	sor.u32 s1, s0  }
0xc4: {  	s0 =	sadd.s32 $0x8F2B, s0  }
0xc5: {  	[sflag:s0] =	ssyncadd.remote.s32 $0x1  }
0xc6: {  	_ =	sfence.sel $0xFFFF  }
0xc7: {  	[dreg:$0x0] =	wrdreg $0xFFFFFFFF;
	(pc) =	sbr.abs _section_cstart, $3  }
0xc8: {  	[dreg:$0x1] =	wrdreg $0xFFFFFFFF  }
0xc9: {  	_ =	task.clear_ibuf [dreg:s8], $0x2FFFF;
	_ =	strace $0x9FFFFFFF  }
0xca: {  	(tm) =	ssettm $0x7FFFFFFF  }
0xcb: {  	_ =	shalt  }
tec
execute0_lowered:
.L_overlay_start_1:
0x0: {  	(tag) =	ssettag $0x1  }
0x1: {  	s1 =	rddreg [dreg:$0x0]  }
0x2: {  	s8 =	rddreg [dreg:$0x1]  }
0x3: {  	s2 =	rddreg [dreg:$0x2]  }
0x4: {  	s4 =	rddreg [dreg:$0x3]  }
0x5: {  	s0 =	rddreg [dreg:$0x4];
	s5 =	simm.s32 $0x0;
	s3 =	stileid.u32  }
0x6: {  	s6 =	srdreg.scid;
	s15 =	simm.s32 $0x1;
	s16 =	simm.s32 $0x100  }
0x7: {  	s17 =	simm.s32 $0x400;
	s18 =	simm.s32 $0x2400;
	s19 =	simm.s32 $0x2  }
0x8: {  	s20 =	simm.s32 $0x200;
	s21 =	simm.s32 $0x3;
	s22 =	simm.s32 $0x300  }
0x9: {  	s23 =	simm.s32 $0x4;
	s24 =	simm.s32 $0x0;
	[smem:$0x7FF] =	sst s5  }
0xa: {  	s7 =	smul.u32 $0x3100, s3;
	s10 =	sand.u32 $0x1, s6;
	s6 =	sadd.s32 $0xFAA00, s8  }
0xb: {  	s13 =	smul.u32 $0x19000, s3;
	s31 =	sshll.u32 s3, $0x6;
	_ =	strace $0x8000004D  }
.Ltmp0:
0xc: {  	s9 =	ssub.s32 $0x2, s10;
	p0 =	seq.s32 s10, $0x1;
	(pc) =	sbr.rel .LBB2_1-.Ltmp0, $4  }
0xd: {  	s12 =	sadd.s32 s7, s8;
	s7 =	sadd.s32 $0x15D800, s8;
	s11 =	sshrl.u32 s9, $0x1  }
0xe: {  	s8 =	sadd.s32 $0x12B800, s8;
	s14 =	sadd.s32 s13, s4;
	s10 =	sshrl.u32 s13, $0x3  }
0xf: {  	s11 =	ssub.s32 s9, s11;
	s9 =	sor.u32 $0x1C05, s31;
	s12 =	sadd.s32 $0x6400, s12  }
0x10: {  	s13 =	sshrl.u32 s14, $0x3;
	s14 =	simm.s32 $0x5;
	s11 =	smax.u32 s11, $0x1  }
.LBB2_7:
0x11: {  	s25 =	sadd.s32 s25, s12;
	[sflag:s23] =	ssyncadd.s32 $0xFFFFE000  }
0x12: {  	[tilespmem:s5], [sflag:$0x1] =	stream.linear.gather [hbm4b:s25+s5], $0x400, $0x38;
	[tilespmem:$0x1D400] =	vst v63  }
0x13: {  	_ =	swait.ge [sflag:s15], $0x400  }
0x14: {  	[sflag:s15] =	ssyncset.done $0x0  }
0x15: {  	[sflag:s15] =	ssyncadd.s32 $0xFFFFFC00  }
0x16: {  	[tilespmem:s17], [sflag:$0x2] =	stream.indirect.gather [hbm4b:s6+s16], $0x20, s5, s16, $0xb8;
	[tilespmem:$0x1D400] =	vst v63  }
0x17: {  	_ = 	snop  }
0x18: {  	[tilespmem:s18], [sflag:$0x3] =	stream.indirect.gather [hbm4b:s6+s16], $0x20, s16, s16, $0xb8;
	[tilespmem:$0x1D400] =	vst v63  }
0x19: {  	_ =	swait.ge [sflag:s19], $0x2000  }
0x1a: {  	[sflag:s19] =	ssyncset.done $0x0  }
0x1b: {  	[sflag:s19] =	ssyncadd.s32 $0xFFFFE000  }
0x1c: {  	[spmem:s4] =	stream.indirect.scatter.add.f32 [tilespmem:s17], [sflag:$0x4], $0x20, s20, s16, $0xb8;
	[tilespmem:$0x1D400] =	vst v63  }
0x1d: {  	_ =	swait.ge [sflag:s21], $0x2000  }
0x1e: {  	[sflag:s21] =	ssyncset.done $0x0  }
0x1f: {  	[sflag:s21] =	ssyncadd.s32 $0xFFFFE000  }
0x20: {  	[spmem:s4] =	stream.indirect.scatter.add.f32 [tilespmem:s18], [sflag:$0x4], $0x20, s22, s16, $0xb8;
	[tilespmem:$0x1D400] =	vst v63  }
0x21: {  	_ =	swait.ge [sflag:s23], $0x2000  }
0x22: {  	[sflag:s23] =	ssyncset.done $0x0  }
0x23: {  	[sflag:s23] =	ssyncadd.s32 $0xFFFFE000  }
0x24: {  	_ =	swait.ge [sflag:s23], $0x2000  }
0x25: {  	[sflag:s23] =	ssyncset.done $0x0  }
0x26: {  	s25 =	smov.u32 s8;
	[sflag:s23] =	ssyncadd.s32 $0xFFFFE000  }
.LBB2_8:
0x27: {  	s24 =	sadd.s32 $0x1, s24  }
0x28: {  	p1 =	sne.s32 s24, s11  }
.Ltmp1:
0x29: {  	s25 =	sadd.s32 s25, s10;
	[bflag:$0x0] =	sbarrier.arrive $0xFFFF;
	(pc) =	sbr.rel @!p1 .LBB2_9-.Ltmp1, $4  }
0x2a: {  	[hbm:s25], [sflag:s9] =	dma.local [spmem:s13], $0x3200  }
0x2b: {  	_ =	swait.ge [sflag:s14], $0x3200  }
0x2c: {  	[sflag:s14] =	ssyncset.done $0x0  }
0x2d: {  	[sflag:s14] =	ssyncadd.s32 $0xFFFFCE00  }
.LBB2_1:
0x2e: {  	[spmem:s13], [sflag:s9] =	dma.local [hbm:s2], $0x3200  }
.Ltmp2:
0x2f: {  	_ =	swait.ge [sflag:s14], $0x3200;
	(pc) =	sbr.rel @!p0 .LBB2_2-.Ltmp2, $4  }
0x30: {  	[sflag:s14] =	ssyncset.done $0x0  }
0x31: {  	[sflag:s14] =	ssyncadd.s32 $0xFFFFCE00  }
0x32: {  	[bflag:$0x0] =	sbarrier.arrive $0xFFFF  }
0x33: {  	s25 =	sadd.s32 $0x0, s12  }
0x34: {  	[tilespmem:s5], [sflag:$0x1] =	stream.linear.gather [hbm4b:s25+s5], $0x400, $0x38;
	[tilespmem:$0x1D400] =	vst v63  }
0x35: {  	_ =	swait.ge [sflag:s15], $0x400  }
0x36: {  	[sflag:s15] =	ssyncset.done $0x0  }
0x37: {  	[sflag:s15] =	ssyncadd.s32 $0xFFFFFC00  }
0x38: {  	[tilespmem:s17], [sflag:$0x2] =	stream.indirect.gather [hbm4b:s6+s16], $0x20, s5, s16, $0xb8;
	[tilespmem:$0x1D400] =	vst v63  }
0x39: {  	_ = 	snop  }
0x3a: {  	[tilespmem:s18], [sflag:$0x3] =	stream.indirect.gather [hbm4b:s6+s16], $0x20, s16, s16, $0xb8;
	[tilespmem:$0x1D400] =	vst v63  }
0x3b: {  	_ =	swait.ge [sflag:s19], $0x2000  }
0x3c: {  	[sflag:s19] =	ssyncset.done $0x0  }
0x3d: {  	[sflag:s19] =	ssyncadd.s32 $0xFFFFE000  }
0x3e: {  	[spmem:s4] =	stream.indirect.scatter.add.f32 [tilespmem:s17], [sflag:$0x4], $0x20, s20, s16, $0xb8;
	[tilespmem:$0x1D400] =	vst v63  }
0x3f: {  	_ =	swait.ge [sflag:s21], $0x2000  }
0x40: {  	[sflag:s21] =	ssyncset.done $0x0  }
0x41: {  	[sflag:s21] =	ssyncadd.s32 $0xFFFFE000  }
0x42: {  	[spmem:s4] =	stream.indirect.scatter.add.f32 [tilespmem:s18], [sflag:$0x4], $0x20, s22, s16, $0xb8;
	[tilespmem:$0x1D400] =	vst v63  }
0x43: {  	_ =	swait.ge [sflag:s23], $0x2000  }
0x44: {  	[sflag:s23] =	ssyncset.done $0x0  }
0x45: {  	[sflag:s23] =	ssyncadd.s32 $0xFFFFE000  }
0x46: {  	_ =	swait.ge [sflag:s23], $0x2000  }
0x47: {  	s25 =	simm.s32 $0x80;
	s26 =	simm.s32 $0x100;
	[sflag:s23] =	ssyncset.done $0x0  }
.LBB2_6:
0x48: {  	s28 =	sadd.s32 s25, s12  }
0x49: {  	[sflag:s23] =	ssyncadd.s32 $0xFFFFE000;
	s25 =	smov.u32 s26;
	s29 =	sadd.s32 $0x80, s26  }
0x4a: {  	[tilespmem:s5], [sflag:$0x1] =	stream.linear.gather [hbm4b:s28+s5], $0x400, $0x38;
	[tilespmem:$0x1D400] =	vst v63  }
0x4b: {  	p1 =	sne.s32 s26, $0x3080;
	_ =	swait.ge [sflag:s15], $0x400  }
0x4c: {  	[sflag:s15] =	ssyncset.done $0x0  }
0x4d: {  	[sflag:s15] =	ssyncadd.s32 $0xFFFFFC00  }
0x4e: {  	[tilespmem:s17], [sflag:$0x2] =	stream.indirect.gather [hbm4b:s6+s16], $0x20, s5, s16, $0xb8;
	[tilespmem:$0x1D400] =	vst v63  }
0x4f: {  	_ = 	snop  }
0x50: {  	[tilespmem:s18], [sflag:$0x3] =	stream.indirect.gather [hbm4b:s6+s16], $0x20, s16, s16, $0xb8;
	[tilespmem:$0x1D400] =	vst v63  }
0x51: {  	_ =	swait.ge [sflag:s19], $0x2000  }
0x52: {  	[sflag:s19] =	ssyncset.done $0x0  }
0x53: {  	[sflag:s19] =	ssyncadd.s32 $0xFFFFE000  }
0x54: {  	[spmem:s4] =	stream.indirect.scatter.add.f32 [tilespmem:s17], [sflag:$0x4], $0x20, s20, s16, $0xb8;
	[tilespmem:$0x1D400] =	vst v63  }
0x55: {  	_ =	swait.ge [sflag:s21], $0x2000  }
0x56: {  	[sflag:s21] =	ssyncset.done $0x0  }
0x57: {  	[sflag:s21] =	ssyncadd.s32 $0xFFFFE000  }
0x58: {  	[spmem:s4] =	stream.indirect.scatter.add.f32 [tilespmem:s18], [sflag:$0x4], $0x20, s22, s16, $0xb8;
	[tilespmem:$0x1D400] =	vst v63  }
.Ltmp3:
0x59: {  	_ =	swait.ge [sflag:s23], $0x2000;
	(pc) =	sbr.rel @p1 .LBB2_6-.Ltmp3, $4  }
0x5a: {  	[sflag:s23] =	ssyncset.done $0x0  }
0x5b: {  	[sflag:s23] =	ssyncadd.s32 $0xFFFFE000  }
0x5c: {  	_ =	swait.ge [sflag:s23], $0x2000  }
0x5d: {  	s26 =	smov.u32 s29;
	[sflag:s23] =	ssyncset.done $0x0  }
.Ltmp4:
0x5e: {  	_ = 	snop;
	(pc) =	sbr.rel .LBB2_7-.Ltmp4, $1  }
0x5f: {  	_ =	sdelay $0x3  }
.LBB2_2:
0x60: {  	[tilespmem:s5], [sflag:$0x1] =	stream.linear.gather [hbm4b:s25+s5], $0x400, $0x38;
	[tilespmem:$0x1D400] =	vst v63  }
0x61: {  	_ =	swait.ge [sflag:s15], $0x400  }
0x62: {  	[sflag:s15] =	ssyncset.done $0x0  }
0x63: {  	[sflag:s15] =	ssyncadd.s32 $0xFFFFFC00  }
0x64: {  	[tilespmem:s17], [sflag:$0x2] =	stream.indirect.gather [hbm4b:s1+s16], $0x20, s5, s16, $0xb8;
	[tilespmem:$0x1D400] =	vst v63  }
0x65: {  	_ = 	snop  }
0x66: {  	[tilespmem:s18], [sflag:$0x3] =	stream.indirect.gather [hbm4b:s1+s16], $0x20, s16, s16, $0xb8;
	[tilespmem:$0x1D400] =	vst v63  }
0x67: {  	_ =	swait.ge [sflag:s19], $0x2000  }
0x68: {  	[sflag:s19] =	ssyncset.done $0x0  }
0x69: {  	[sflag:s19] =	ssyncadd.s32 $0xFFFFE000  }
0x6a: {  	[spmem:s4] =	stream.indirect.scatter.add.f32 [tilespmem:s17], [sflag:$0x4], $0x20, s20, s16, $0xb8;
	[tilespmem:$0x1D400] =	vst v63  }
0x6b: {  	_ =	swait.ge [sflag:s21], $0x2000  }
0x6c: {  	[sflag:s21] =	ssyncset.done $0x0  }
0x6d: {  	[sflag:s21] =	ssyncadd.s32 $0xFFFFE000  }
0x6e: {  	[spmem:s4] =	stream.indirect.scatter.add.f32 [tilespmem:s18], [sflag:$0x4], $0x20, s22, s16, $0xb8;
	[tilespmem:$0x1D400] =	vst v63  }
0x6f: {  	_ =	swait.ge [sflag:s23], $0x2000  }
0x70: {  	[sflag:s23] =	ssyncset.done $0x0  }
0x71: {  	[sflag:s23] =	ssyncadd.s32 $0xFFFFE000  }
0x72: {  	_ =	swait.ge [sflag:s23], $0x2000  }
0x73: {  	s25 =	simm.s32 $0x80;
	s26 =	simm.s32 $0x100;
	[sflag:s23] =	ssyncset.done $0x0  }
.LBB2_3:
0x74: {  	s28 =	sadd.s32 s25, s12  }
0x75: {  	[sflag:s23] =	ssyncadd.s32 $0xFFFFE000;
	s25 =	smov.u32 s26;
	s29 =	sadd.s32 $0x80, s26  }
0x76: {  	[tilespmem:s5], [sflag:$0x1] =	stream.linear.gather [hbm4b:s28+s5], $0x400, $0x38;
	[tilespmem:$0x1D400] =	vst v63  }
0x77: {  	p1 =	seq.s32 s26, $0x3080;
	_ =	swait.ge [sflag:s15], $0x400  }
0x78: {  	[sflag:s15] =	ssyncset.done $0x0  }
0x79: {  	[sflag:s15] =	ssyncadd.s32 $0xFFFFFC00  }
0x7a: {  	[tilespmem:s17], [sflag:$0x2] =	stream.indirect.gather [hbm4b:s1+s16], $0x20, s5, s16, $0xb8;
	[tilespmem:$0x1D400] =	vst v63  }
0x7b: {  	_ = 	snop  }
0x7c: {  	[tilespmem:s18], [sflag:$0x3] =	stream.indirect.gather [hbm4b:s1+s16], $0x20, s16, s16, $0xb8;
	[tilespmem:$0x1D400] =	vst v63  }
0x7d: {  	_ =	swait.ge [sflag:s19], $0x2000  }
0x7e: {  	[sflag:s19] =	ssyncset.done $0x0  }
0x7f: {  	[sflag:s19] =	ssyncadd.s32 $0xFFFFE000  }
0x80: {  	[spmem:s4] =	stream.indirect.scatter.add.f32 [tilespmem:s17], [sflag:$0x4], $0x20, s20, s16, $0xb8;
	[tilespmem:$0x1D400] =	vst v63  }
0x81: {  	_ =	swait.ge [sflag:s21], $0x2000  }
0x82: {  	[sflag:s21] =	ssyncset.done $0x0  }
0x83: {  	[sflag:s21] =	ssyncadd.s32 $0xFFFFE000  }
0x84: {  	[spmem:s4] =	stream.indirect.scatter.add.f32 [tilespmem:s18], [sflag:$0x4], $0x20, s22, s16, $0xb8;
	[tilespmem:$0x1D400] =	vst v63  }
.Ltmp5:
0x85: {  	_ =	swait.ge [sflag:s23], $0x2000;
	(pc) =	sbr.rel @!p1 .LBB2_3-.Ltmp5, $4  }
0x86: {  	[sflag:s23] =	ssyncset.done $0x0  }
0x87: {  	[sflag:s23] =	ssyncadd.s32 $0xFFFFE000  }
0x88: {  	_ =	swait.ge [sflag:s23], $0x2000  }
0x89: {  	s26 =	smov.u32 s29;
	[sflag:s23] =	ssyncset.done $0x0  }
0x8a: {  	s25 =	sadd.s32 s25, s12;
	[sflag:s23] =	ssyncadd.s32 $0xFFFFE000  }
0x8b: {  	[tilespmem:s5], [sflag:$0x1] =	stream.linear.gather [hbm4b:s25+s5], $0x400, $0x38;
	[tilespmem:$0x1D400] =	vst v63  }
0x8c: {  	_ =	swait.ge [sflag:s15], $0x400  }
0x8d: {  	[sflag:s15] =	ssyncset.done $0x0  }
0x8e: {  	[sflag:s15] =	ssyncadd.s32 $0xFFFFFC00  }
0x8f: {  	[tilespmem:s17], [sflag:$0x2] =	stream.indirect.gather [hbm4b:s1+s16], $0x20, s5, s16, $0xb8;
	[tilespmem:$0x1D400] =	vst v63  }
0x90: {  	_ = 	snop  }
0x91: {  	[tilespmem:s18], [sflag:$0x3] =	stream.indirect.gather [hbm4b:s1+s16], $0x20, s16, s16, $0xb8;
	[tilespmem:$0x1D400] =	vst v63  }
0x92: {  	_ =	swait.ge [sflag:s19], $0x2000  }
0x93: {  	[sflag:s19] =	ssyncset.done $0x0  }
0x94: {  	[sflag:s19] =	ssyncadd.s32 $0xFFFFE000  }
0x95: {  	[spmem:s4] =	stream.indirect.scatter.add.f32 [tilespmem:s17], [sflag:$0x4], $0x20, s20, s16, $0xb8;
	[tilespmem:$0x1D400] =	vst v63  }
0x96: {  	_ =	swait.ge [sflag:s21], $0x2000  }
0x97: {  	[sflag:s21] =	ssyncset.done $0x0  }
0x98: {  	[sflag:s21] =	ssyncadd.s32 $0xFFFFE000  }
0x99: {  	[spmem:s4] =	stream.indirect.scatter.add.f32 [tilespmem:s18], [sflag:$0x4], $0x20, s22, s16, $0xb8;
	[tilespmem:$0x1D400] =	vst v63  }
0x9a: {  	_ =	swait.ge [sflag:s23], $0x2000  }
.Ltmp6:
0x9b: {  	[sflag:s23] =	ssyncset.done $0x0;
	(pc) =	sbr.rel .LBB2_8-.Ltmp6, $4  }
0x9c: {  	[sflag:s23] =	ssyncadd.s32 $0xFFFFE000  }
0x9d: {  	_ =	swait.ge [sflag:s23], $0x2000  }
0x9e: {  	[sflag:s23] =	ssyncset.done $0x0  }
0x9f: {  	s25 =	smov.u32 s7;
	[sflag:s23] =	ssyncadd.s32 $0xFFFFE000  }
.LBB2_9:
0xa0: {  	_ =	sfence.sel $0x180000  }
0xa1: {  	[bflag:$0x0] =	sbarrier.arrive $0xFFFF  }
0xa2: {  	p0 =	sne.s32 s3, $0x0;
	_ =	strace $0x9000004D  }
0xa3: {  	s0 =	sadd.s32 @!p0 $0x100000, s0;
	[bflag:$0x2] =	sbarrier.arrive $0xFFFF  }
0xa4: {  	[sflag:s0] =	ssyncadd.tile.s32 @!p0 $0x1;
	_ =	shalt  }
.Lfunc_end2:
_tile_overlayer_lowered:
.L_overlay_start_2:
0xa5: {  	(tag) =	ssettag $0x2  }
0xa6: {  	s0 =	rddreg [dreg:$0x0];
	s2 =	stileid.u32  }
0xa7: {  	s1 =	rddreg [dreg:$0x1];
	p0 =	sne.s32 s2, $0x0  }
0xa8: {  	s3 =	rddreg [dreg:$0x2];
	[bflag:$0x3] =	sbarrier.arrive $0xFFFF;
	s2 =	simm.s32 @!p0 $0x1C05  }
0xa9: {  	[timem:s3], [sflag:s2] =	dma.local @!p0 [hbm:s0], s1  }
0xaa: {  	s0 =	simm.s32 @!p0 $0x5  }
0xab: {  	_ =	swait.ge @!p0 [sflag:s0], s1  }
0xac: {  	s1 =	ssub.s32 @!p0 $0x0, s1;
	[sflag:s0] =	ssyncset.done @!p0 $0x0  }
0xad: {  	[sflag:s0] =	ssyncadd.s32 @!p0 s1  }
0xae: {  	[bflag:$0x3] =	sbarrier.arrive $0xFFFF  }
0xaf: {  	_ =	shalt  }

// kernel: kernel.25.cloned.1.call-start
scs
__scs_entry_jumppad:
0x0: {  	(pc) =	sbr.rel $0x88, $3  }
0x1: {  	(tag) =	ssettag $0x0;
	lr =	simm.s32 $0x1  }
0x2: {  	[smem:$0x3F8D] =	sst lr;
	_ =	strace $0xD0000000  }
0x3: {  	_ = 	snop  }
0x4: {  	_ = 	snop  }
0x5: {  	_ = 	snop  }
0x6: {  	_ = 	snop  }
0x7: {  	_ = 	snop  }
__scs_overlays_trampoline_lowered:
0x8: {  	[smem:$0x3F9C] =	sst s0  }
0x9: {  	[smem:$0x3F9D] =	sst s1  }
0xa: {  	[smem:$0x3F9E] =	sst s2  }
0xb: {  	[smem:$0x3F9F] =	sst s3  }
0xc: {  	[smem:$0x3FA0] =	sst s4  }
0xd: {  	[smem:$0x3FA1] =	sst s5  }
0xe: {  	[smem:$0x3FA2] =	sst s6  }
0xf: {  	[smem:$0x3FA3] =	sst s7  }
0x10: {  	[smem:$0x3FA4] =	sst s8  }
0x11: {  	[smem:$0x3FA5] =	sst s9;
	s0 =	simm.s32 @!p0 $0x0  }
0x12: {  	s1 =	sld [smem:$0x3F8B];
	s0 =	simm.s32 @p0 $0x1  }
0x13: {  	[smem:$0x3FA6] =	sst s0;
	s0 =	simm.s32 @!p1 $0x0  }
0x14: {  	s2 =	sld [smem:$0x3F8A];
	s0 =	simm.s32 @p1 $0x1  }
0x15: {  	[smem:$0x3FA7] =	sst s0;
	s0 =	simm.s32 @!p2 $0x0  }
0x16: {  	s3 =	sld [smem:$0x3FDB];
	s0 =	simm.s32 @p2 $0x1  }
0x17: {  	s4 =	simm.s32 $0x1BF5;
	[smem:$0x3FA9] =	sst s0  }
0x18: {  	s0 =	sld [smem:$0x3F8C];
	_ =	swait.ge [sflag:s4], $0x0  }
0x19: {  	s7 =	sld [smem:$0x3F8D]  }
0x1a: {  	s8 =	sadd.s32 $0xFFFFE003, lr  }
0x1b: {  	s9 =	sadd.s32 $0xFFFFFEF7, lr;
	s5 =	simm.s32 $0xFFFFFFFF;
	p2 =	slt.u32 s8, $0xFFFFF086  }
0x1c: {  	p1 =	slt.u32 s9, $0xF7A;
	s5 =	simm.s32 @!p2 $0x0  }
0x1d: {  	s5 =	simm.s32 @p1 $0x1;
	p0 =	seq.s32 s7, s2  }
0x1e: {  	s7 =	smul.u32 @!p0 $0xF7A, s2;
	p2 =	seq.s32 @!p0 s5, $0x0  }
0x1f: {  	s9 =	smul.u32 $0xF7A, s1;
	s8 =	simm.s32 @!p0 $0x1BF5;
	p2 =	por !p2, p0  }
0x20: {  	[sflag:s8] =	ssyncset.s32 @!p0 $0xFFFFF086;
	s6 =	sadd.s32 @!p0 s3, s7;
	s7 =	simm.s32 @!p0 $0x108  }
0x21: {  	s3 =	sadd.s32 s3, s9;
	s6 =	sadd.s32 @!p0 $0x88, s6;
	s7 =	simm.s32 @p2 $0x1082  }
0x22: {  	[simem:s7], [sflag:s8] =	dma.local @!p0 [hbm:s6], $0xF7A  }
0x23: {  	s9 =	sor.u32 $0xD0000000, s2;
	s6 =	simm.s32 $0x108;
	_ =	swait.ge @!p0 [sflag:s8], $0x0  }
0x24: {  	s3 =	sadd.s32 $0x88, s3;
	s6 =	simm.s32 @!p1 $0x1082;
	[sflag:s4] =	ssyncset.s32 $0xFFFFF086  }
0x25: {  	[simem:s6], [sflag:s4] =	dma.local [hbm:s3], $0xF7A  }
0x26: {  	[smem:$0x3F8D] =	sst s1;
	(tag) =	ssettag s2;
	_ =	strace s9  }
0x27: {  	s1 =	sld [smem:$0x3F9D]  }
0x28: {  	s2 =	sld [smem:$0x3F9E]  }
0x29: {  	s4 =	sld [smem:$0x3FA0]  }
0x2a: {  	p0 =	seq.s32 s5, $0x0;
	s5 =	sld [smem:$0x3FA1]  }
0x2b: {  	s6 =	sld [smem:$0x3FA2]  }
0x2c: {  	s7 =	sld [smem:$0x3FA3]  }
0x2d: {  	s3 =	simm.s32 $0x108;
	s8 =	sld [smem:$0x3FA4]  }
0x2e: {  	s3 =	simm.s32 @!p0 $0x1082;
	s9 =	sld [smem:$0x3FA5]  }
0x2f: {  	lr =	sadd.s32 s0, s3;
	s0 =	sld [smem:$0x3F9C]  }
0x30: {  	s3 =	sld [smem:$0x3F9F]  }
0x31: {  	[smem:$0x3FA8] =	sst s10  }
0x32: {  	s10 =	sld [smem:$0x3FA6];
	_ =	sdelay $0x3  }
0x33: {  	p0 =	seq.s32 s10, $0x1;
	s10 =	sld [smem:$0x3FA8];
	_ =	sdelay $0x3  }
0x34: {  	[smem:$0x3FA8] =	sst s10  }
0x35: {  	s10 =	sld [smem:$0x3FA7];
	_ =	sdelay $0x3  }
0x36: {  	p1 =	seq.s32 s10, $0x1;
	s10 =	sld [smem:$0x3FA8];
	_ =	sdelay $0x3  }
0x37: {  	[smem:$0x3FA8] =	sst s10  }
0x38: {  	s10 =	sld [smem:$0x3FA9]  }
0x39: {  	_ = 	snop;
	(pc) =	sbr.ind lr, $3  }
0x3a: {  	_ = 	snop  }
0x3b: {  	_ = 	snop  }
0x3c: {  	p2 =	seq.s32 s10, $0x1;
	s10 =	sld [smem:$0x3FA8]  }
0x3d: {  	_ =	shalt  }
0x3e: {  	_ =	shalt  }
0x3f: {  	_ =	shalt  }
0x40: {  	_ =	shalt  }
0x41: {  	_ =	shalt  }
0x42: {  	_ =	shalt  }
0x43: {  	_ =	shalt  }
0x44: {  	_ =	shalt  }
0x45: {  	_ =	shalt  }
0x46: {  	_ =	shalt  }
0x47: {  	_ =	shalt  }
0x48: {  	_ =	shalt  }
0x49: {  	_ =	shalt  }
0x4a: {  	_ =	shalt  }
0x4b: {  	_ =	shalt  }
0x4c: {  	_ =	shalt  }
0x4d: {  	_ =	shalt  }
0x4e: {  	_ =	shalt  }
0x4f: {  	_ =	shalt  }
0x50: {  	_ =	shalt  }
0x51: {  	_ =	shalt  }
0x52: {  	_ =	shalt  }
0x53: {  	_ =	shalt  }
0x54: {  	_ =	shalt  }
0x55: {  	_ =	shalt  }
0x56: {  	_ =	shalt  }
0x57: {  	_ =	shalt  }
0x58: {  	_ =	shalt  }
0x59: {  	_ =	shalt  }
0x5a: {  	_ =	shalt  }
0x5b: {  	_ =	shalt  }
0x5c: {  	_ =	shalt  }
0x5d: {  	_ =	shalt  }
0x5e: {  	_ =	shalt  }
0x5f: {  	_ =	shalt  }
0x60: {  	_ =	shalt  }
0x61: {  	_ =	shalt  }
0x62: {  	_ =	shalt  }
0x63: {  	_ =	shalt  }
0x64: {  	_ =	shalt  }
0x65: {  	_ =	shalt  }
0x66: {  	_ =	shalt  }
0x67: {  	_ =	shalt  }
0x68: {  	_ =	shalt  }
0x69: {  	_ =	shalt  }
0x6a: {  	_ =	shalt  }
0x6b: {  	_ =	shalt  }
0x6c: {  	_ =	shalt  }
0x6d: {  	_ =	shalt  }
0x6e: {  	_ =	shalt  }
0x6f: {  	_ =	shalt  }
0x70: {  	_ =	shalt  }
0x71: {  	_ =	shalt  }
0x72: {  	_ =	shalt  }
0x73: {  	_ =	shalt  }
0x74: {  	_ =	shalt  }
0x75: {  	_ =	shalt  }
0x76: {  	_ =	shalt  }
0x77: {  	_ =	shalt  }
0x78: {  	_ =	shalt  }
0x79: {  	_ =	shalt  }
0x7a: {  	_ =	shalt  }
0x7b: {  	_ =	shalt  }
0x7c: {  	_ =	shalt  }
0x7d: {  	_ =	shalt  }
0x7e: {  	_ =	shalt  }
0x7f: {  	_ =	shalt  }
0x80: {  	_ =	shalt  }
0x81: {  	_ =	shalt  }
0x82: {  	_ =	shalt  }
0x83: {  	_ =	shalt  }
0x84: {  	_ =	shalt  }
0x85: {  	_ =	shalt  }
0x86: {  	_ =	shalt  }
0x87: {  	_ =	shalt  }
.Lfunc_end0:
.L_simem_size_0:
called_computation.3_lowered:
.L_overlay_start_0:
0x88: {  	s2 =	sld [smem:$0x3FD9]  }
0x89: {  	s3 =	sld [smem:$0x3FFE];
	_ =	sdelay $0x1  }
0x8a: {  	s1 =	srdreg.scid  }
0x8b: {  	s0 =	sand.u32 $0x1, s1  }
0x8c: {  	s14 =	sshll.u32 s0, $0xA;
	s2 =	sadd.s32 s3, s2  }
0x8d: {  	s2 =	sadd.s32 s2, s14  }
0x8e: {  	[smem:$0x3FB4] =	sst s2  }
0x8f: {  	_ = 	snop  }
0x90: {  	s2 =	sld [smem:$0x3FD0];
	_ =	sdelay $0x2  }
0x91: {  	s15 =	simm.s32 $0xA;
	s4 =	simm.s32 $0x10  }
0x92: {  	[smem:s4], [sflag:s15] =	dma.local [hbm:s2], $0x1  }
0x93: {  	_ =	swait.eq [sflag:s15], $0x1  }
0x94: {  	[sflag:s15] =	ssyncset.done $0x0  }
0x95: {  	s16 =	sld [smem:$0x10];
	[sflag:s15] =	ssyncadd.s32 $0xFFFFFFFF  }
0x96: {  	s17 =	sld [smem:$0x11];
	(tm) =	ssettm $0x1  }
0x97: {  	s18 =	sld [smem:$0x3FFB];
	_ =	sdelay $0x3  }
0x98: {  	_ =	strace s18  }
0x99: {  	s4 =	sld [smem:$0x3FFC];
	_ =	sdelay $0x3  }
0x9a: {  	_ =	strace s4  }
0x9b: {  	s4 =	sld [smem:$0x3FFD];
	_ =	sdelay $0x3  }
0x9c: {  	_ =	strace s4  }
0x9d: {  	_ =	strace $0x8FFFFFFF  }
0x9e: {  	s19 =	sld [smem:$0x3FDB];
	_ =	sdelay $0x1  }
0x9f: {  	s5 =	simm.s32 $_scs_section_size  }
0xa0: {  	s6 =	simm.s32 $_size__tile_overlayer_lowered;
	s7 =	simm.s32 $_tile_overlayer_lowered  }
0xa1: {  	s22 =	simm.s32 $0x1BFF;
	s21 =	sshll.u32 s7, $0x1;
	s4 =	sadd.s32 s5, s19  }
0xa2: {  	s8 =	simm.s32 $0x0;
	s20 =	sshll.u32 s6, $0x1;
	s6 =	sadd.s32 s21, s4  }
0xa3: {  	[timem:s8], [sflag:s22] =	dma.local [hbm:s6], s20  }
0xa4: {  	_ =	swait.ge [sflag:s22], s20  }
0xa5: {  	s5 =	ssub.s32 $0x0, s20;
	[sflag:s22] =	ssyncset.done $0x0  }
0xa6: {  	[sflag:s22] =	ssyncadd.s32 s5;
	_ =	sdelay $0x1  }
0xa7: {  	s23 =	simm.s32 $0x1B8B  }
0xa8: {  	_ =	swait.ge [sflag:s23], $0x1  }
0xa9: {  	[sflag:s23] =	ssyncset.done $0x0  }
0xaa: {  	s25 =	simm.s32 $0x1B8E;
	s24 =	sld [smem:$0x3FFE];
	[sflag:s23] =	ssyncadd.s32 $0xFFFFFFFF  }
0xab: {  	s26 =	simm.s32 $execute0_lowered;
	[smem:$0x3FD2] =	sst s25  }
0xac: {  	s6 =	sshll.u32 s26, $0x1;
	_ =	strace $0x8000004F;
	[dreg:$0x1] =	wrdreg $0xFFFFFFFF  }
0xad: {  	s28 =	simm.s32 $_size_execute0_lowered;
	s4 =	sadd.s32 s4, s6;
	[dreg:$0x0] =	wrdreg $0x0  }
0xae: {  	s6 =	sshll.u32 s28, $0x1;
	[dreg:$0x2] =	wrdreg s4  }
0xaf: {  	[dreg:$0x3] =	wrdreg s6  }
0xb0: {  	[dreg:$0x4] =	wrdreg $0xC0  }
0xb1: {  	_ =	task [dreg:s8], $0x5FFFF  }
0xb2: {  	[dreg:$0x1] =	wrdreg $0xFFFFFFFF  }
0xb3: {  	[dreg:$0x0] =	wrdreg $0x60  }
0xb4: {  	[dreg:$0x2] =	wrdreg s17  }
0xb5: {  	[dreg:$0x3] =	wrdreg s24  }
0xb6: {  	[dreg:$0x4] =	wrdreg s16  }
0xb7: {  	[dreg:$0x5] =	wrdreg $0x44000  }
0xb8: {  	[dreg:$0x6] =	wrdreg $0x9  }
0xb9: {  	_ =	task.clear_ibuf [dreg:s8], $0x7FFFF;
	_ =	strace $0x9000004F  }
0xba: {  	s29 =	simm.s32 $0x9;
	_ =	strace $0x80000051  }
0xbb: {  	_ =	swait.ge [sflag:s29], $0x1  }
0xbc: {  	[sflag:s29] =	ssyncadd.s32 $0xFFFFFFFF  }
0xbd: {  	_ =	strace $0x90000051  }
0xbe: {  	_ =	sfence  }
0xbf: {  	s30 =	sld [smem:$0x0];
	_ =	sdelay $0x2  }
0xc0: {  	s31 =	sshll.u32 s1, $0xD;
	s1 =	sshrl.u32 s1, $0x2  }
0xc1: {  	s3 =	sand.u32 $0x4000, s31;
	s1 =	sadd.s32 s1, s30  }
0xc2: {  	s0 =	sor.u32 s3, s0;
	s1 =	sshll.u32 s1, $0x11  }
0xc3: {  	s0 =	sor.u32 s1, s0  }
0xc4: {  	s0 =	sadd.s32 $0x8F2B, s0  }
0xc5: {  	[sflag:s0] =	ssyncadd.remote.s32 $0x1  }
0xc6: {  	_ =	sfence.sel $0xFFFF  }
0xc7: {  	[dreg:$0x0] =	wrdreg $0xFFFFFFFF;
	(pc) =	sbr.abs _section_cstart, $3  }
0xc8: {  	[dreg:$0x1] =	wrdreg $0xFFFFFFFF  }
0xc9: {  	_ =	task.clear_ibuf [dreg:s8], $0x2FFFF;
	_ =	strace $0x9FFFFFFF  }
0xca: {  	(tm) =	ssettm $0x7FFFFFFF  }
0xcb: {  	_ =	shalt  }
tec
execute0_lowered:
.L_overlay_start_1:
0x0: {  	(tag) =	ssettag $0x1  }
0x1: {  	s1 =	rddreg [dreg:$0x0]  }
0x2: {  	s8 =	rddreg [dreg:$0x1]  }
0x3: {  	s2 =	rddreg [dreg:$0x2]  }
0x4: {  	s4 =	rddreg [dreg:$0x3]  }
0x5: {  	s0 =	rddreg [dreg:$0x4];
	s5 =	simm.s32 $0x0;
	s3 =	stileid.u32  }
0x6: {  	s6 =	srdreg.scid;
	s15 =	simm.s32 $0x1;
	s16 =	simm.s32 $0x100  }
0x7: {  	s17 =	simm.s32 $0x400;
	s18 =	simm.s32 $0x2400;
	s19 =	simm.s32 $0x2  }
0x8: {  	s20 =	simm.s32 $0x200;
	s21 =	simm.s32 $0x3;
	s22 =	simm.s32 $0x300  }
0x9: {  	s23 =	simm.s32 $0x4;
	s24 =	simm.s32 $0x0;
	[smem:$0x7FF] =	sst s5  }
0xa: {  	s7 =	smul.u32 $0x3100, s3;
	s10 =	sand.u32 $0x1, s6;
	s6 =	sadd.s32 $0xFAA00, s8  }
0xb: {  	s13 =	smul.u32 $0x19000, s3;
	s31 =	sshll.u32 s3, $0x6;
	_ =	strace $0x80000050  }
.Ltmp0:
0xc: {  	s9 =	ssub.s32 $0x2, s10;
	p0 =	seq.s32 s10, $0x1;
	(pc) =	sbr.rel .LBB2_1-.Ltmp0, $4  }
0xd: {  	s12 =	sadd.s32 s7, s8;
	s7 =	sadd.s32 $0x15D800, s8;
	s11 =	sshrl.u32 s9, $0x1  }
0xe: {  	s8 =	sadd.s32 $0x12B800, s8;
	s14 =	sadd.s32 s13, s4;
	s10 =	sshrl.u32 s13, $0x3  }
0xf: {  	s11 =	ssub.s32 s9, s11;
	s9 =	sor.u32 $0x1C05, s31;
	s12 =	sadd.s32 $0x6400, s12  }
0x10: {  	s13 =	sshrl.u32 s14, $0x3;
	s14 =	simm.s32 $0x5;
	s11 =	smax.u32 s11, $0x1  }
.LBB2_7:
0x11: {  	s25 =	sadd.s32 s25, s12;
	[sflag:s23] =	ssyncadd.s32 $0xFFFFE000  }
0x12: {  	[tilespmem:s5], [sflag:$0x1] =	stream.linear.gather [hbm4b:s25+s5], $0x400, $0x38;
	[tilespmem:$0x1D400] =	vst v63  }
0x13: {  	_ =	swait.ge [sflag:s15], $0x400  }
0x14: {  	[sflag:s15] =	ssyncset.done $0x0  }
0x15: {  	[sflag:s15] =	ssyncadd.s32 $0xFFFFFC00  }
0x16: {  	[tilespmem:s17], [sflag:$0x2] =	stream.indirect.gather [hbm4b:s6+s16], $0x20, s5, s16, $0xb8;
	[tilespmem:$0x1D400] =	vst v63  }
0x17: {  	_ = 	snop  }
0x18: {  	[tilespmem:s18], [sflag:$0x3] =	stream.indirect.gather [hbm4b:s6+s16], $0x20, s16, s16, $0xb8;
	[tilespmem:$0x1D400] =	vst v63  }
0x19: {  	_ =	swait.ge [sflag:s19], $0x2000  }
0x1a: {  	[sflag:s19] =	ssyncset.done $0x0  }
0x1b: {  	[sflag:s19] =	ssyncadd.s32 $0xFFFFE000  }
0x1c: {  	[spmem:s4] =	stream.indirect.scatter.add.f32 [tilespmem:s17], [sflag:$0x4], $0x20, s20, s16, $0xb8;
	[tilespmem:$0x1D400] =	vst v63  }
0x1d: {  	_ =	swait.ge [sflag:s21], $0x2000  }
0x1e: {  	[sflag:s21] =	ssyncset.done $0x0  }
0x1f: {  	[sflag:s21] =	ssyncadd.s32 $0xFFFFE000  }
0x20: {  	[spmem:s4] =	stream.indirect.scatter.add.f32 [tilespmem:s18], [sflag:$0x4], $0x20, s22, s16, $0xb8;
	[tilespmem:$0x1D400] =	vst v63  }
0x21: {  	_ =	swait.ge [sflag:s23], $0x2000  }
0x22: {  	[sflag:s23] =	ssyncset.done $0x0  }
0x23: {  	[sflag:s23] =	ssyncadd.s32 $0xFFFFE000  }
0x24: {  	_ =	swait.ge [sflag:s23], $0x2000  }
0x25: {  	[sflag:s23] =	ssyncset.done $0x0  }
0x26: {  	s25 =	smov.u32 s8;
	[sflag:s23] =	ssyncadd.s32 $0xFFFFE000  }
.LBB2_8:
0x27: {  	s24 =	sadd.s32 $0x1, s24  }
0x28: {  	p1 =	sne.s32 s24, s11  }
.Ltmp1:
0x29: {  	s25 =	sadd.s32 s25, s10;
	[bflag:$0x0] =	sbarrier.arrive $0xFFFF;
	(pc) =	sbr.rel @!p1 .LBB2_9-.Ltmp1, $4  }
0x2a: {  	[hbm:s25], [sflag:s9] =	dma.local [spmem:s13], $0x3200  }
0x2b: {  	_ =	swait.ge [sflag:s14], $0x3200  }
0x2c: {  	[sflag:s14] =	ssyncset.done $0x0  }
0x2d: {  	[sflag:s14] =	ssyncadd.s32 $0xFFFFCE00  }
.LBB2_1:
0x2e: {  	[spmem:s13], [sflag:s9] =	dma.local [hbm:s2], $0x3200  }
.Ltmp2:
0x2f: {  	_ =	swait.ge [sflag:s14], $0x3200;
	(pc) =	sbr.rel @!p0 .LBB2_2-.Ltmp2, $4  }
0x30: {  	[sflag:s14] =	ssyncset.done $0x0  }
0x31: {  	[sflag:s14] =	ssyncadd.s32 $0xFFFFCE00  }
0x32: {  	[bflag:$0x0] =	sbarrier.arrive $0xFFFF  }
0x33: {  	s25 =	sadd.s32 $0x0, s12  }
0x34: {  	[tilespmem:s5], [sflag:$0x1] =	stream.linear.gather [hbm4b:s25+s5], $0x400, $0x38;
	[tilespmem:$0x1D400] =	vst v63  }
0x35: {  	_ =	swait.ge [sflag:s15], $0x400  }
0x36: {  	[sflag:s15] =	ssyncset.done $0x0  }
0x37: {  	[sflag:s15] =	ssyncadd.s32 $0xFFFFFC00  }
0x38: {  	[tilespmem:s17], [sflag:$0x2] =	stream.indirect.gather [hbm4b:s6+s16], $0x20, s5, s16, $0xb8;
	[tilespmem:$0x1D400] =	vst v63  }
0x39: {  	_ = 	snop  }
0x3a: {  	[tilespmem:s18], [sflag:$0x3] =	stream.indirect.gather [hbm4b:s6+s16], $0x20, s16, s16, $0xb8;
	[tilespmem:$0x1D400] =	vst v63  }
0x3b: {  	_ =	swait.ge [sflag:s19], $0x2000  }
0x3c: {  	[sflag:s19] =	ssyncset.done $0x0  }
0x3d: {  	[sflag:s19] =	ssyncadd.s32 $0xFFFFE000  }
0x3e: {  	[spmem:s4] =	stream.indirect.scatter.add.f32 [tilespmem:s17], [sflag:$0x4], $0x20, s20, s16, $0xb8;
	[tilespmem:$0x1D400] =	vst v63  }
0x3f: {  	_ =	swait.ge [sflag:s21], $0x2000  }
0x40: {  	[sflag:s21] =	ssyncset.done $0x0  }
0x41: {  	[sflag:s21] =	ssyncadd.s32 $0xFFFFE000  }
0x42: {  	[spmem:s4] =	stream.indirect.scatter.add.f32 [tilespmem:s18], [sflag:$0x4], $0x20, s22, s16, $0xb8;
	[tilespmem:$0x1D400] =	vst v63  }
0x43: {  	_ =	swait.ge [sflag:s23], $0x2000  }
0x44: {  	[sflag:s23] =	ssyncset.done $0x0  }
0x45: {  	[sflag:s23] =	ssyncadd.s32 $0xFFFFE000  }
0x46: {  	_ =	swait.ge [sflag:s23], $0x2000  }
0x47: {  	s25 =	simm.s32 $0x80;
	s26 =	simm.s32 $0x100;
	[sflag:s23] =	ssyncset.done $0x0  }
.LBB2_6:
0x48: {  	s28 =	sadd.s32 s25, s12  }
0x49: {  	[sflag:s23] =	ssyncadd.s32 $0xFFFFE000;
	s25 =	smov.u32 s26;
	s29 =	sadd.s32 $0x80, s26  }
0x4a: {  	[tilespmem:s5], [sflag:$0x1] =	stream.linear.gather [hbm4b:s28+s5], $0x400, $0x38;
	[tilespmem:$0x1D400] =	vst v63  }
0x4b: {  	p1 =	sne.s32 s26, $0x3080;
	_ =	swait.ge [sflag:s15], $0x400  }
0x4c: {  	[sflag:s15] =	ssyncset.done $0x0  }
0x4d: {  	[sflag:s15] =	ssyncadd.s32 $0xFFFFFC00  }
0x4e: {  	[tilespmem:s17], [sflag:$0x2] =	stream.indirect.gather [hbm4b:s6+s16], $0x20, s5, s16, $0xb8;
	[tilespmem:$0x1D400] =	vst v63  }
0x4f: {  	_ = 	snop  }
0x50: {  	[tilespmem:s18], [sflag:$0x3] =	stream.indirect.gather [hbm4b:s6+s16], $0x20, s16, s16, $0xb8;
	[tilespmem:$0x1D400] =	vst v63  }
0x51: {  	_ =	swait.ge [sflag:s19], $0x2000  }
0x52: {  	[sflag:s19] =	ssyncset.done $0x0  }
0x53: {  	[sflag:s19] =	ssyncadd.s32 $0xFFFFE000  }
0x54: {  	[spmem:s4] =	stream.indirect.scatter.add.f32 [tilespmem:s17], [sflag:$0x4], $0x20, s20, s16, $0xb8;
	[tilespmem:$0x1D400] =	vst v63  }
0x55: {  	_ =	swait.ge [sflag:s21], $0x2000  }
0x56: {  	[sflag:s21] =	ssyncset.done $0x0  }
0x57: {  	[sflag:s21] =	ssyncadd.s32 $0xFFFFE000  }
0x58: {  	[spmem:s4] =	stream.indirect.scatter.add.f32 [tilespmem:s18], [sflag:$0x4], $0x20, s22, s16, $0xb8;
	[tilespmem:$0x1D400] =	vst v63  }
.Ltmp3:
0x59: {  	_ =	swait.ge [sflag:s23], $0x2000;
	(pc) =	sbr.rel @p1 .LBB2_6-.Ltmp3, $4  }
0x5a: {  	[sflag:s23] =	ssyncset.done $0x0  }
0x5b: {  	[sflag:s23] =	ssyncadd.s32 $0xFFFFE000  }
0x5c: {  	_ =	swait.ge [sflag:s23], $0x2000  }
0x5d: {  	s26 =	smov.u32 s29;
	[sflag:s23] =	ssyncset.done $0x0  }
.Ltmp4:
0x5e: {  	_ = 	snop;
	(pc) =	sbr.rel .LBB2_7-.Ltmp4, $1  }
0x5f: {  	_ =	sdelay $0x3  }
.LBB2_2:
0x60: {  	[tilespmem:s5], [sflag:$0x1] =	stream.linear.gather [hbm4b:s25+s5], $0x400, $0x38;
	[tilespmem:$0x1D400] =	vst v63  }
0x61: {  	_ =	swait.ge [sflag:s15], $0x400  }
0x62: {  	[sflag:s15] =	ssyncset.done $0x0  }
0x63: {  	[sflag:s15] =	ssyncadd.s32 $0xFFFFFC00  }
0x64: {  	[tilespmem:s17], [sflag:$0x2] =	stream.indirect.gather [hbm4b:s1+s16], $0x20, s5, s16, $0xb8;
	[tilespmem:$0x1D400] =	vst v63  }
0x65: {  	_ = 	snop  }
0x66: {  	[tilespmem:s18], [sflag:$0x3] =	stream.indirect.gather [hbm4b:s1+s16], $0x20, s16, s16, $0xb8;
	[tilespmem:$0x1D400] =	vst v63  }
0x67: {  	_ =	swait.ge [sflag:s19], $0x2000  }
0x68: {  	[sflag:s19] =	ssyncset.done $0x0  }
0x69: {  	[sflag:s19] =	ssyncadd.s32 $0xFFFFE000  }
0x6a: {  	[spmem:s4] =	stream.indirect.scatter.add.f32 [tilespmem:s17], [sflag:$0x4], $0x20, s20, s16, $0xb8;
	[tilespmem:$0x1D400] =	vst v63  }
0x6b: {  	_ =	swait.ge [sflag:s21], $0x2000  }
0x6c: {  	[sflag:s21] =	ssyncset.done $0x0  }
0x6d: {  	[sflag:s21] =	ssyncadd.s32 $0xFFFFE000  }
0x6e: {  	[spmem:s4] =	stream.indirect.scatter.add.f32 [tilespmem:s18], [sflag:$0x4], $0x20, s22, s16, $0xb8;
	[tilespmem:$0x1D400] =	vst v63  }
0x6f: {  	_ =	swait.ge [sflag:s23], $0x2000  }
0x70: {  	[sflag:s23] =	ssyncset.done $0x0  }
0x71: {  	[sflag:s23] =	ssyncadd.s32 $0xFFFFE000  }
0x72: {  	_ =	swait.ge [sflag:s23], $0x2000  }
0x73: {  	s25 =	simm.s32 $0x80;
	s26 =	simm.s32 $0x100;
	[sflag:s23] =	ssyncset.done $0x0  }
.LBB2_3:
0x74: {  	s28 =	sadd.s32 s25, s12  }
0x75: {  	[sflag:s23] =	ssyncadd.s32 $0xFFFFE000;
	s25 =	smov.u32 s26;
	s29 =	sadd.s32 $0x80, s26  }
0x76: {  	[tilespmem:s5], [sflag:$0x1] =	stream.linear.gather [hbm4b:s28+s5], $0x400, $0x38;
	[tilespmem:$0x1D400] =	vst v63  }
0x77: {  	p1 =	seq.s32 s26, $0x3080;
	_ =	swait.ge [sflag:s15], $0x400  }
0x78: {  	[sflag:s15] =	ssyncset.done $0x0  }
0x79: {  	[sflag:s15] =	ssyncadd.s32 $0xFFFFFC00  }
0x7a: {  	[tilespmem:s17], [sflag:$0x2] =	stream.indirect.gather [hbm4b:s1+s16], $0x20, s5, s16, $0xb8;
	[tilespmem:$0x1D400] =	vst v63  }
0x7b: {  	_ = 	snop  }
0x7c: {  	[tilespmem:s18], [sflag:$0x3] =	stream.indirect.gather [hbm4b:s1+s16], $0x20, s16, s16, $0xb8;
	[tilespmem:$0x1D400] =	vst v63  }
0x7d: {  	_ =	swait.ge [sflag:s19], $0x2000  }
0x7e: {  	[sflag:s19] =	ssyncset.done $0x0  }
0x7f: {  	[sflag:s19] =	ssyncadd.s32 $0xFFFFE000  }
0x80: {  	[spmem:s4] =	stream.indirect.scatter.add.f32 [tilespmem:s17], [sflag:$0x4], $0x20, s20, s16, $0xb8;
	[tilespmem:$0x1D400] =	vst v63  }
0x81: {  	_ =	swait.ge [sflag:s21], $0x2000  }
0x82: {  	[sflag:s21] =	ssyncset.done $0x0  }
0x83: {  	[sflag:s21] =	ssyncadd.s32 $0xFFFFE000  }
0x84: {  	[spmem:s4] =	stream.indirect.scatter.add.f32 [tilespmem:s18], [sflag:$0x4], $0x20, s22, s16, $0xb8;
	[tilespmem:$0x1D400] =	vst v63  }
.Ltmp5:
0x85: {  	_ =	swait.ge [sflag:s23], $0x2000;
	(pc) =	sbr.rel @!p1 .LBB2_3-.Ltmp5, $4  }
0x86: {  	[sflag:s23] =	ssyncset.done $0x0  }
0x87: {  	[sflag:s23] =	ssyncadd.s32 $0xFFFFE000  }
0x88: {  	_ =	swait.ge [sflag:s23], $0x2000  }
0x89: {  	s26 =	smov.u32 s29;
	[sflag:s23] =	ssyncset.done $0x0  }
0x8a: {  	s25 =	sadd.s32 s25, s12;
	[sflag:s23] =	ssyncadd.s32 $0xFFFFE000  }
0x8b: {  	[tilespmem:s5], [sflag:$0x1] =	stream.linear.gather [hbm4b:s25+s5], $0x400, $0x38;
	[tilespmem:$0x1D400] =	vst v63  }
0x8c: {  	_ =	swait.ge [sflag:s15], $0x400  }
0x8d: {  	[sflag:s15] =	ssyncset.done $0x0  }
0x8e: {  	[sflag:s15] =	ssyncadd.s32 $0xFFFFFC00  }
0x8f: {  	[tilespmem:s17], [sflag:$0x2] =	stream.indirect.gather [hbm4b:s1+s16], $0x20, s5, s16, $0xb8;
	[tilespmem:$0x1D400] =	vst v63  }
0x90: {  	_ = 	snop  }
0x91: {  	[tilespmem:s18], [sflag:$0x3] =	stream.indirect.gather [hbm4b:s1+s16], $0x20, s16, s16, $0xb8;
	[tilespmem:$0x1D400] =	vst v63  }
0x92: {  	_ =	swait.ge [sflag:s19], $0x2000  }
0x93: {  	[sflag:s19] =	ssyncset.done $0x0  }
0x94: {  	[sflag:s19] =	ssyncadd.s32 $0xFFFFE000  }
0x95: {  	[spmem:s4] =	stream.indirect.scatter.add.f32 [tilespmem:s17], [sflag:$0x4], $0x20, s20, s16, $0xb8;
	[tilespmem:$0x1D400] =	vst v63  }
0x96: {  	_ =	swait.ge [sflag:s21], $0x2000  }
0x97: {  	[sflag:s21] =	ssyncset.done $0x0  }
0x98: {  	[sflag:s21] =	ssyncadd.s32 $0xFFFFE000  }
0x99: {  	[spmem:s4] =	stream.indirect.scatter.add.f32 [tilespmem:s18], [sflag:$0x4], $0x20, s22, s16, $0xb8;
	[tilespmem:$0x1D400] =	vst v63  }
0x9a: {  	_ =	swait.ge [sflag:s23], $0x2000  }
.Ltmp6:
0x9b: {  	[sflag:s23] =	ssyncset.done $0x0;
	(pc) =	sbr.rel .LBB2_8-.Ltmp6, $4  }
0x9c: {  	[sflag:s23] =	ssyncadd.s32 $0xFFFFE000  }
0x9d: {  	_ =	swait.ge [sflag:s23], $0x2000  }
0x9e: {  	[sflag:s23] =	ssyncset.done $0x0  }
0x9f: {  	s25 =	smov.u32 s7;
	[sflag:s23] =	ssyncadd.s32 $0xFFFFE000  }
.LBB2_9:
0xa0: {  	_ =	sfence.sel $0x180000  }
0xa1: {  	[bflag:$0x0] =	sbarrier.arrive $0xFFFF  }
0xa2: {  	p0 =	sne.s32 s3, $0x0;
	_ =	strace $0x90000050  }
0xa3: {  	s0 =	sadd.s32 @!p0 $0x100000, s0;
	[bflag:$0x2] =	sbarrier.arrive $0xFFFF  }
0xa4: {  	[sflag:s0] =	ssyncadd.tile.s32 @!p0 $0x1;
	_ =	shalt  }
.Lfunc_end2:
_tile_overlayer_lowered:
.L_overlay_start_2:
0xa5: {  	(tag) =	ssettag $0x2  }
0xa6: {  	s0 =	rddreg [dreg:$0x0];
	s2 =	stileid.u32  }
0xa7: {  	s1 =	rddreg [dreg:$0x1];
	p0 =	sne.s32 s2, $0x0  }
0xa8: {  	s3 =	rddreg [dreg:$0x2];
	[bflag:$0x3] =	sbarrier.arrive $0xFFFF;
	s2 =	simm.s32 @!p0 $0x1C05  }
0xa9: {  	[timem:s3], [sflag:s2] =	dma.local @!p0 [hbm:s0], s1  }
0xaa: {  	s0 =	simm.s32 @!p0 $0x5  }
0xab: {  	_ =	swait.ge @!p0 [sflag:s0], s1  }
0xac: {  	s1 =	ssub.s32 @!p0 $0x0, s1;
	[sflag:s0] =	ssyncset.done @!p0 $0x0  }
0xad: {  	[sflag:s0] =	ssyncadd.s32 @!p0 s1  }
0xae: {  	[bflag:$0x3] =	sbarrier.arrive $0xFFFF  }
0xaf: {  	_ =	shalt  }

// kernel: kernel.28.cloned.1.call-start
scs
__scs_entry_jumppad:
0x0: {  	(pc) =	sbr.rel $0x88, $3  }
0x1: {  	(tag) =	ssettag $0x0;
	lr =	simm.s32 $0x1  }
0x2: {  	[smem:$0x3F8D] =	sst lr;
	_ =	strace $0xD0000000  }
0x3: {  	_ = 	snop  }
0x4: {  	_ = 	snop  }
0x5: {  	_ = 	snop  }
0x6: {  	_ = 	snop  }
0x7: {  	_ = 	snop  }
__scs_overlays_trampoline_lowered:
0x8: {  	[smem:$0x3F9C] =	sst s0  }
0x9: {  	[smem:$0x3F9D] =	sst s1  }
0xa: {  	[smem:$0x3F9E] =	sst s2  }
0xb: {  	[smem:$0x3F9F] =	sst s3  }
0xc: {  	[smem:$0x3FA0] =	sst s4  }
0xd: {  	[smem:$0x3FA1] =	sst s5  }
0xe: {  	[smem:$0x3FA2] =	sst s6  }
0xf: {  	[smem:$0x3FA3] =	sst s7  }
0x10: {  	[smem:$0x3FA4] =	sst s8  }
0x11: {  	[smem:$0x3FA5] =	sst s9;
	s0 =	simm.s32 @!p0 $0x0  }
0x12: {  	s1 =	sld [smem:$0x3F8B];
	s0 =	simm.s32 @p0 $0x1  }
0x13: {  	[smem:$0x3FA6] =	sst s0;
	s0 =	simm.s32 @!p1 $0x0  }
0x14: {  	s2 =	sld [smem:$0x3F8A];
	s0 =	simm.s32 @p1 $0x1  }
0x15: {  	[smem:$0x3FA7] =	sst s0;
	s0 =	simm.s32 @!p2 $0x0  }
0x16: {  	s3 =	sld [smem:$0x3FDB];
	s0 =	simm.s32 @p2 $0x1  }
0x17: {  	s4 =	simm.s32 $0x1BF5;
	[smem:$0x3FA9] =	sst s0  }
0x18: {  	s0 =	sld [smem:$0x3F8C];
	_ =	swait.ge [sflag:s4], $0x0  }
0x19: {  	s7 =	sld [smem:$0x3F8D]  }
0x1a: {  	s8 =	sadd.s32 $0xFFFFE003, lr  }
0x1b: {  	s9 =	sadd.s32 $0xFFFFFEF7, lr;
	s5 =	simm.s32 $0xFFFFFFFF;
	p2 =	slt.u32 s8, $0xFFFFF086  }
0x1c: {  	p1 =	slt.u32 s9, $0xF7A;
	s5 =	simm.s32 @!p2 $0x0  }
0x1d: {  	s5 =	simm.s32 @p1 $0x1;
	p0 =	seq.s32 s7, s2  }
0x1e: {  	s7 =	smul.u32 @!p0 $0xF7A, s2;
	p2 =	seq.s32 @!p0 s5, $0x0  }
0x1f: {  	s9 =	smul.u32 $0xF7A, s1;
	s8 =	simm.s32 @!p0 $0x1BF5;
	p2 =	por !p2, p0  }
0x20: {  	[sflag:s8] =	ssyncset.s32 @!p0 $0xFFFFF086;
	s6 =	sadd.s32 @!p0 s3, s7;
	s7 =	simm.s32 @!p0 $0x108  }
0x21: {  	s3 =	sadd.s32 s3, s9;
	s6 =	sadd.s32 @!p0 $0x88, s6;
	s7 =	simm.s32 @p2 $0x1082  }
0x22: {  	[simem:s7], [sflag:s8] =	dma.local @!p0 [hbm:s6], $0xF7A  }
0x23: {  	s9 =	sor.u32 $0xD0000000, s2;
	s6 =	simm.s32 $0x108;
	_ =	swait.ge @!p0 [sflag:s8], $0x0  }
0x24: {  	s3 =	sadd.s32 $0x88, s3;
	s6 =	simm.s32 @!p1 $0x1082;
	[sflag:s4] =	ssyncset.s32 $0xFFFFF086  }
0x25: {  	[simem:s6], [sflag:s4] =	dma.local [hbm:s3], $0xF7A  }
0x26: {  	[smem:$0x3F8D] =	sst s1;
	(tag) =	ssettag s2;
	_ =	strace s9  }
0x27: {  	s1 =	sld [smem:$0x3F9D]  }
0x28: {  	s2 =	sld [smem:$0x3F9E]  }
0x29: {  	s4 =	sld [smem:$0x3FA0]  }
0x2a: {  	p0 =	seq.s32 s5, $0x0;
	s5 =	sld [smem:$0x3FA1]  }
0x2b: {  	s6 =	sld [smem:$0x3FA2]  }
0x2c: {  	s7 =	sld [smem:$0x3FA3]  }
0x2d: {  	s3 =	simm.s32 $0x108;
	s8 =	sld [smem:$0x3FA4]  }
0x2e: {  	s3 =	simm.s32 @!p0 $0x1082;
	s9 =	sld [smem:$0x3FA5]  }
0x2f: {  	lr =	sadd.s32 s0, s3;
	s0 =	sld [smem:$0x3F9C]  }
0x30: {  	s3 =	sld [smem:$0x3F9F]  }
0x31: {  	[smem:$0x3FA8] =	sst s10  }
0x32: {  	s10 =	sld [smem:$0x3FA6];
	_ =	sdelay $0x3  }
0x33: {  	p0 =	seq.s32 s10, $0x1;
	s10 =	sld [smem:$0x3FA8];
	_ =	sdelay $0x3  }
0x34: {  	[smem:$0x3FA8] =	sst s10  }
0x35: {  	s10 =	sld [smem:$0x3FA7];
	_ =	sdelay $0x3  }
0x36: {  	p1 =	seq.s32 s10, $0x1;
	s10 =	sld [smem:$0x3FA8];
	_ =	sdelay $0x3  }
0x37: {  	[smem:$0x3FA8] =	sst s10  }
0x38: {  	s10 =	sld [smem:$0x3FA9]  }
0x39: {  	_ = 	snop;
	(pc) =	sbr.ind lr, $3  }
0x3a: {  	_ = 	snop  }
0x3b: {  	_ = 	snop  }
0x3c: {  	p2 =	seq.s32 s10, $0x1;
	s10 =	sld [smem:$0x3FA8]  }
0x3d: {  	_ =	shalt  }
0x3e: {  	_ =	shalt  }
0x3f: {  	_ =	shalt  }
0x40: {  	_ =	shalt  }
0x41: {  	_ =	shalt  }
0x42: {  	_ =	shalt  }
0x43: {  	_ =	shalt  }
0x44: {  	_ =	shalt  }
0x45: {  	_ =	shalt  }
0x46: {  	_ =	shalt  }
0x47: {  	_ =	shalt  }
0x48: {  	_ =	shalt  }
0x49: {  	_ =	shalt  }
0x4a: {  	_ =	shalt  }
0x4b: {  	_ =	shalt  }
0x4c: {  	_ =	shalt  }
0x4d: {  	_ =	shalt  }
0x4e: {  	_ =	shalt  }
0x4f: {  	_ =	shalt  }
0x50: {  	_ =	shalt  }
0x51: {  	_ =	shalt  }
0x52: {  	_ =	shalt  }
0x53: {  	_ =	shalt  }
0x54: {  	_ =	shalt  }
0x55: {  	_ =	shalt  }
0x56: {  	_ =	shalt  }
0x57: {  	_ =	shalt  }
0x58: {  	_ =	shalt  }
0x59: {  	_ =	shalt  }
0x5a: {  	_ =	shalt  }
0x5b: {  	_ =	shalt  }
0x5c: {  	_ =	shalt  }
0x5d: {  	_ =	shalt  }
0x5e: {  	_ =	shalt  }
0x5f: {  	_ =	shalt  }
0x60: {  	_ =	shalt  }
0x61: {  	_ =	shalt  }
0x62: {  	_ =	shalt  }
0x63: {  	_ =	shalt  }
0x64: {  	_ =	shalt  }
0x65: {  	_ =	shalt  }
0x66: {  	_ =	shalt  }
0x67: {  	_ =	shalt  }
0x68: {  	_ =	shalt  }
0x69: {  	_ =	shalt  }
0x6a: {  	_ =	shalt  }
0x6b: {  	_ =	shalt  }
0x6c: {  	_ =	shalt  }
0x6d: {  	_ =	shalt  }
0x6e: {  	_ =	shalt  }
0x6f: {  	_ =	shalt  }
0x70: {  	_ =	shalt  }
0x71: {  	_ =	shalt  }
0x72: {  	_ =	shalt  }
0x73: {  	_ =	shalt  }
0x74: {  	_ =	shalt  }
0x75: {  	_ =	shalt  }
0x76: {  	_ =	shalt  }
0x77: {  	_ =	shalt  }
0x78: {  	_ =	shalt  }
0x79: {  	_ =	shalt  }
0x7a: {  	_ =	shalt  }
0x7b: {  	_ =	shalt  }
0x7c: {  	_ =	shalt  }
0x7d: {  	_ =	shalt  }
0x7e: {  	_ =	shalt  }
0x7f: {  	_ =	shalt  }
0x80: {  	_ =	shalt  }
0x81: {  	_ =	shalt  }
0x82: {  	_ =	shalt  }
0x83: {  	_ =	shalt  }
0x84: {  	_ =	shalt  }
0x85: {  	_ =	shalt  }
0x86: {  	_ =	shalt  }
0x87: {  	_ =	shalt  }
.Lfunc_end0:
.L_simem_size_0:
called_computation.4_lowered:
.L_overlay_start_0:
0x88: {  	s2 =	sld [smem:$0x3FD9]  }
0x89: {  	s3 =	sld [smem:$0x3FFE];
	_ =	sdelay $0x1  }
0x8a: {  	s1 =	srdreg.scid  }
0x8b: {  	s0 =	sand.u32 $0x1, s1  }
0x8c: {  	s14 =	sshll.u32 s0, $0xA;
	s2 =	sadd.s32 s3, s2  }
0x8d: {  	s2 =	sadd.s32 s2, s14  }
0x8e: {  	[smem:$0x3FB4] =	sst s2  }
0x8f: {  	_ = 	snop  }
0x90: {  	s2 =	sld [smem:$0x3FD0];
	_ =	sdelay $0x2  }
0x91: {  	s15 =	simm.s32 $0xA;
	s4 =	simm.s32 $0x10  }
0x92: {  	[smem:s4], [sflag:s15] =	dma.local [hbm:s2], $0x1  }
0x93: {  	_ =	swait.eq [sflag:s15], $0x1  }
0x94: {  	[sflag:s15] =	ssyncset.done $0x0  }
0x95: {  	s16 =	sld [smem:$0x10];
	[sflag:s15] =	ssyncadd.s32 $0xFFFFFFFF  }
0x96: {  	s17 =	sld [smem:$0x11];
	(tm) =	ssettm $0x1  }
0x97: {  	s18 =	sld [smem:$0x3FFB];
	_ =	sdelay $0x3  }
0x98: {  	_ =	strace s18  }
0x99: {  	s4 =	sld [smem:$0x3FFC];
	_ =	sdelay $0x3  }
0x9a: {  	_ =	strace s4  }
0x9b: {  	s4 =	sld [smem:$0x3FFD];
	_ =	sdelay $0x3  }
0x9c: {  	_ =	strace s4  }
0x9d: {  	_ =	strace $0x8FFFFFFF  }
0x9e: {  	s19 =	sld [smem:$0x3FDB];
	_ =	sdelay $0x1  }
0x9f: {  	s5 =	simm.s32 $_scs_section_size  }
0xa0: {  	s6 =	simm.s32 $_size__tile_overlayer_lowered;
	s7 =	simm.s32 $_tile_overlayer_lowered  }
0xa1: {  	s22 =	simm.s32 $0x1BFF;
	s21 =	sshll.u32 s7, $0x1;
	s4 =	sadd.s32 s5, s19  }
0xa2: {  	s8 =	simm.s32 $0x0;
	s20 =	sshll.u32 s6, $0x1;
	s6 =	sadd.s32 s21, s4  }
0xa3: {  	[timem:s8], [sflag:s22] =	dma.local [hbm:s6], s20  }
0xa4: {  	_ =	swait.ge [sflag:s22], s20  }
0xa5: {  	s5 =	ssub.s32 $0x0, s20;
	[sflag:s22] =	ssyncset.done $0x0  }
0xa6: {  	[sflag:s22] =	ssyncadd.s32 s5;
	_ =	sdelay $0x1  }
0xa7: {  	s23 =	simm.s32 $0x1B8B  }
0xa8: {  	_ =	swait.ge [sflag:s23], $0x1  }
0xa9: {  	[sflag:s23] =	ssyncset.done $0x0  }
0xaa: {  	s25 =	simm.s32 $0x1B8E;
	s24 =	sld [smem:$0x3FFE];
	[sflag:s23] =	ssyncadd.s32 $0xFFFFFFFF  }
0xab: {  	s26 =	simm.s32 $execute0_lowered;
	[smem:$0x3FD2] =	sst s25  }
0xac: {  	s6 =	sshll.u32 s26, $0x1;
	_ =	strace $0x80000052;
	[dreg:$0x1] =	wrdreg $0xFFFFFFFF  }
0xad: {  	s28 =	simm.s32 $_size_execute0_lowered;
	s4 =	sadd.s32 s4, s6;
	[dreg:$0x0] =	wrdreg $0x0  }
0xae: {  	s6 =	sshll.u32 s28, $0x1;
	[dreg:$0x2] =	wrdreg s4  }
0xaf: {  	[dreg:$0x3] =	wrdreg s6  }
0xb0: {  	[dreg:$0x4] =	wrdreg $0xC0  }
0xb1: {  	_ =	task [dreg:s8], $0x5FFFF  }
0xb2: {  	[dreg:$0x1] =	wrdreg $0xFFFFFFFF  }
0xb3: {  	[dreg:$0x0] =	wrdreg $0x60  }
0xb4: {  	[dreg:$0x2] =	wrdreg s24  }
0xb5: {  	[dreg:$0x3] =	wrdreg s16  }
0xb6: {  	[dreg:$0x4] =	wrdreg s17  }
0xb7: {  	[dreg:$0x5] =	wrdreg $0x24000  }
0xb8: {  	[dreg:$0x6] =	wrdreg $0x9  }
0xb9: {  	_ =	task.clear_ibuf [dreg:s8], $0x7FFFF;
	_ =	strace $0x90000052  }
0xba: {  	s29 =	simm.s32 $0x9;
	_ =	strace $0x80000054  }
0xbb: {  	_ =	swait.ge [sflag:s29], $0x1  }
0xbc: {  	[sflag:s29] =	ssyncadd.s32 $0xFFFFFFFF  }
0xbd: {  	_ =	strace $0x90000054  }
0xbe: {  	_ =	sfence  }
0xbf: {  	s30 =	sld [smem:$0x0];
	_ =	sdelay $0x2  }
0xc0: {  	s31 =	sshll.u32 s1, $0xD;
	s1 =	sshrl.u32 s1, $0x2  }
0xc1: {  	s3 =	sand.u32 $0x4000, s31;
	s1 =	sadd.s32 s1, s30  }
0xc2: {  	s0 =	sor.u32 s3, s0;
	s1 =	sshll.u32 s1, $0x11  }
0xc3: {  	s0 =	sor.u32 s1, s0  }
0xc4: {  	s0 =	sadd.s32 $0x8F2B, s0  }
0xc5: {  	[sflag:s0] =	ssyncadd.remote.s32 $0x1  }
0xc6: {  	_ =	sfence.sel $0xFFFF  }
0xc7: {  	[dreg:$0x0] =	wrdreg $0xFFFFFFFF;
	(pc) =	sbr.abs _section_cstart, $3  }
0xc8: {  	[dreg:$0x1] =	wrdreg $0xFFFFFFFF  }
0xc9: {  	_ =	task.clear_ibuf [dreg:s8], $0x2FFFF;
	_ =	strace $0x9FFFFFFF  }
0xca: {  	(tm) =	ssettm $0x7FFFFFFF  }
0xcb: {  	_ =	shalt  }
tec
execute0_lowered:
.L_overlay_start_1:
0x0: {  	(tag) =	ssettag $0x1  }
0x1: {  	s8 =	rddreg [dreg:$0x0]  }
0x2: {  	s1 =	rddreg [dreg:$0x1]  }
0x3: {  	s2 =	rddreg [dreg:$0x2]  }
0x4: {  	s4 =	rddreg [dreg:$0x3]  }
0x5: {  	s0 =	rddreg [dreg:$0x4];
	s5 =	simm.s32 $0x0;
	s3 =	stileid.u32  }
0x6: {  	s6 =	srdreg.scid;
	s15 =	simm.s32 $0x1;
	s16 =	simm.s32 $0x100  }
0x7: {  	s17 =	simm.s32 $0x400;
	s18 =	simm.s32 $0x1400;
	s19 =	simm.s32 $0x2  }
0x8: {  	s20 =	simm.s32 $0x200;
	s21 =	simm.s32 $0x3;
	s22 =	simm.s32 $0x300  }
0x9: {  	s23 =	simm.s32 $0x4;
	s24 =	simm.s32 $0x0;
	[smem:$0x7FF] =	sst s5  }
0xa: {  	s9 =	smul.u32 $0x3100, s3;
	s10 =	sand.u32 $0x1, s6;
	s6 =	sadd.s32 $0x113200, s8  }
0xb: {  	s7 =	sadd.s32 $0xFAA00, s8;
	s13 =	smul.u32 $0xC800, s3;
	s31 =	sshll.u32 s3, $0x6  }
.Ltmp0:
0xc: {  	_ =	strace $0x80000053;
	s11 =	ssub.s32 $0x2, s10;
	(pc) =	sbr.rel .LBB2_1-.Ltmp0, $4  }
0xd: {  	p0 =	seq.s32 s10, $0x1;
	s12 =	sadd.s32 s9, s8;
	s30 =	sshrl.u32 s11, $0x1  }
0xe: {  	s8 =	sadd.s32 $0x12BA00, s8;
	s14 =	sadd.s32 s13, s4;
	s9 =	sor.u32 $0x1C05, s31  }
0xf: {  	s10 =	sshrl.u32 s13, $0x3;
	s11 =	ssub.s32 s11, s30;
	s12 =	sadd.s32 $0x6400, s12  }
0x10: {  	s13 =	sshrl.u32 s14, $0x3;
	s14 =	simm.s32 $0x5;
	s11 =	smax.u32 s11, $0x1  }
.LBB2_7:
0x11: {  	s25 =	sadd.s32 s25, s12;
	[sflag:s23] =	ssyncadd.s32 $0xFFFFF000  }
0x12: {  	[tilespmem:s5], [sflag:$0x1] =	stream.linear.gather [hbm4b:s25+s5], $0x400, $0x38;
	[tilespmem:$0xEC00] =	vst v63  }
0x13: {  	_ =	swait.ge [sflag:s15], $0x400  }
0x14: {  	[sflag:s15] =	ssyncset.done $0x0  }
0x15: {  	[sflag:s15] =	ssyncadd.s32 $0xFFFFFC00  }
0x16: {  	[tilespmem:s17], [sflag:$0x2] =	stream.indirect.gather [hbm4b:s7+s16], $0x10, s5, s16, $0xb8;
	[tilespmem:$0xEC00] =	vst v63  }
0x17: {  	_ = 	snop  }
0x18: {  	[tilespmem:s18], [sflag:$0x3] =	stream.indirect.gather [hbm4b:s7+s16], $0x10, s16, s16, $0xb8;
	[tilespmem:$0xEC00] =	vst v63  }
0x19: {  	_ =	swait.ge [sflag:s19], $0x1000  }
0x1a: {  	[sflag:s19] =	ssyncset.done $0x0  }
0x1b: {  	[sflag:s19] =	ssyncadd.s32 $0xFFFFF000  }
0x1c: {  	[spmem:s4] =	stream.indirect.scatter.add.f32 [tilespmem:s17], [sflag:$0x4], $0x10, s20, s16, $0xb8;
	[tilespmem:$0xEC00] =	vst v63  }
0x1d: {  	_ =	swait.ge [sflag:s21], $0x1000  }
0x1e: {  	[sflag:s21] =	ssyncset.done $0x0  }
0x1f: {  	[sflag:s21] =	ssyncadd.s32 $0xFFFFF000  }
0x20: {  	[spmem:s4] =	stream.indirect.scatter.add.f32 [tilespmem:s18], [sflag:$0x4], $0x10, s22, s16, $0xb8;
	[tilespmem:$0xEC00] =	vst v63  }
0x21: {  	_ =	swait.ge [sflag:s23], $0x1000  }
0x22: {  	[sflag:s23] =	ssyncset.done $0x0  }
0x23: {  	[sflag:s23] =	ssyncadd.s32 $0xFFFFF000  }
0x24: {  	_ =	swait.ge [sflag:s23], $0x1000  }
0x25: {  	[sflag:s23] =	ssyncset.done $0x0  }
0x26: {  	s25 =	smov.u32 s8;
	[sflag:s23] =	ssyncadd.s32 $0xFFFFF000  }
.LBB2_8:
0x27: {  	s24 =	sadd.s32 $0x1, s24  }
0x28: {  	p1 =	sne.s32 s24, s11  }
.Ltmp1:
0x29: {  	s25 =	sadd.s32 s25, s10;
	[bflag:$0x0] =	sbarrier.arrive $0xFFFF;
	(pc) =	sbr.rel @!p1 .LBB2_9-.Ltmp1, $4  }
0x2a: {  	[hbm:s25], [sflag:s9] =	dma.local [spmem:s13], $0x1900  }
0x2b: {  	_ =	swait.ge [sflag:s14], $0x1900  }
0x2c: {  	[sflag:s14] =	ssyncset.done $0x0  }
0x2d: {  	[sflag:s14] =	ssyncadd.s32 $0xFFFFE700  }
.LBB2_1:
0x2e: {  	[spmem:s13], [sflag:s9] =	dma.local [hbm:s1], $0x1900  }
.Ltmp2:
0x2f: {  	_ =	swait.ge [sflag:s14], $0x1900;
	(pc) =	sbr.rel @!p0 .LBB2_2-.Ltmp2, $4  }
0x30: {  	[sflag:s14] =	ssyncset.done $0x0  }
0x31: {  	[sflag:s14] =	ssyncadd.s32 $0xFFFFE700  }
0x32: {  	[bflag:$0x0] =	sbarrier.arrive $0xFFFF  }
0x33: {  	s25 =	sadd.s32 $0x0, s12  }
0x34: {  	[tilespmem:s5], [sflag:$0x1] =	stream.linear.gather [hbm4b:s25+s5], $0x400, $0x38;
	[tilespmem:$0xEC00] =	vst v63  }
0x35: {  	_ =	swait.ge [sflag:s15], $0x400  }
0x36: {  	[sflag:s15] =	ssyncset.done $0x0  }
0x37: {  	[sflag:s15] =	ssyncadd.s32 $0xFFFFFC00  }
0x38: {  	[tilespmem:s17], [sflag:$0x2] =	stream.indirect.gather [hbm4b:s7+s16], $0x10, s5, s16, $0xb8;
	[tilespmem:$0xEC00] =	vst v63  }
0x39: {  	_ = 	snop  }
0x3a: {  	[tilespmem:s18], [sflag:$0x3] =	stream.indirect.gather [hbm4b:s7+s16], $0x10, s16, s16, $0xb8;
	[tilespmem:$0xEC00] =	vst v63  }
0x3b: {  	_ =	swait.ge [sflag:s19], $0x1000  }
0x3c: {  	[sflag:s19] =	ssyncset.done $0x0  }
0x3d: {  	[sflag:s19] =	ssyncadd.s32 $0xFFFFF000  }
0x3e: {  	[spmem:s4] =	stream.indirect.scatter.add.f32 [tilespmem:s17], [sflag:$0x4], $0x10, s20, s16, $0xb8;
	[tilespmem:$0xEC00] =	vst v63  }
0x3f: {  	_ =	swait.ge [sflag:s21], $0x1000  }
0x40: {  	[sflag:s21] =	ssyncset.done $0x0  }
0x41: {  	[sflag:s21] =	ssyncadd.s32 $0xFFFFF000  }
0x42: {  	[spmem:s4] =	stream.indirect.scatter.add.f32 [tilespmem:s18], [sflag:$0x4], $0x10, s22, s16, $0xb8;
	[tilespmem:$0xEC00] =	vst v63  }
0x43: {  	_ =	swait.ge [sflag:s23], $0x1000  }
0x44: {  	[sflag:s23] =	ssyncset.done $0x0  }
0x45: {  	[sflag:s23] =	ssyncadd.s32 $0xFFFFF000  }
0x46: {  	_ =	swait.ge [sflag:s23], $0x1000  }
0x47: {  	s25 =	simm.s32 $0x80;
	s26 =	simm.s32 $0x100;
	[sflag:s23] =	ssyncset.done $0x0  }
.LBB2_6:
0x48: {  	s28 =	sadd.s32 s25, s12  }
0x49: {  	[sflag:s23] =	ssyncadd.s32 $0xFFFFF000;
	s25 =	smov.u32 s26;
	s29 =	sadd.s32 $0x80, s26  }
0x4a: {  	[tilespmem:s5], [sflag:$0x1] =	stream.linear.gather [hbm4b:s28+s5], $0x400, $0x38;
	[tilespmem:$0xEC00] =	vst v63  }
0x4b: {  	p1 =	sne.s32 s26, $0x3080;
	_ =	swait.ge [sflag:s15], $0x400  }
0x4c: {  	[sflag:s15] =	ssyncset.done $0x0  }
0x4d: {  	[sflag:s15] =	ssyncadd.s32 $0xFFFFFC00  }
0x4e: {  	[tilespmem:s17], [sflag:$0x2] =	stream.indirect.gather [hbm4b:s7+s16], $0x10, s5, s16, $0xb8;
	[tilespmem:$0xEC00] =	vst v63  }
0x4f: {  	_ = 	snop  }
0x50: {  	[tilespmem:s18], [sflag:$0x3] =	stream.indirect.gather [hbm4b:s7+s16], $0x10, s16, s16, $0xb8;
	[tilespmem:$0xEC00] =	vst v63  }
0x51: {  	_ =	swait.ge [sflag:s19], $0x1000  }
0x52: {  	[sflag:s19] =	ssyncset.done $0x0  }
0x53: {  	[sflag:s19] =	ssyncadd.s32 $0xFFFFF000  }
0x54: {  	[spmem:s4] =	stream.indirect.scatter.add.f32 [tilespmem:s17], [sflag:$0x4], $0x10, s20, s16, $0xb8;
	[tilespmem:$0xEC00] =	vst v63  }
0x55: {  	_ =	swait.ge [sflag:s21], $0x1000  }
0x56: {  	[sflag:s21] =	ssyncset.done $0x0  }
0x57: {  	[sflag:s21] =	ssyncadd.s32 $0xFFFFF000  }
0x58: {  	[spmem:s4] =	stream.indirect.scatter.add.f32 [tilespmem:s18], [sflag:$0x4], $0x10, s22, s16, $0xb8;
	[tilespmem:$0xEC00] =	vst v63  }
.Ltmp3:
0x59: {  	_ =	swait.ge [sflag:s23], $0x1000;
	(pc) =	sbr.rel @p1 .LBB2_6-.Ltmp3, $4  }
0x5a: {  	[sflag:s23] =	ssyncset.done $0x0  }
0x5b: {  	[sflag:s23] =	ssyncadd.s32 $0xFFFFF000  }
0x5c: {  	_ =	swait.ge [sflag:s23], $0x1000  }
0x5d: {  	s26 =	smov.u32 s29;
	[sflag:s23] =	ssyncset.done $0x0  }
.Ltmp4:
0x5e: {  	_ = 	snop;
	(pc) =	sbr.rel .LBB2_7-.Ltmp4, $1  }
0x5f: {  	_ =	sdelay $0x3  }
.LBB2_2:
0x60: {  	[tilespmem:s5], [sflag:$0x1] =	stream.linear.gather [hbm4b:s25+s5], $0x400, $0x38;
	[tilespmem:$0xEC00] =	vst v63  }
0x61: {  	_ =	swait.ge [sflag:s15], $0x400  }
0x62: {  	[sflag:s15] =	ssyncset.done $0x0  }
0x63: {  	[sflag:s15] =	ssyncadd.s32 $0xFFFFFC00  }
0x64: {  	[tilespmem:s17], [sflag:$0x2] =	stream.indirect.gather [hbm4b:s6+s16], $0x10, s5, s16, $0xb8;
	[tilespmem:$0xEC00] =	vst v63  }
0x65: {  	_ = 	snop  }
0x66: {  	[tilespmem:s18], [sflag:$0x3] =	stream.indirect.gather [hbm4b:s6+s16], $0x10, s16, s16, $0xb8;
	[tilespmem:$0xEC00] =	vst v63  }
0x67: {  	_ =	swait.ge [sflag:s19], $0x1000  }
0x68: {  	[sflag:s19] =	ssyncset.done $0x0  }
0x69: {  	[sflag:s19] =	ssyncadd.s32 $0xFFFFF000  }
0x6a: {  	[spmem:s4] =	stream.indirect.scatter.add.f32 [tilespmem:s17], [sflag:$0x4], $0x10, s20, s16, $0xb8;
	[tilespmem:$0xEC00] =	vst v63  }
0x6b: {  	_ =	swait.ge [sflag:s21], $0x1000  }
0x6c: {  	[sflag:s21] =	ssyncset.done $0x0  }
0x6d: {  	[sflag:s21] =	ssyncadd.s32 $0xFFFFF000  }
0x6e: {  	[spmem:s4] =	stream.indirect.scatter.add.f32 [tilespmem:s18], [sflag:$0x4], $0x10, s22, s16, $0xb8;
	[tilespmem:$0xEC00] =	vst v63  }
0x6f: {  	_ =	swait.ge [sflag:s23], $0x1000  }
0x70: {  	[sflag:s23] =	ssyncset.done $0x0  }
0x71: {  	[sflag:s23] =	ssyncadd.s32 $0xFFFFF000  }
0x72: {  	_ =	swait.ge [sflag:s23], $0x1000  }
0x73: {  	s25 =	simm.s32 $0x80;
	s26 =	simm.s32 $0x100;
	[sflag:s23] =	ssyncset.done $0x0  }
.LBB2_3:
0x74: {  	s28 =	sadd.s32 s25, s12  }
0x75: {  	[sflag:s23] =	ssyncadd.s32 $0xFFFFF000;
	s25 =	smov.u32 s26;
	s29 =	sadd.s32 $0x80, s26  }
0x76: {  	[tilespmem:s5], [sflag:$0x1] =	stream.linear.gather [hbm4b:s28+s5], $0x400, $0x38;
	[tilespmem:$0xEC00] =	vst v63  }
0x77: {  	p1 =	seq.s32 s26, $0x3080;
	_ =	swait.ge [sflag:s15], $0x400  }
0x78: {  	[sflag:s15] =	ssyncset.done $0x0  }
0x79: {  	[sflag:s15] =	ssyncadd.s32 $0xFFFFFC00  }
0x7a: {  	[tilespmem:s17], [sflag:$0x2] =	stream.indirect.gather [hbm4b:s6+s16], $0x10, s5, s16, $0xb8;
	[tilespmem:$0xEC00] =	vst v63  }
0x7b: {  	_ = 	snop  }
0x7c: {  	[tilespmem:s18], [sflag:$0x3] =	stream.indirect.gather [hbm4b:s6+s16], $0x10, s16, s16, $0xb8;
	[tilespmem:$0xEC00] =	vst v63  }
0x7d: {  	_ =	swait.ge [sflag:s19], $0x1000  }
0x7e: {  	[sflag:s19] =	ssyncset.done $0x0  }
0x7f: {  	[sflag:s19] =	ssyncadd.s32 $0xFFFFF000  }
0x80: {  	[spmem:s4] =	stream.indirect.scatter.add.f32 [tilespmem:s17], [sflag:$0x4], $0x10, s20, s16, $0xb8;
	[tilespmem:$0xEC00] =	vst v63  }
0x81: {  	_ =	swait.ge [sflag:s21], $0x1000  }
0x82: {  	[sflag:s21] =	ssyncset.done $0x0  }
0x83: {  	[sflag:s21] =	ssyncadd.s32 $0xFFFFF000  }
0x84: {  	[spmem:s4] =	stream.indirect.scatter.add.f32 [tilespmem:s18], [sflag:$0x4], $0x10, s22, s16, $0xb8;
	[tilespmem:$0xEC00] =	vst v63  }
.Ltmp5:
0x85: {  	_ =	swait.ge [sflag:s23], $0x1000;
	(pc) =	sbr.rel @!p1 .LBB2_3-.Ltmp5, $4  }
0x86: {  	[sflag:s23] =	ssyncset.done $0x0  }
0x87: {  	[sflag:s23] =	ssyncadd.s32 $0xFFFFF000  }
0x88: {  	_ =	swait.ge [sflag:s23], $0x1000  }
0x89: {  	s26 =	smov.u32 s29;
	[sflag:s23] =	ssyncset.done $0x0  }
0x8a: {  	s25 =	sadd.s32 s25, s12;
	[sflag:s23] =	ssyncadd.s32 $0xFFFFF000  }
0x8b: {  	[tilespmem:s5], [sflag:$0x1] =	stream.linear.gather [hbm4b:s25+s5], $0x400, $0x38;
	[tilespmem:$0xEC00] =	vst v63  }
0x8c: {  	_ =	swait.ge [sflag:s15], $0x400  }
0x8d: {  	[sflag:s15] =	ssyncset.done $0x0  }
0x8e: {  	[sflag:s15] =	ssyncadd.s32 $0xFFFFFC00  }
0x8f: {  	[tilespmem:s17], [sflag:$0x2] =	stream.indirect.gather [hbm4b:s6+s16], $0x10, s5, s16, $0xb8;
	[tilespmem:$0xEC00] =	vst v63  }
0x90: {  	_ = 	snop  }
0x91: {  	[tilespmem:s18], [sflag:$0x3] =	stream.indirect.gather [hbm4b:s6+s16], $0x10, s16, s16, $0xb8;
	[tilespmem:$0xEC00] =	vst v63  }
0x92: {  	_ =	swait.ge [sflag:s19], $0x1000  }
0x93: {  	[sflag:s19] =	ssyncset.done $0x0  }
0x94: {  	[sflag:s19] =	ssyncadd.s32 $0xFFFFF000  }
0x95: {  	[spmem:s4] =	stream.indirect.scatter.add.f32 [tilespmem:s17], [sflag:$0x4], $0x10, s20, s16, $0xb8;
	[tilespmem:$0xEC00] =	vst v63  }
0x96: {  	_ =	swait.ge [sflag:s21], $0x1000  }
0x97: {  	[sflag:s21] =	ssyncset.done $0x0  }
0x98: {  	[sflag:s21] =	ssyncadd.s32 $0xFFFFF000  }
0x99: {  	[spmem:s4] =	stream.indirect.scatter.add.f32 [tilespmem:s18], [sflag:$0x4], $0x10, s22, s16, $0xb8;
	[tilespmem:$0xEC00] =	vst v63  }
0x9a: {  	_ =	swait.ge [sflag:s23], $0x1000  }
.Ltmp6:
0x9b: {  	[sflag:s23] =	ssyncset.done $0x0;
	(pc) =	sbr.rel .LBB2_8-.Ltmp6, $4  }
0x9c: {  	[sflag:s23] =	ssyncadd.s32 $0xFFFFF000  }
0x9d: {  	_ =	swait.ge [sflag:s23], $0x1000  }
0x9e: {  	[sflag:s23] =	ssyncset.done $0x0  }
0x9f: {  	s25 =	smov.u32 s2;
	[sflag:s23] =	ssyncadd.s32 $0xFFFFF000  }
.LBB2_9:
0xa0: {  	_ =	sfence.sel $0x180000  }
0xa1: {  	[bflag:$0x0] =	sbarrier.arrive $0xFFFF  }
0xa2: {  	p0 =	sne.s32 s3, $0x0;
	_ =	strace $0x90000053  }
0xa3: {  	s0 =	sadd.s32 @!p0 $0x100000, s0;
	[bflag:$0x2] =	sbarrier.arrive $0xFFFF  }
0xa4: {  	[sflag:s0] =	ssyncadd.tile.s32 @!p0 $0x1;
	_ =	shalt  }
.Lfunc_end2:
_tile_overlayer_lowered:
.L_overlay_start_2:
0xa5: {  	(tag) =	ssettag $0x2  }
0xa6: {  	s0 =	rddreg [dreg:$0x0];
	s2 =	stileid.u32  }
0xa7: {  	s1 =	rddreg [dreg:$0x1];
	p0 =	sne.s32 s2, $0x0  }
0xa8: {  	s3 =	rddreg [dreg:$0x2];
	[bflag:$0x3] =	sbarrier.arrive $0xFFFF;
	s2 =	simm.s32 @!p0 $0x1C05  }
0xa9: {  	[timem:s3], [sflag:s2] =	dma.local @!p0 [hbm:s0], s1  }
0xaa: {  	s0 =	simm.s32 @!p0 $0x5  }
0xab: {  	_ =	swait.ge @!p0 [sflag:s0], s1  }
0xac: {  	s1 =	ssub.s32 @!p0 $0x0, s1;
	[sflag:s0] =	ssyncset.done @!p0 $0x0  }
0xad: {  	[sflag:s0] =	ssyncadd.s32 @!p0 s1  }
0xae: {  	[bflag:$0x3] =	sbarrier.arrive $0xFFFF  }
0xaf: {  	_ =	shalt  }

</sc_bundles>
